<compile_context>
chip_gen: v7x
topology: tpu7x:2x2x1
jax: 0.10.2.dev20260603
libtpu: 0.0.44.dev20260713+nightly
codegen_flags: <defaults>
</compile_context>

<pallas_src>
import functools

import jax
import jax.numpy as jnp
from jax import lax
from jax.experimental import pallas as pl
from jax.experimental.pallas import tpu as pltpu
from jax.experimental.pallas import tpu_sc as plsc

NC = 2
NS = 16
NW = NC * NS

CHUNK = 512


def _sc_gather(idx_flat, table, total, bsz, b_per_w, nchunk, chunk):
    d = table.shape[1]
    half = bsz // 2
    mesh = plsc.VectorSubcoreMesh(core_axis_name="c", subcore_axis_name="s")

    @functools.partial(
        pl.kernel,
        mesh=mesh,
        compiler_params=pltpu.CompilerParams(use_tc_tiling_on_sc=False),
        out_type=jax.ShapeDtypeStruct((total // 2, 2 * d), jnp.float32),
        scratch_types=[
            pltpu.VMEM((chunk,), jnp.int32),
            pltpu.VMEM((chunk,), jnp.int32),
            pltpu.VMEM((chunk, d), jnp.float32),
            pltpu.VMEM((chunk, d), jnp.float32),
            pltpu.SemaphoreType.DMA,
            pltpu.SemaphoreType.DMA,
        ],
    )
    def gather_kernel(idx_hbm, table_hbm, out_hbm, idx0, idx1, buf0, buf1, sem0, sem1):
        wid = lax.axis_index("s") * NC + lax.axis_index("c")
        base = wid * b_per_w
        idxs = (idx0, idx1)
        bufs = (buf0, buf1)
        sems = (sem0, sem1)

        def start(j, s):
            p = base + j * chunk
            li = p // bsz
            pltpu.sync_copy(idx_hbm.at[li, pl.ds(p - li * bsz, chunk)], idxs[s])
            return pltpu.async_copy(table_hbm.at[idxs[s]], bufs[s], sems[s])

        cps = [start(0, 0), None]
        for j in range(nchunk):
            s = j & 1
            if j + 1 < nchunk:
                cps[(j + 1) & 1] = start(j + 1, (j + 1) & 1)
            cps[s].wait()
            p0 = base + j * chunk
            l = p0 // bsz
            off = p0 - l * bsz
            hi = off // half
            row0 = l * half + off - hi * half
            pltpu.sync_copy(
                bufs[s], out_hbm.at[pl.ds(row0, chunk), pl.ds(hi * d, d)]
            )

    return gather_kernel(idx_flat, table)


def _tc_linearize_idx(xt, L, B, blk, h):
    log2h = h.bit_length() - 1

    def body(x_ref, o_ref):
        v = x_ref[...].reshape(L * B // 128, 128)
        o_ref[...] = (v & ~(blk - 1)) | ((v & (h - 1)) << 1) | ((v >> log2h) & 1)

    return pl.pallas_call(
        body,
        out_shape=jax.ShapeDtypeStruct((L * B // 128, 128), jnp.int32),
    )(xt)


def _tc_build_p(tableT, W, b1, V, d, blk):
    h = blk // 2
    nblk = -(-V // blk)

    def body(t_ref, w_ref, b_ref, o_ref):
        w = w_ref[...].astype(jnp.bfloat16)
        bias = b_ref[...]
        t = t_ref[...].astype(jnp.bfloat16)
        e1 = lax.dot_general(
            t[:, :h], w, (((0,), (1,)), ((), ())),
            preferred_element_type=jnp.float32,
        )
        o_ref[:, :d] = e1 + bias
        e2 = lax.dot_general(
            t[:, h:], w, (((0,), (1,)), ((), ())),
            preferred_element_type=jnp.float32,
        )
        o_ref[:, d:] = e2 + bias

    return pl.pallas_call(
        body,
        grid=(nblk,),
        in_specs=[
            pl.BlockSpec((d, blk), lambda i: (0, i)),
            pl.BlockSpec((d, d), lambda i: (0, 0)),
            pl.BlockSpec((1, d), lambda i: (0, 0)),
        ],
        out_specs=pl.BlockSpec((h, 2 * d), lambda i: (i, 0)),
        out_shape=jax.ShapeDtypeStruct((nblk * h, 2 * d), jnp.float32),
    )(tableT, W, b1)


def _tc_linear_t(g128, W, b2, L, B):
    half = B // 2
    bk = 512
    npc = half // bk

    def body(g_ref, w_ref, b_ref, o_ref):
        w = w_ref[...]
        bias = b_ref[...]
        for j in range(npc):
            blk = g_ref[pl.ds(j * bk, bk), :]
            e = lax.dot_general(
                w, blk[:, :64], (((1,), (1,)), ((), ())),
                preferred_element_type=jnp.float32,
            )
            o_ref[0, :, pl.ds(j * bk, bk)] = e + bias
            o = lax.dot_general(
                w, blk[:, 64:], (((1,), (1,)), ((), ())),
                preferred_element_type=jnp.float32,
            )
            o_ref[0, :, pl.ds(half + j * bk, bk)] = o + bias

    return pl.pallas_call(
        body,
        grid=(L,),
        in_specs=[
            pl.BlockSpec((half, 128), lambda i: (i, 0)),
            pl.BlockSpec((64, 64), lambda i: (0, 0)),
            pl.BlockSpec((64, 1), lambda i: (0, 0)),
        ],
        out_specs=pl.BlockSpec((1, 64, B), lambda i: (i, 0, 0)),
        out_shape=jax.ShapeDtypeStruct((L, 64, B), jnp.float32),
    )(g128, W, b2)


def kernel(x, embed_table, W, b):
    bsz, hist = x.shape
    d = embed_table.shape[1]
    total = bsz * hist

    b_per_w = total // NW
    chunk = CHUNK
    nchunk = b_per_w // chunk
    assert b_per_w % chunk == 0 and total % NW == 0 and bsz % 2 == 0
    assert (bsz // 2) % chunk == 0 and bsz % 128 == 0

    V = embed_table.shape[0]
    blk = 8192
    h2 = blk // 2
    nblk = -(-V // blk)
    assert (h2 & (h2 - 1)) == 0

    p = _tc_build_p(embed_table.T, W, b.reshape(1, d), V, d, blk)
    p2 = p.reshape(nblk * blk, d)

    idx_lin = _tc_linearize_idx(x.astype(jnp.int32).T, hist, bsz, blk, h2)
    idx2 = idx_lin.reshape(hist, bsz)
    g128 = _sc_gather(idx2, p2, total, bsz, b_per_w, nchunk, chunk)

    eye = jnp.eye(d, dtype=jnp.float32)
    out_t = _tc_linear_t(g128, eye, jnp.zeros((d, 1), jnp.float32), hist, bsz)
    return jnp.transpose(out_t, (2, 0, 1))

# --- scband reference (transcript-rebuilt; emitter-appended) ---
"""Pipeline reference for scband-encoder-48266842472482 (READ-ONLY COPY).

The authoritative reference and input builder live on the scoring server;
editing this copy changes nothing except your own understanding.
"""

import jax, jax.numpy as jnp
import numpy as np

VOCAB = 1000000
D_MODEL = 64
BATCH = 16384
HIST = 20

def setup_inputs(seed: int = 0) -> dict:
    key = jax.random.key(seed)
    k1, k2, k3, k4 = jax.random.split(key, 4)
    x = jax.random.randint(k1, (BATCH, HIST), 0, VOCAB, dtype=jnp.int64 if jax.config.jax_enable_x64 else jnp.int32)
    embed_table = jax.random.normal(k2, (VOCAB, D_MODEL), dtype=jnp.float32) * 0.02
    W = jax.random.normal(k3, (D_MODEL, D_MODEL), dtype=jnp.float32) * (1.0 / np.sqrt(D_MODEL))
    b = jax.random.normal(k4, (D_MODEL,), dtype=jnp.float32) * 0.01
    return {"x": x, "embed_table": embed_table, "W": W, "b": b}

def reference(x, embed_table, W, b):
    # nn.Embedding: gather rows from table
    emb = jnp.take(embed_table, x, axis=0)  # [B, L, d_model]
    # nn.Linear: emb @ W.T + b  (torch Linear stores weight as [out, in])
    out = jnp.einsum('bld,od->blo', emb, W) + b
    return out

if __name__ == "__main__":
    import jax
    _d = setup_inputs()
    print(jax.jit(kernel)(*tuple(_d.values())))

</pallas_src>

<mosaic_0001>
#map = affine_map<(d0, d1) -> (0, 0)>
module attributes {stable_mosaic.version = 14 : i64} {
  func.func @gather_kernel(%arg0: i32, %arg1: i32, %arg2: memref<20x16384xi32, #tpu.memory_space<hbm>>, %arg3: memref<1007616x64xf32, #tpu.memory_space<hbm>>, %arg4: memref<163840x128xf32, #tpu.memory_space<hbm>>, %arg5: memref<512xi32, #tpu.memory_space<vmem>>, %arg6: memref<512xi32, #tpu.memory_space<vmem>>, %arg7: memref<512x64xf32, #tpu.memory_space<vmem>>, %arg8: memref<512x64xf32, #tpu.memory_space<vmem>>, %arg9: memref<!tpu.dma_semaphore, #tpu.memory_space<semaphore_mem>>, %arg10: memref<!tpu.dma_semaphore, #tpu.memory_space<semaphore_mem>>) attributes {dimension_semantics = [#tpu.dimension_semantics<core_parallel>, #tpu.dimension_semantics<subcore_parallel>], iteration_bounds = array<i64: 2, 16>, scalar_prefetch = 0 : i64, scratch_operands = 6 : i64, tpu.core_type = #tpu.core_type<sc_vector_subcore>, window_params = [{transform_indices = #map}, {transform_indices = #map}, {transform_indices = #map}]} {
    %mul3A = arith.constant 2 : i32
    %mul3A_0 = arith.muli %arg1, %mul3A : i32
    %add3A = arith.addi %mul3A_0, %arg0 : i32
    %mul3A_1 = arith.constant 10240 : i32
    %mul3A_2 = arith.muli %add3A, %mul3A_1 : i32
    %add3A_3 = arith.constant 0 : i32
    %add3A_4 = arith.addi %mul3A_2, %add3A_3 : i32
    %jit3A = arith.constant 16384 : i32
    %div3A = arith.divsi %add3A_4, %jit3A : i32
    %sign3A = arith.constant 0 : i32
    %sign3A_5 = arith.cmpi sgt, %add3A_4, %sign3A : i32
    %sign3A_6 = arith.extui %sign3A_5 : i1 to i32
    %sign3A_7 = arith.constant 0 : i32
    %sign3A_8 = arith.cmpi slt, %add3A_4, %sign3A_7 : i32
    %sign3A_9 = arith.extui %sign3A_8 : i1 to i32
    %sign3A_10 = arith.subi %sign3A_6, %sign3A_9 : i32
    %sign3A_11 = arith.constant 0 : i32
    %sign3A_12 = arith.cmpi sgt, %jit3A, %sign3A_11 : i32
    %sign3A_13 = arith.extui %sign3A_12 : i1 to i32
    %sign3A_14 = arith.constant 0 : i32
    %sign3A_15 = arith.cmpi slt, %jit3A, %sign3A_14 : i32
    %sign3A_16 = arith.extui %sign3A_15 : i1 to i32
    %sign3A_17 = arith.subi %sign3A_13, %sign3A_16 : i32
    %ne3A = arith.cmpi ne, %sign3A_10, %sign3A_17 : i32
    %rem3A = arith.remsi %add3A_4, %jit3A : i32
    %ne3A_18 = arith.constant 0 : i32
    %ne3A_19 = arith.cmpi ne, %rem3A, %ne3A_18 : i32
    %and3A = arith.andi %ne3A, %ne3A_19 : i1
    %sub3A = arith.constant 1 : i32
    %sub3A_20 = arith.subi %div3A, %sub3A : i32
    %select_n3A = arith.select %and3A, %sub3A_20, %div3A : i32
    %mul3A_21 = arith.constant 16384 : i32
    %mul3A_22 = arith.muli %select_n3A, %mul3A_21 : i32
    %sub3A_23 = arith.subi %add3A_4, %mul3A_22 : i32
    "tpu.region"() ({
      %run_scoped3A = tpu.sem_alloc : memref<!tpu.dma_semaphore, #tpu.memory_space<semaphore_mem>>
      %dma_start3A_1913 = tpu.memref_slice %arg2[%select_n3A, %sub3A_23] : memref<20x16384xi32, #tpu.memory_space<hbm>> -> memref<1x512xi32, #tpu.memory_space<hbm>>
      %dma_start3A_1914 = tpu.memref_squeeze %dma_start3A_1913 : memref<1x512xi32, #tpu.memory_space<hbm>> -> memref<512xi32, #tpu.memory_space<hbm>>
      %dma_start3A_1915 = tpu.memref_slice %arg2[%select_n3A, %sub3A_23] : memref<20x16384xi32, #tpu.memory_space<hbm>> -> memref<1x512xi32, #tpu.memory_space<hbm>>
      %dma_start3A_1916 = tpu.memref_squeeze %dma_start3A_1915 : memref<1x512xi32, #tpu.memory_space<hbm>> -> memref<512xi32, #tpu.memory_space<hbm>>
      tpu.enqueue_dma source(%dma_start3A_1916 : memref<512xi32, #tpu.memory_space<hbm>>) target(%arg5 : memref<512xi32, #tpu.memory_space<vmem>>) target_semaphore(%run_scoped3A : memref<!tpu.dma_semaphore, #tpu.memory_space<semaphore_mem>>)
      %dma_wait3A_1917 = tpu.memref_slice %arg2[%select_n3A, %sub3A_23] : memref<20x16384xi32, #tpu.memory_space<hbm>> -> memref<1x512xi32, #tpu.memory_space<hbm>>
      %dma_wait3A_1918 = tpu.memref_squeeze %dma_wait3A_1917 : memref<1x512xi32, #tpu.memory_space<hbm>> -> memref<512xi32, #tpu.memory_space<hbm>>
      %dma_wait3A_1919 = tpu.memref_slice %arg2[%select_n3A, %sub3A_23] : memref<20x16384xi32, #tpu.memory_space<hbm>> -> memref<1x512xi32, #tpu.memory_space<hbm>>
      %dma_wait3A_1920 = tpu.memref_squeeze %dma_wait3A_1919 : memref<1x512xi32, #tpu.memory_space<hbm>> -> memref<512xi32, #tpu.memory_space<hbm>>
      tpu.wait_dma2 semaphore(%run_scoped3A : memref<!tpu.dma_semaphore, #tpu.memory_space<semaphore_mem>>) src(%dma_wait3A_1920 : memref<512xi32, #tpu.memory_space<hbm>>) dst(%arg5 : memref<512xi32, #tpu.memory_space<vmem>>)
      tpu.yield
    }) : () -> ()
    %dma_start3A = arith.constant 0 : i32
    %dma_start3A_24 = arith.constant 0 : i32
    %dma_start3A_25 = tpu.memref_slice %arg3[%dma_start3A, %dma_start3A_24] : memref<1007616x64xf32, #tpu.memory_space<hbm>> -> memref<1007616x64xf32, #tpu.memory_space<hbm>>
    tpu.enqueue_indirect_dma source(%dma_start3A_25 : memref<1007616x64xf32, #tpu.memory_space<hbm>>) target(%arg7 : memref<512x64xf32, #tpu.memory_space<vmem>>) offsets(%arg5 : memref<512xi32, #tpu.memory_space<vmem>>) semaphore(%arg9 : memref<!tpu.dma_semaphore, #tpu.memory_space<semaphore_mem>>)
    %add3A_26 = arith.constant 512 : i32
    %add3A_27 = arith.addi %mul3A_2, %add3A_26 : i32
    %jit3A_28 = arith.constant 16384 : i32
    %div3A_29 = arith.divsi %add3A_27, %jit3A_28 : i32
    %sign3A_30 = arith.constant 0 : i32
    %sign3A_31 = arith.cmpi sgt, %add3A_27, %sign3A_30 : i32
    %sign3A_32 = arith.extui %sign3A_31 : i1 to i32
    %sign3A_33 = arith.constant 0 : i32
    %sign3A_34 = arith.cmpi slt, %add3A_27, %sign3A_33 : i32
    %sign3A_35 = arith.extui %sign3A_34 : i1 to i32
    %sign3A_36 = arith.subi %sign3A_32, %sign3A_35 : i32
    %sign3A_37 = arith.constant 0 : i32
    %sign3A_38 = arith.cmpi sgt, %jit3A_28, %sign3A_37 : i32
    %sign3A_39 = arith.extui %sign3A_38 : i1 to i32
    %sign3A_40 = arith.constant 0 : i32
    %sign3A_41 = arith.cmpi slt, %jit3A_28, %sign3A_40 : i32
    %sign3A_42 = arith.extui %sign3A_41 : i1 to i32
    %sign3A_43 = arith.subi %sign3A_39, %sign3A_42 : i32
    %ne3A_44 = arith.cmpi ne, %sign3A_36, %sign3A_43 : i32
    %rem3A_45 = arith.remsi %add3A_27, %jit3A_28 : i32
    %ne3A_46 = arith.constant 0 : i32
    %ne3A_47 = arith.cmpi ne, %rem3A_45, %ne3A_46 : i32
    %and3A_48 = arith.andi %ne3A_44, %ne3A_47 : i1
    %sub3A_49 = arith.constant 1 : i32
    %sub3A_50 = arith.subi %div3A_29, %sub3A_49 : i32
    %select_n3A_51 = arith.select %and3A_48, %sub3A_50, %div3A_29 : i32
    %mul3A_52 = arith.constant 16384 : i32
    %mul3A_53 = arith.muli %select_n3A_51, %mul3A_52 : i32
    %sub3A_54 = arith.subi %add3A_27, %mul3A_53 : i32
    "tpu.region"() ({
      %run_scoped3A = tpu.sem_alloc : memref<!tpu.dma_semaphore, #tpu.memory_space<semaphore_mem>>
      %dma_start3A_1913 = tpu.memref_slice %arg2[%select_n3A_51, %sub3A_54] : memref<20x16384xi32, #tpu.memory_space<hbm>> -> memref<1x512xi32, #tpu.memory_space<hbm>>
      %dma_start3A_1914 = tpu.memref_squeeze %dma_start3A_1913 : memref<1x512xi32, #tpu.memory_space<hbm>> -> memref<512xi32, #tpu.memory_space<hbm>>
      %dma_start3A_1915 = tpu.memref_slice %arg2[%select_n3A_51, %sub3A_54] : memref<20x16384xi32, #tpu.memory_space<hbm>> -> memref<1x512xi32, #tpu.memory_space<hbm>>
      %dma_start3A_1916 = tpu.memref_squeeze %dma_start3A_1915 : memref<1x512xi32, #tpu.memory_space<hbm>> -> memref<512xi32, #tpu.memory_space<hbm>>
      tpu.enqueue_dma source(%dma_start3A_1916 : memref<512xi32, #tpu.memory_space<hbm>>) target(%arg6 : memref<512xi32, #tpu.memory_space<vmem>>) target_semaphore(%run_scoped3A : memref<!tpu.dma_semaphore, #tpu.memory_space<semaphore_mem>>)
      %dma_wait3A_1917 = tpu.memref_slice %arg2[%select_n3A_51, %sub3A_54] : memref<20x16384xi32, #tpu.memory_space<hbm>> -> memref<1x512xi32, #tpu.memory_space<hbm>>
      %dma_wait3A_1918 = tpu.memref_squeeze %dma_wait3A_1917 : memref<1x512xi32, #tpu.memory_space<hbm>> -> memref<512xi32, #tpu.memory_space<hbm>>
      %dma_wait3A_1919 = tpu.memref_slice %arg2[%select_n3A_51, %sub3A_54] : memref<20x16384xi32, #tpu.memory_space<hbm>> -> memref<1x512xi32, #tpu.memory_space<hbm>>
      %dma_wait3A_1920 = tpu.memref_squeeze %dma_wait3A_1919 : memref<1x512xi32, #tpu.memory_space<hbm>> -> memref<512xi32, #tpu.memory_space<hbm>>
      tpu.wait_dma2 semaphore(%run_scoped3A : memref<!tpu.dma_semaphore, #tpu.memory_space<semaphore_mem>>) src(%dma_wait3A_1920 : memref<512xi32, #tpu.memory_space<hbm>>) dst(%arg6 : memref<512xi32, #tpu.memory_space<vmem>>)
      tpu.yield
    }) : () -> ()
    %dma_start3A_55 = arith.constant 0 : i32
    %dma_start3A_56 = arith.constant 0 : i32
    %dma_start3A_57 = tpu.memref_slice %arg3[%dma_start3A_55, %dma_start3A_56] : memref<1007616x64xf32, #tpu.memory_space<hbm>> -> memref<1007616x64xf32, #tpu.memory_space<hbm>>
    tpu.enqueue_indirect_dma source(%dma_start3A_57 : memref<1007616x64xf32, #tpu.memory_space<hbm>>) target(%arg8 : memref<512x64xf32, #tpu.memory_space<vmem>>) offsets(%arg6 : memref<512xi32, #tpu.memory_space<vmem>>) semaphore(%arg10 : memref<!tpu.dma_semaphore, #tpu.memory_space<semaphore_mem>>)
    %dma_wait3A = arith.constant 0 : i32
    %dma_wait3A_58 = arith.constant 0 : i32
    %dma_wait3A_59 = tpu.memref_slice %arg3[%dma_wait3A, %dma_wait3A_58] : memref<1007616x64xf32, #tpu.memory_space<hbm>> -> memref<1007616x64xf32, #tpu.memory_space<hbm>>
    tpu.wait_indirect_dma semaphore(%arg9 : memref<!tpu.dma_semaphore, #tpu.memory_space<semaphore_mem>>) src(%dma_wait3A_59 : memref<1007616x64xf32, #tpu.memory_space<hbm>>) dst(%arg7 : memref<512x64xf32, #tpu.memory_space<vmem>>)
    %add3A_60 = arith.constant 0 : i32
    %add3A_61 = arith.addi %mul3A_2, %add3A_60 : i32
    %jit3A_62 = arith.constant 16384 : i32
    %div3A_63 = arith.divsi %add3A_61, %jit3A_62 : i32
    %sign3A_64 = arith.constant 0 : i32
    %sign3A_65 = arith.cmpi sgt, %add3A_61, %sign3A_64 : i32
    %sign3A_66 = arith.extui %sign3A_65 : i1 to i32
    %sign3A_67 = arith.constant 0 : i32
    %sign3A_68 = arith.cmpi slt, %add3A_61, %sign3A_67 : i32
    %sign3A_69 = arith.extui %sign3A_68 : i1 to i32
    %sign3A_70 = arith.subi %sign3A_66, %sign3A_69 : i32
    %sign3A_71 = arith.constant 0 : i32
    %sign3A_72 = arith.cmpi sgt, %jit3A_62, %sign3A_71 : i32
    %sign3A_73 = arith.extui %sign3A_72 : i1 to i32
    %sign3A_74 = arith.constant 0 : i32
    %sign3A_75 = arith.cmpi slt, %jit3A_62, %sign3A_74 : i32
    %sign3A_76 = arith.extui %sign3A_75 : i1 to i32
    %sign3A_77 = arith.subi %sign3A_73, %sign3A_76 : i32
    %ne3A_78 = arith.cmpi ne, %sign3A_70, %sign3A_77 : i32
    %rem3A_79 = arith.remsi %add3A_61, %jit3A_62 : i32
    %ne3A_80 = arith.constant 0 : i32
    %ne3A_81 = arith.cmpi ne, %rem3A_79, %ne3A_80 : i32
    %and3A_82 = arith.andi %ne3A_78, %ne3A_81 : i1
    %sub3A_83 = arith.constant 1 : i32
    %sub3A_84 = arith.subi %div3A_63, %sub3A_83 : i32
    %select_n3A_85 = arith.select %and3A_82, %sub3A_84, %div3A_63 : i32
    %mul3A_86 = arith.constant 16384 : i32
    %mul3A_87 = arith.muli %select_n3A_85, %mul3A_86 : i32
    %sub3A_88 = arith.subi %add3A_61, %mul3A_87 : i32
    %jit3A_89 = arith.constant 8192 : i32
    %div3A_90 = arith.divsi %sub3A_88, %jit3A_89 : i32
    %sign3A_91 = arith.constant 0 : i32
    %sign3A_92 = arith.cmpi sgt, %sub3A_88, %sign3A_91 : i32
    %sign3A_93 = arith.extui %sign3A_92 : i1 to i32
    %sign3A_94 = arith.constant 0 : i32
    %sign3A_95 = arith.cmpi slt, %sub3A_88, %sign3A_94 : i32
    %sign3A_96 = arith.extui %sign3A_95 : i1 to i32
    %sign3A_97 = arith.subi %sign3A_93, %sign3A_96 : i32
    %sign3A_98 = arith.constant 0 : i32
    %sign3A_99 = arith.cmpi sgt, %jit3A_89, %sign3A_98 : i32
    %sign3A_100 = arith.extui %sign3A_99 : i1 to i32
    %sign3A_101 = arith.constant 0 : i32
    %sign3A_102 = arith.cmpi slt, %jit3A_89, %sign3A_101 : i32
    %sign3A_103 = arith.extui %sign3A_102 : i1 to i32
    %sign3A_104 = arith.subi %sign3A_100, %sign3A_103 : i32
    %ne3A_105 = arith.cmpi ne, %sign3A_97, %sign3A_104 : i32
    %rem3A_106 = arith.remsi %sub3A_88, %jit3A_89 : i32
    %ne3A_107 = arith.constant 0 : i32
    %ne3A_108 = arith.cmpi ne, %rem3A_106, %ne3A_107 : i32
    %and3A_109 = arith.andi %ne3A_105, %ne3A_108 : i1
    %sub3A_110 = arith.constant 1 : i32
    %sub3A_111 = arith.subi %div3A_90, %sub3A_110 : i32
    %select_n3A_112 = arith.select %and3A_109, %sub3A_111, %div3A_90 : i32
    %mul3A_113 = arith.constant 8192 : i32
    %mul3A_114 = arith.muli %select_n3A_85, %mul3A_113 : i32
    %add3A_115 = arith.addi %mul3A_114, %sub3A_88 : i32
    %mul3A_116 = arith.constant 8192 : i32
    %mul3A_117 = arith.muli %select_n3A_112, %mul3A_116 : i32
    %sub3A_118 = arith.subi %add3A_115, %mul3A_117 : i32
    %mul3A_119 = arith.constant 64 : i32
    %mul3A_120 = arith.muli %select_n3A_112, %mul3A_119 : i32
    "tpu.region"() ({
      %run_scoped3A = tpu.sem_alloc : memref<!tpu.dma_semaphore, #tpu.memory_space<semaphore_mem>>
      %dma_start3A_1913 = tpu.memref_slice %arg4[%sub3A_118, %mul3A_120] : memref<163840x128xf32, #tpu.memory_space<hbm>> -> memref<512x64xf32, #tpu.memory_space<hbm>>
      %dma_start3A_1914 = tpu.memref_slice %arg4[%sub3A_118, %mul3A_120] : memref<163840x128xf32, #tpu.memory_space<hbm>> -> memref<512x64xf32, #tpu.memory_space<hbm>>
      tpu.enqueue_dma source(%arg7 : memref<512x64xf32, #tpu.memory_space<vmem>>) target(%dma_start3A_1914 : memref<512x64xf32, #tpu.memory_space<hbm>>) target_semaphore(%run_scoped3A : memref<!tpu.dma_semaphore, #tpu.memory_space<semaphore_mem>>)
      %dma_wait3A_1915 = tpu.memref_slice %arg4[%sub3A_118, %mul3A_120] : memref<163840x128xf32, #tpu.memory_space<hbm>> -> memref<512x64xf32, #tpu.memory_space<hbm>>
      %dma_wait3A_1916 = tpu.memref_slice %arg4[%sub3A_118, %mul3A_120] : memref<163840x128xf32, #tpu.memory_space<hbm>> -> memref<512x64xf32, #tpu.memory_space<hbm>>
      tpu.wait_dma2 semaphore(%run_scoped3A : memref<!tpu.dma_semaphore, #tpu.memory_space<semaphore_mem>>) src(%arg7 : memref<512x64xf32, #tpu.memory_space<vmem>>) dst(%dma_wait3A_1916 : memref<512x64xf32, #tpu.memory_space<hbm>>)
      tpu.yield
    }) : () -> ()
    %add3A_121 = arith.constant 1024 : i32
    %add3A_122 = arith.addi %mul3A_2, %add3A_121 : i32
    %jit3A_123 = arith.constant 16384 : i32
    %div3A_124 = arith.divsi %add3A_122, %jit3A_123 : i32
    %sign3A_125 = arith.constant 0 : i32
    %sign3A_126 = arith.cmpi sgt, %add3A_122, %sign3A_125 : i32
    %sign3A_127 = arith.extui %sign3A_126 : i1 to i32
    %sign3A_128 = arith.constant 0 : i32
    %sign3A_129 = arith.cmpi slt, %add3A_122, %sign3A_128 : i32
    %sign3A_130 = arith.extui %sign3A_129 : i1 to i32
    %sign3A_131 = arith.subi %sign3A_127, %sign3A_130 : i32
    %sign3A_132 = arith.constant 0 : i32
    %sign3A_133 = arith.cmpi sgt, %jit3A_123, %sign3A_132 : i32
    %sign3A_134 = arith.extui %sign3A_133 : i1 to i32
    %sign3A_135 = arith.constant 0 : i32
    %sign3A_136 = arith.cmpi slt, %jit3A_123, %sign3A_135 : i32
    %sign3A_137 = arith.extui %sign3A_136 : i1 to i32
    %sign3A_138 = arith.subi %sign3A_134, %sign3A_137 : i32
    %ne3A_139 = arith.cmpi ne, %sign3A_131, %sign3A_138 : i32
    %rem3A_140 = arith.remsi %add3A_122, %jit3A_123 : i32
    %ne3A_141 = arith.constant 0 : i32
    %ne3A_142 = arith.cmpi ne, %rem3A_140, %ne3A_141 : i32
    %and3A_143 = arith.andi %ne3A_139, %ne3A_142 : i1
    %sub3A_144 = arith.constant 1 : i32
    %sub3A_145 = arith.subi %div3A_124, %sub3A_144 : i32
    %select_n3A_146 = arith.select %and3A_143, %sub3A_145, %div3A_124 : i32
    %mul3A_147 = arith.constant 16384 : i32
    %mul3A_148 = arith.muli %select_n3A_146, %mul3A_147 : i32
    %sub3A_149 = arith.subi %add3A_122, %mul3A_148 : i32
    "tpu.region"() ({
      %run_scoped3A = tpu.sem_alloc : memref<!tpu.dma_semaphore, #tpu.memory_space<semaphore_mem>>
      %dma_start3A_1913 = tpu.memref_slice %arg2[%select_n3A_146, %sub3A_149] : memref<20x16384xi32, #tpu.memory_space<hbm>> -> memref<1x512xi32, #tpu.memory_space<hbm>>
      %dma_start3A_1914 = tpu.memref_squeeze %dma_start3A_1913 : memref<1x512xi32, #tpu.memory_space<hbm>> -> memref<512xi32, #tpu.memory_space<hbm>>
      %dma_start3A_1915 = tpu.memref_slice %arg2[%select_n3A_146, %sub3A_149] : memref<20x16384xi32, #tpu.memory_space<hbm>> -> memref<1x512xi32, #tpu.memory_space<hbm>>
      %dma_start3A_1916 = tpu.memref_squeeze %dma_start3A_1915 : memref<1x512xi32, #tpu.memory_space<hbm>> -> memref<512xi32, #tpu.memory_space<hbm>>
      tpu.enqueue_dma source(%dma_start3A_1916 : memref<512xi32, #tpu.memory_space<hbm>>) target(%arg5 : memref<512xi32, #tpu.memory_space<vmem>>) target_semaphore(%run_scoped3A : memref<!tpu.dma_semaphore, #tpu.memory_space<semaphore_mem>>)
      %dma_wait3A_1917 = tpu.memref_slice %arg2[%select_n3A_146, %sub3A_149] : memref<20x16384xi32, #tpu.memory_space<hbm>> -> memref<1x512xi32, #tpu.memory_space<hbm>>
      %dma_wait3A_1918 = tpu.memref_squeeze %dma_wait3A_1917 : memref<1x512xi32, #tpu.memory_space<hbm>> -> memref<512xi32, #tpu.memory_space<hbm>>
      %dma_wait3A_1919 = tpu.memref_slice %arg2[%select_n3A_146, %sub3A_149] : memref<20x16384xi32, #tpu.memory_space<hbm>> -> memref<1x512xi32, #tpu.memory_space<hbm>>
      %dma_wait3A_1920 = tpu.memref_squeeze %dma_wait3A_1919 : memref<1x512xi32, #tpu.memory_space<hbm>> -> memref<512xi32, #tpu.memory_space<hbm>>
      tpu.wait_dma2 semaphore(%run_scoped3A : memref<!tpu.dma_semaphore, #tpu.memory_space<semaphore_mem>>) src(%dma_wait3A_1920 : memref<512xi32, #tpu.memory_space<hbm>>) dst(%arg5 : memref<512xi32, #tpu.memory_space<vmem>>)
      tpu.yield
    }) : () -> ()
    %dma_start3A_150 = arith.constant 0 : i32
    %dma_start3A_151 = arith.constant 0 : i32
    %dma_start3A_152 = tpu.memref_slice %arg3[%dma_start3A_150, %dma_start3A_151] : memref<1007616x64xf32, #tpu.memory_space<hbm>> -> memref<1007616x64xf32, #tpu.memory_space<hbm>>
    tpu.enqueue_indirect_dma source(%dma_start3A_152 : memref<1007616x64xf32, #tpu.memory_space<hbm>>) target(%arg7 : memref<512x64xf32, #tpu.memory_space<vmem>>) offsets(%arg5 : memref<512xi32, #tpu.memory_space<vmem>>) semaphore(%arg9 : memref<!tpu.dma_semaphore, #tpu.memory_space<semaphore_mem>>)
    %dma_wait3A_153 = arith.constant 0 : i32
    %dma_wait3A_154 = arith.constant 0 : i32
    %dma_wait3A_155 = tpu.memref_slice %arg3[%dma_wait3A_153, %dma_wait3A_154] : memref<1007616x64xf32, #tpu.memory_space<hbm>> -> memref<1007616x64xf32, #tpu.memory_space<hbm>>
    tpu.wait_indirect_dma semaphore(%arg10 : memref<!tpu.dma_semaphore, #tpu.memory_space<semaphore_mem>>) src(%dma_wait3A_155 : memref<1007616x64xf32, #tpu.memory_space<hbm>>) dst(%arg8 : memref<512x64xf32, #tpu.memory_space<vmem>>)
    %add3A_156 = arith.constant 512 : i32
    %add3A_157 = arith.addi %mul3A_2, %add3A_156 : i32
    %jit3A_158 = arith.constant 16384 : i32
    %div3A_159 = arith.divsi %add3A_157, %jit3A_158 : i32
    %sign3A_160 = arith.constant 0 : i32
    %sign3A_161 = arith.cmpi sgt, %add3A_157, %sign3A_160 : i32
    %sign3A_162 = arith.extui %sign3A_161 : i1 to i32
    %sign3A_163 = arith.constant 0 : i32
    %sign3A_164 = arith.cmpi slt, %add3A_157, %sign3A_163 : i32
    %sign3A_165 = arith.extui %sign3A_164 : i1 to i32
    %sign3A_166 = arith.subi %sign3A_162, %sign3A_165 : i32
    %sign3A_167 = arith.constant 0 : i32
    %sign3A_168 = arith.cmpi sgt, %jit3A_158, %sign3A_167 : i32
    %sign3A_169 = arith.extui %sign3A_168 : i1 to i32
    %sign3A_170 = arith.constant 0 : i32
    %sign3A_171 = arith.cmpi slt, %jit3A_158, %sign3A_170 : i32
    %sign3A_172 = arith.extui %sign3A_171 : i1 to i32
    %sign3A_173 = arith.subi %sign3A_169, %sign3A_172 : i32
    %ne3A_174 = arith.cmpi ne, %sign3A_166, %sign3A_173 : i32
    %rem3A_175 = arith.remsi %add3A_157, %jit3A_158 : i32
    %ne3A_176 = arith.constant 0 : i32
    %ne3A_177 = arith.cmpi ne, %rem3A_175, %ne3A_176 : i32
    %and3A_178 = arith.andi %ne3A_174, %ne3A_177 : i1
    %sub3A_179 = arith.constant 1 : i32
    %sub3A_180 = arith.subi %div3A_159, %sub3A_179 : i32
    %select_n3A_181 = arith.select %and3A_178, %sub3A_180, %div3A_159 : i32
    %mul3A_182 = arith.constant 16384 : i32
    %mul3A_183 = arith.muli %select_n3A_181, %mul3A_182 : i32
    %sub3A_184 = arith.subi %add3A_157, %mul3A_183 : i32
    %jit3A_185 = arith.constant 8192 : i32
    %div3A_186 = arith.divsi %sub3A_184, %jit3A_185 : i32
    %sign3A_187 = arith.constant 0 : i32
    %sign3A_188 = arith.cmpi sgt, %sub3A_184, %sign3A_187 : i32
    %sign3A_189 = arith.extui %sign3A_188 : i1 to i32
    %sign3A_190 = arith.constant 0 : i32
    %sign3A_191 = arith.cmpi slt, %sub3A_184, %sign3A_190 : i32
    %sign3A_192 = arith.extui %sign3A_191 : i1 to i32
    %sign3A_193 = arith.subi %sign3A_189, %sign3A_192 : i32
    %sign3A_194 = arith.constant 0 : i32
    %sign3A_195 = arith.cmpi sgt, %jit3A_185, %sign3A_194 : i32
    %sign3A_196 = arith.extui %sign3A_195 : i1 to i32
    %sign3A_197 = arith.constant 0 : i32
    %sign3A_198 = arith.cmpi slt, %jit3A_185, %sign3A_197 : i32
    %sign3A_199 = arith.extui %sign3A_198 : i1 to i32
    %sign3A_200 = arith.subi %sign3A_196, %sign3A_199 : i32
    %ne3A_201 = arith.cmpi ne, %sign3A_193, %sign3A_200 : i32
    %rem3A_202 = arith.remsi %sub3A_184, %jit3A_185 : i32
    %ne3A_203 = arith.constant 0 : i32
    %ne3A_204 = arith.cmpi ne, %rem3A_202, %ne3A_203 : i32
    %and3A_205 = arith.andi %ne3A_201, %ne3A_204 : i1
    %sub3A_206 = arith.constant 1 : i32
    %sub3A_207 = arith.subi %div3A_186, %sub3A_206 : i32
    %select_n3A_208 = arith.select %and3A_205, %sub3A_207, %div3A_186 : i32
    %mul3A_209 = arith.constant 8192 : i32
    %mul3A_210 = arith.muli %select_n3A_181, %mul3A_209 : i32
    %add3A_211 = arith.addi %mul3A_210, %sub3A_184 : i32
    %mul3A_212 = arith.constant 8192 : i32
    %mul3A_213 = arith.muli %select_n3A_208, %mul3A_212 : i32
    %sub3A_214 = arith.subi %add3A_211, %mul3A_213 : i32
    %mul3A_215 = arith.constant 64 : i32
    %mul3A_216 = arith.muli %select_n3A_208, %mul3A_215 : i32
    "tpu.region"() ({
      %run_scoped3A = tpu.sem_alloc : memref<!tpu.dma_semaphore, #tpu.memory_space<semaphore_mem>>
      %dma_start3A_1913 = tpu.memref_slice %arg4[%sub3A_214, %mul3A_216] : memref<163840x128xf32, #tpu.memory_space<hbm>> -> memref<512x64xf32, #tpu.memory_space<hbm>>
      %dma_start3A_1914 = tpu.memref_slice %arg4[%sub3A_214, %mul3A_216] : memref<163840x128xf32, #tpu.memory_space<hbm>> -> memref<512x64xf32, #tpu.memory_space<hbm>>
      tpu.enqueue_dma source(%arg8 : memref<512x64xf32, #tpu.memory_space<vmem>>) target(%dma_start3A_1914 : memref<512x64xf32, #tpu.memory_space<hbm>>) target_semaphore(%run_scoped3A : memref<!tpu.dma_semaphore, #tpu.memory_space<semaphore_mem>>)
      %dma_wait3A_1915 = tpu.memref_slice %arg4[%sub3A_214, %mul3A_216] : memref<163840x128xf32, #tpu.memory_space<hbm>> -> memref<512x64xf32, #tpu.memory_space<hbm>>
      %dma_wait3A_1916 = tpu.memref_slice %arg4[%sub3A_214, %mul3A_216] : memref<163840x128xf32, #tpu.memory_space<hbm>> -> memref<512x64xf32, #tpu.memory_space<hbm>>
      tpu.wait_dma2 semaphore(%run_scoped3A : memref<!tpu.dma_semaphore, #tpu.memory_space<semaphore_mem>>) src(%arg8 : memref<512x64xf32, #tpu.memory_space<vmem>>) dst(%dma_wait3A_1916 : memref<512x64xf32, #tpu.memory_space<hbm>>)
      tpu.yield
    }) : () -> ()
    %add3A_217 = arith.constant 1536 : i32
    %add3A_218 = arith.addi %mul3A_2, %add3A_217 : i32
    %jit3A_219 = arith.constant 16384 : i32
    %div3A_220 = arith.divsi %add3A_218, %jit3A_219 : i32
    %sign3A_221 = arith.constant 0 : i32
    %sign3A_222 = arith.cmpi sgt, %add3A_218, %sign3A_221 : i32
    %sign3A_223 = arith.extui %sign3A_222 : i1 to i32
    %sign3A_224 = arith.constant 0 : i32
    %sign3A_225 = arith.cmpi slt, %add3A_218, %sign3A_224 : i32
    %sign3A_226 = arith.extui %sign3A_225 : i1 to i32
    %sign3A_227 = arith.subi %sign3A_223, %sign3A_226 : i32
    %sign3A_228 = arith.constant 0 : i32
    %sign3A_229 = arith.cmpi sgt, %jit3A_219, %sign3A_228 : i32
    %sign3A_230 = arith.extui %sign3A_229 : i1 to i32
    %sign3A_231 = arith.constant 0 : i32
    %sign3A_232 = arith.cmpi slt, %jit3A_219, %sign3A_231 : i32
    %sign3A_233 = arith.extui %sign3A_232 : i1 to i32
    %sign3A_234 = arith.subi %sign3A_230, %sign3A_233 : i32
    %ne3A_235 = arith.cmpi ne, %sign3A_227, %sign3A_234 : i32
    %rem3A_236 = arith.remsi %add3A_218, %jit3A_219 : i32
    %ne3A_237 = arith.constant 0 : i32
    %ne3A_238 = arith.cmpi ne, %rem3A_236, %ne3A_237 : i32
    %and3A_239 = arith.andi %ne3A_235, %ne3A_238 : i1
    %sub3A_240 = arith.constant 1 : i32
    %sub3A_241 = arith.subi %div3A_220, %sub3A_240 : i32
    %select_n3A_242 = arith.select %and3A_239, %sub3A_241, %div3A_220 : i32
    %mul3A_243 = arith.constant 16384 : i32
    %mul3A_244 = arith.muli %select_n3A_242, %mul3A_243 : i32
    %sub3A_245 = arith.subi %add3A_218, %mul3A_244 : i32
    "tpu.region"() ({
      %run_scoped3A = tpu.sem_alloc : memref<!tpu.dma_semaphore, #tpu.memory_space<semaphore_mem>>
      %dma_start3A_1913 = tpu.memref_slice %arg2[%select_n3A_242, %sub3A_245] : memref<20x16384xi32, #tpu.memory_space<hbm>> -> memref<1x512xi32, #tpu.memory_space<hbm>>
      %dma_start3A_1914 = tpu.memref_squeeze %dma_start3A_1913 : memref<1x512xi32, #tpu.memory_space<hbm>> -> memref<512xi32, #tpu.memory_space<hbm>>
      %dma_start3A_1915 = tpu.memref_slice %arg2[%select_n3A_242, %sub3A_245] : memref<20x16384xi32, #tpu.memory_space<hbm>> -> memref<1x512xi32, #tpu.memory_space<hbm>>
      %dma_start3A_1916 = tpu.memref_squeeze %dma_start3A_1915 : memref<1x512xi32, #tpu.memory_space<hbm>> -> memref<512xi32, #tpu.memory_space<hbm>>
      tpu.enqueue_dma source(%dma_start3A_1916 : memref<512xi32, #tpu.memory_space<hbm>>) target(%arg6 : memref<512xi32, #tpu.memory_space<vmem>>) target_semaphore(%run_scoped3A : memref<!tpu.dma_semaphore, #tpu.memory_space<semaphore_mem>>)
      %dma_wait3A_1917 = tpu.memref_slice %arg2[%select_n3A_242, %sub3A_245] : memref<20x16384xi32, #tpu.memory_space<hbm>> -> memref<1x512xi32, #tpu.memory_space<hbm>>
      %dma_wait3A_1918 = tpu.memref_squeeze %dma_wait3A_1917 : memref<1x512xi32, #tpu.memory_space<hbm>> -> memref<512xi32, #tpu.memory_space<hbm>>
      %dma_wait3A_1919 = tpu.memref_slice %arg2[%select_n3A_242, %sub3A_245] : memref<20x16384xi32, #tpu.memory_space<hbm>> -> memref<1x512xi32, #tpu.memory_space<hbm>>
      %dma_wait3A_1920 = tpu.memref_squeeze %dma_wait3A_1919 : memref<1x512xi32, #tpu.memory_space<hbm>> -> memref<512xi32, #tpu.memory_space<hbm>>
      tpu.wait_dma2 semaphore(%run_scoped3A : memref<!tpu.dma_semaphore, #tpu.memory_space<semaphore_mem>>) src(%dma_wait3A_1920 : memref<512xi32, #tpu.memory_space<hbm>>) dst(%arg6 : memref<512xi32, #tpu.memory_space<vmem>>)
      tpu.yield
    }) : () -> ()
    %dma_start3A_246 = arith.constant 0 : i32
    %dma_start3A_247 = arith.constant 0 : i32
    %dma_start3A_248 = tpu.memref_slice %arg3[%dma_start3A_246, %dma_start3A_247] : memref<1007616x64xf32, #tpu.memory_space<hbm>> -> memref<1007616x64xf32, #tpu.memory_space<hbm>>
    tpu.enqueue_indirect_dma source(%dma_start3A_248 : memref<1007616x64xf32, #tpu.memory_space<hbm>>) target(%arg8 : memref<512x64xf32, #tpu.memory_space<vmem>>) offsets(%arg6 : memref<512xi32, #tpu.memory_space<vmem>>) semaphore(%arg10 : memref<!tpu.dma_semaphore, #tpu.memory_space<semaphore_mem>>)
    %dma_wait3A_249 = arith.constant 0 : i32
    %dma_wait3A_250 = arith.constant 0 : i32
    %dma_wait3A_251 = tpu.memref_slice %arg3[%dma_wait3A_249, %dma_wait3A_250] : memref<1007616x64xf32, #tpu.memory_space<hbm>> -> memref<1007616x64xf32, #tpu.memory_space<hbm>>
    tpu.wait_indirect_dma semaphore(%arg9 : memref<!tpu.dma_semaphore, #tpu.memory_space<semaphore_mem>>) src(%dma_wait3A_251 : memref<1007616x64xf32, #tpu.memory_space<hbm>>) dst(%arg7 : memref<512x64xf32, #tpu.memory_space<vmem>>)
    %add3A_252 = arith.constant 1024 : i32
    %add3A_253 = arith.addi %mul3A_2, %add3A_252 : i32
    %jit3A_254 = arith.constant 16384 : i32
    %div3A_255 = arith.divsi %add3A_253, %jit3A_254 : i32
    %sign3A_256 = arith.constant 0 : i32
    %sign3A_257 = arith.cmpi sgt, %add3A_253, %sign3A_256 : i32
    %sign3A_258 = arith.extui %sign3A_257 : i1 to i32
    %sign3A_259 = arith.constant 0 : i32
    %sign3A_260 = arith.cmpi slt, %add3A_253, %sign3A_259 : i32
    %sign3A_261 = arith.extui %sign3A_260 : i1 to i32
    %sign3A_262 = arith.subi %sign3A_258, %sign3A_261 : i32
    %sign3A_263 = arith.constant 0 : i32
    %sign3A_264 = arith.cmpi sgt, %jit3A_254, %sign3A_263 : i32
    %sign3A_265 = arith.extui %sign3A_264 : i1 to i32
    %sign3A_266 = arith.constant 0 : i32
    %sign3A_267 = arith.cmpi slt, %jit3A_254, %sign3A_266 : i32
    %sign3A_268 = arith.extui %sign3A_267 : i1 to i32
    %sign3A_269 = arith.subi %sign3A_265, %sign3A_268 : i32
    %ne3A_270 = arith.cmpi ne, %sign3A_262, %sign3A_269 : i32
    %rem3A_271 = arith.remsi %add3A_253, %jit3A_254 : i32
    %ne3A_272 = arith.constant 0 : i32
    %ne3A_273 = arith.cmpi ne, %rem3A_271, %ne3A_272 : i32
    %and3A_274 = arith.andi %ne3A_270, %ne3A_273 : i1
    %sub3A_275 = arith.constant 1 : i32
    %sub3A_276 = arith.subi %div3A_255, %sub3A_275 : i32
    %select_n3A_277 = arith.select %and3A_274, %sub3A_276, %div3A_255 : i32
    %mul3A_278 = arith.constant 16384 : i32
    %mul3A_279 = arith.muli %select_n3A_277, %mul3A_278 : i32
    %sub3A_280 = arith.subi %add3A_253, %mul3A_279 : i32
    %jit3A_281 = arith.constant 8192 : i32
    %div3A_282 = arith.divsi %sub3A_280, %jit3A_281 : i32
    %sign3A_283 = arith.constant 0 : i32
    %sign3A_284 = arith.cmpi sgt, %sub3A_280, %sign3A_283 : i32
    %sign3A_285 = arith.extui %sign3A_284 : i1 to i32
    %sign3A_286 = arith.constant 0 : i32
    %sign3A_287 = arith.cmpi slt, %sub3A_280, %sign3A_286 : i32
    %sign3A_288 = arith.extui %sign3A_287 : i1 to i32
    %sign3A_289 = arith.subi %sign3A_285, %sign3A_288 : i32
    %sign3A_290 = arith.constant 0 : i32
    %sign3A_291 = arith.cmpi sgt, %jit3A_281, %sign3A_290 : i32
    %sign3A_292 = arith.extui %sign3A_291 : i1 to i32
    %sign3A_293 = arith.constant 0 : i32
    %sign3A_294 = arith.cmpi slt, %jit3A_281, %sign3A_293 : i32
    %sign3A_295 = arith.extui %sign3A_294 : i1 to i32
    %sign3A_296 = arith.subi %sign3A_292, %sign3A_295 : i32
    %ne3A_297 = arith.cmpi ne, %sign3A_289, %sign3A_296 : i32
    %rem3A_298 = arith.remsi %sub3A_280, %jit3A_281 : i32
    %ne3A_299 = arith.constant 0 : i32
    %ne3A_300 = arith.cmpi ne, %rem3A_298, %ne3A_299 : i32
    %and3A_301 = arith.andi %ne3A_297, %ne3A_300 : i1
    %sub3A_302 = arith.constant 1 : i32
    %sub3A_303 = arith.subi %div3A_282, %sub3A_302 : i32
    %select_n3A_304 = arith.select %and3A_301, %sub3A_303, %div3A_282 : i32
    %mul3A_305 = arith.constant 8192 : i32
    %mul3A_306 = arith.muli %select_n3A_277, %mul3A_305 : i32
    %add3A_307 = arith.addi %mul3A_306, %sub3A_280 : i32
    %mul3A_308 = arith.constant 8192 : i32
    %mul3A_309 = arith.muli %select_n3A_304, %mul3A_308 : i32
    %sub3A_310 = arith.subi %add3A_307, %mul3A_309 : i32
    %mul3A_311 = arith.constant 64 : i32
    %mul3A_312 = arith.muli %select_n3A_304, %mul3A_311 : i32
    "tpu.region"() ({
      %run_scoped3A = tpu.sem_alloc : memref<!tpu.dma_semaphore, #tpu.memory_space<semaphore_mem>>
      %dma_start3A_1913 = tpu.memref_slice %arg4[%sub3A_310, %mul3A_312] : memref<163840x128xf32, #tpu.memory_space<hbm>> -> memref<512x64xf32, #tpu.memory_space<hbm>>
      %dma_start3A_1914 = tpu.memref_slice %arg4[%sub3A_310, %mul3A_312] : memref<163840x128xf32, #tpu.memory_space<hbm>> -> memref<512x64xf32, #tpu.memory_space<hbm>>
      tpu.enqueue_dma source(%arg7 : memref<512x64xf32, #tpu.memory_space<vmem>>) target(%dma_start3A_1914 : memref<512x64xf32, #tpu.memory_space<hbm>>) target_semaphore(%run_scoped3A : memref<!tpu.dma_semaphore, #tpu.memory_space<semaphore_mem>>)
      %dma_wait3A_1915 = tpu.memref_slice %arg4[%sub3A_310, %mul3A_312] : memref<163840x128xf32, #tpu.memory_space<hbm>> -> memref<512x64xf32, #tpu.memory_space<hbm>>
      %dma_wait3A_1916 = tpu.memref_slice %arg4[%sub3A_310, %mul3A_312] : memref<163840x128xf32, #tpu.memory_space<hbm>> -> memref<512x64xf32, #tpu.memory_space<hbm>>
      tpu.wait_dma2 semaphore(%run_scoped3A : memref<!tpu.dma_semaphore, #tpu.memory_space<semaphore_mem>>) src(%arg7 : memref<512x64xf32, #tpu.memory_space<vmem>>) dst(%dma_wait3A_1916 : memref<512x64xf32, #tpu.memory_space<hbm>>)
      tpu.yield
    }) : () -> ()
    %add3A_313 = arith.constant 2048 : i32
    %add3A_314 = arith.addi %mul3A_2, %add3A_313 : i32
    %jit3A_315 = arith.constant 16384 : i32
    %div3A_316 = arith.divsi %add3A_314, %jit3A_315 : i32
    %sign3A_317 = arith.constant 0 : i32
    %sign3A_318 = arith.cmpi sgt, %add3A_314, %sign3A_317 : i32
    %sign3A_319 = arith.extui %sign3A_318 : i1 to i32
    %sign3A_320 = arith.constant 0 : i32
    %sign3A_321 = arith.cmpi slt, %add3A_314, %sign3A_320 : i32
    %sign3A_322 = arith.extui %sign3A_321 : i1 to i32
    %sign3A_323 = arith.subi %sign3A_319, %sign3A_322 : i32
    %sign3A_324 = arith.constant 0 : i32
    %sign3A_325 = arith.cmpi sgt, %jit3A_315, %sign3A_324 : i32
    %sign3A_326 = arith.extui %sign3A_325 : i1 to i32
    %sign3A_327 = arith.constant 0 : i32
    %sign3A_328 = arith.cmpi slt, %jit3A_315, %sign3A_327 : i32
    %sign3A_329 = arith.extui %sign3A_328 : i1 to i32
    %sign3A_330 = arith.subi %sign3A_326, %sign3A_329 : i32
    %ne3A_331 = arith.cmpi ne, %sign3A_323, %sign3A_330 : i32
    %rem3A_332 = arith.remsi %add3A_314, %jit3A_315 : i32
    %ne3A_333 = arith.constant 0 : i32
    %ne3A_334 = arith.cmpi ne, %rem3A_332, %ne3A_333 : i32
    %and3A_335 = arith.andi %ne3A_331, %ne3A_334 : i1
    %sub3A_336 = arith.constant 1 : i32
    %sub3A_337 = arith.subi %div3A_316, %sub3A_336 : i32
    %select_n3A_338 = arith.select %and3A_335, %sub3A_337, %div3A_316 : i32
    %mul3A_339 = arith.constant 16384 : i32
    %mul3A_340 = arith.muli %select_n3A_338, %mul3A_339 : i32
    %sub3A_341 = arith.subi %add3A_314, %mul3A_340 : i32
    "tpu.region"() ({
      %run_scoped3A = tpu.sem_alloc : memref<!tpu.dma_semaphore, #tpu.memory_space<semaphore_mem>>
      %dma_start3A_1913 = tpu.memref_slice %arg2[%select_n3A_338, %sub3A_341] : memref<20x16384xi32, #tpu.memory_space<hbm>> -> memref<1x512xi32, #tpu.memory_space<hbm>>
      %dma_start3A_1914 = tpu.memref_squeeze %dma_start3A_1913 : memref<1x512xi32, #tpu.memory_space<hbm>> -> memref<512xi32, #tpu.memory_space<hbm>>
      %dma_start3A_1915 = tpu.memref_slice %arg2[%select_n3A_338, %sub3A_341] : memref<20x16384xi32, #tpu.memory_space<hbm>> -> memref<1x512xi32, #tpu.memory_space<hbm>>
      %dma_start3A_1916 = tpu.memref_squeeze %dma_start3A_1915 : memref<1x512xi32, #tpu.memory_space<hbm>> -> memref<512xi32, #tpu.memory_space<hbm>>
      tpu.enqueue_dma source(%dma_start3A_1916 : memref<512xi32, #tpu.memory_space<hbm>>) target(%arg5 : memref<512xi32, #tpu.memory_space<vmem>>) target_semaphore(%run_scoped3A : memref<!tpu.dma_semaphore, #tpu.memory_space<semaphore_mem>>)
      %dma_wait3A_1917 = tpu.memref_slice %arg2[%select_n3A_338, %sub3A_341] : memref<20x16384xi32, #tpu.memory_space<hbm>> -> memref<1x512xi32, #tpu.memory_space<hbm>>
      %dma_wait3A_1918 = tpu.memref_squeeze %dma_wait3A_1917 : memref<1x512xi32, #tpu.memory_space<hbm>> -> memref<512xi32, #tpu.memory_space<hbm>>
      %dma_wait3A_1919 = tpu.memref_slice %arg2[%select_n3A_338, %sub3A_341] : memref<20x16384xi32, #tpu.memory_space<hbm>> -> memref<1x512xi32, #tpu.memory_space<hbm>>
      %dma_wait3A_1920 = tpu.memref_squeeze %dma_wait3A_1919 : memref<1x512xi32, #tpu.memory_space<hbm>> -> memref<512xi32, #tpu.memory_space<hbm>>
      tpu.wait_dma2 semaphore(%run_scoped3A : memref<!tpu.dma_semaphore, #tpu.memory_space<semaphore_mem>>) src(%dma_wait3A_1920 : memref<512xi32, #tpu.memory_space<hbm>>) dst(%arg5 : memref<512xi32, #tpu.memory_space<vmem>>)
      tpu.yield
    }) : () -> ()
    %dma_start3A_342 = arith.constant 0 : i32
    %dma_start3A_343 = arith.constant 0 : i32
    %dma_start3A_344 = tpu.memref_slice %arg3[%dma_start3A_342, %dma_start3A_343] : memref<1007616x64xf32, #tpu.memory_space<hbm>> -> memref<1007616x64xf32, #tpu.memory_space<hbm>>
    tpu.enqueue_indirect_dma source(%dma_start3A_344 : memref<1007616x64xf32, #tpu.memory_space<hbm>>) target(%arg7 : memref<512x64xf32, #tpu.memory_space<vmem>>) offsets(%arg5 : memref<512xi32, #tpu.memory_space<vmem>>) semaphore(%arg9 : memref<!tpu.dma_semaphore, #tpu.memory_space<semaphore_mem>>)
    %dma_wait3A_345 = arith.constant 0 : i32
    %dma_wait3A_346 = arith.constant 0 : i32
    %dma_wait3A_347 = tpu.memref_slice %arg3[%dma_wait3A_345, %dma_wait3A_346] : memref<1007616x64xf32, #tpu.memory_space<hbm>> -> memref<1007616x64xf32, #tpu.memory_space<hbm>>
    tpu.wait_indirect_dma semaphore(%arg10 : memref<!tpu.dma_semaphore, #tpu.memory_space<semaphore_mem>>) src(%dma_wait3A_347 : memref<1007616x64xf32, #tpu.memory_space<hbm>>) dst(%arg8 : memref<512x64xf32, #tpu.memory_space<vmem>>)
    %add3A_348 = arith.constant 1536 : i32
    %add3A_349 = arith.addi %mul3A_2, %add3A_348 : i32
    %jit3A_350 = arith.constant 16384 : i32
    %div3A_351 = arith.divsi %add3A_349, %jit3A_350 : i32
    %sign3A_352 = arith.constant 0 : i32
    %sign3A_353 = arith.cmpi sgt, %add3A_349, %sign3A_352 : i32
    %sign3A_354 = arith.extui %sign3A_353 : i1 to i32
    %sign3A_355 = arith.constant 0 : i32
    %sign3A_356 = arith.cmpi slt, %add3A_349, %sign3A_355 : i32
    %sign3A_357 = arith.extui %sign3A_356 : i1 to i32
    %sign3A_358 = arith.subi %sign3A_354, %sign3A_357 : i32
    %sign3A_359 = arith.constant 0 : i32
    %sign3A_360 = arith.cmpi sgt, %jit3A_350, %sign3A_359 : i32
    %sign3A_361 = arith.extui %sign3A_360 : i1 to i32
    %sign3A_362 = arith.constant 0 : i32
    %sign3A_363 = arith.cmpi slt, %jit3A_350, %sign3A_362 : i32
    %sign3A_364 = arith.extui %sign3A_363 : i1 to i32
    %sign3A_365 = arith.subi %sign3A_361, %sign3A_364 : i32
    %ne3A_366 = arith.cmpi ne, %sign3A_358, %sign3A_365 : i32
    %rem3A_367 = arith.remsi %add3A_349, %jit3A_350 : i32
    %ne3A_368 = arith.constant 0 : i32
    %ne3A_369 = arith.cmpi ne, %rem3A_367, %ne3A_368 : i32
    %and3A_370 = arith.andi %ne3A_366, %ne3A_369 : i1
    %sub3A_371 = arith.constant 1 : i32
    %sub3A_372 = arith.subi %div3A_351, %sub3A_371 : i32
    %select_n3A_373 = arith.select %and3A_370, %sub3A_372, %div3A_351 : i32
    %mul3A_374 = arith.constant 16384 : i32
    %mul3A_375 = arith.muli %select_n3A_373, %mul3A_374 : i32
    %sub3A_376 = arith.subi %add3A_349, %mul3A_375 : i32
    %jit3A_377 = arith.constant 8192 : i32
    %div3A_378 = arith.divsi %sub3A_376, %jit3A_377 : i32
    %sign3A_379 = arith.constant 0 : i32
    %sign3A_380 = arith.cmpi sgt, %sub3A_376, %sign3A_379 : i32
    %sign3A_381 = arith.extui %sign3A_380 : i1 to i32
    %sign3A_382 = arith.constant 0 : i32
    %sign3A_383 = arith.cmpi slt, %sub3A_376, %sign3A_382 : i32
    %sign3A_384 = arith.extui %sign3A_383 : i1 to i32
    %sign3A_385 = arith.subi %sign3A_381, %sign3A_384 : i32
    %sign3A_386 = arith.constant 0 : i32
    %sign3A_387 = arith.cmpi sgt, %jit3A_377, %sign3A_386 : i32
    %sign3A_388 = arith.extui %sign3A_387 : i1 to i32
    %sign3A_389 = arith.constant 0 : i32
    %sign3A_390 = arith.cmpi slt, %jit3A_377, %sign3A_389 : i32
    %sign3A_391 = arith.extui %sign3A_390 : i1 to i32
    %sign3A_392 = arith.subi %sign3A_388, %sign3A_391 : i32
    %ne3A_393 = arith.cmpi ne, %sign3A_385, %sign3A_392 : i32
    %rem3A_394 = arith.remsi %sub3A_376, %jit3A_377 : i32
    %ne3A_395 = arith.constant 0 : i32
    %ne3A_396 = arith.cmpi ne, %rem3A_394, %ne3A_395 : i32
    %and3A_397 = arith.andi %ne3A_393, %ne3A_396 : i1
    %sub3A_398 = arith.constant 1 : i32
    %sub3A_399 = arith.subi %div3A_378, %sub3A_398 : i32
    %select_n3A_400 = arith.select %and3A_397, %sub3A_399, %div3A_378 : i32
    %mul3A_401 = arith.constant 8192 : i32
    %mul3A_402 = arith.muli %select_n3A_373, %mul3A_401 : i32
    %add3A_403 = arith.addi %mul3A_402, %sub3A_376 : i32
    %mul3A_404 = arith.constant 8192 : i32
    %mul3A_405 = arith.muli %select_n3A_400, %mul3A_404 : i32
    %sub3A_406 = arith.subi %add3A_403, %mul3A_405 : i32
    %mul3A_407 = arith.constant 64 : i32
    %mul3A_408 = arith.muli %select_n3A_400, %mul3A_407 : i32
    "tpu.region"() ({
      %run_scoped3A = tpu.sem_alloc : memref<!tpu.dma_semaphore, #tpu.memory_space<semaphore_mem>>
      %dma_start3A_1913 = tpu.memref_slice %arg4[%sub3A_406, %mul3A_408] : memref<163840x128xf32, #tpu.memory_space<hbm>> -> memref<512x64xf32, #tpu.memory_space<hbm>>
      %dma_start3A_1914 = tpu.memref_slice %arg4[%sub3A_406, %mul3A_408] : memref<163840x128xf32, #tpu.memory_space<hbm>> -> memref<512x64xf32, #tpu.memory_space<hbm>>
      tpu.enqueue_dma source(%arg8 : memref<512x64xf32, #tpu.memory_space<vmem>>) target(%dma_start3A_1914 : memref<512x64xf32, #tpu.memory_space<hbm>>) target_semaphore(%run_scoped3A : memref<!tpu.dma_semaphore, #tpu.memory_space<semaphore_mem>>)
      %dma_wait3A_1915 = tpu.memref_slice %arg4[%sub3A_406, %mul3A_408] : memref<163840x128xf32, #tpu.memory_space<hbm>> -> memref<512x64xf32, #tpu.memory_space<hbm>>
      %dma_wait3A_1916 = tpu.memref_slice %arg4[%sub3A_406, %mul3A_408] : memref<163840x128xf32, #tpu.memory_space<hbm>> -> memref<512x64xf32, #tpu.memory_space<hbm>>
      tpu.wait_dma2 semaphore(%run_scoped3A : memref<!tpu.dma_semaphore, #tpu.memory_space<semaphore_mem>>) src(%arg8 : memref<512x64xf32, #tpu.memory_space<vmem>>) dst(%dma_wait3A_1916 : memref<512x64xf32, #tpu.memory_space<hbm>>)
      tpu.yield
    }) : () -> ()
    %add3A_409 = arith.constant 2560 : i32
    %add3A_410 = arith.addi %mul3A_2, %add3A_409 : i32
    %jit3A_411 = arith.constant 16384 : i32
    %div3A_412 = arith.divsi %add3A_410, %jit3A_411 : i32
    %sign3A_413 = arith.constant 0 : i32
    %sign3A_414 = arith.cmpi sgt, %add3A_410, %sign3A_413 : i32
    %sign3A_415 = arith.extui %sign3A_414 : i1 to i32
    %sign3A_416 = arith.constant 0 : i32
    %sign3A_417 = arith.cmpi slt, %add3A_410, %sign3A_416 : i32
    %sign3A_418 = arith.extui %sign3A_417 : i1 to i32
    %sign3A_419 = arith.subi %sign3A_415, %sign3A_418 : i32
    %sign3A_420 = arith.constant 0 : i32
    %sign3A_421 = arith.cmpi sgt, %jit3A_411, %sign3A_420 : i32
    %sign3A_422 = arith.extui %sign3A_421 : i1 to i32
    %sign3A_423 = arith.constant 0 : i32
    %sign3A_424 = arith.cmpi slt, %jit3A_411, %sign3A_423 : i32
    %sign3A_425 = arith.extui %sign3A_424 : i1 to i32
    %sign3A_426 = arith.subi %sign3A_422, %sign3A_425 : i32
    %ne3A_427 = arith.cmpi ne, %sign3A_419, %sign3A_426 : i32
    %rem3A_428 = arith.remsi %add3A_410, %jit3A_411 : i32
    %ne3A_429 = arith.constant 0 : i32
    %ne3A_430 = arith.cmpi ne, %rem3A_428, %ne3A_429 : i32
    %and3A_431 = arith.andi %ne3A_427, %ne3A_430 : i1
    %sub3A_432 = arith.constant 1 : i32
    %sub3A_433 = arith.subi %div3A_412, %sub3A_432 : i32
    %select_n3A_434 = arith.select %and3A_431, %sub3A_433, %div3A_412 : i32
    %mul3A_435 = arith.constant 16384 : i32
    %mul3A_436 = arith.muli %select_n3A_434, %mul3A_435 : i32
    %sub3A_437 = arith.subi %add3A_410, %mul3A_436 : i32
    "tpu.region"() ({
      %run_scoped3A = tpu.sem_alloc : memref<!tpu.dma_semaphore, #tpu.memory_space<semaphore_mem>>
      %dma_start3A_1913 = tpu.memref_slice %arg2[%select_n3A_434, %sub3A_437] : memref<20x16384xi32, #tpu.memory_space<hbm>> -> memref<1x512xi32, #tpu.memory_space<hbm>>
      %dma_start3A_1914 = tpu.memref_squeeze %dma_start3A_1913 : memref<1x512xi32, #tpu.memory_space<hbm>> -> memref<512xi32, #tpu.memory_space<hbm>>
      %dma_start3A_1915 = tpu.memref_slice %arg2[%select_n3A_434, %sub3A_437] : memref<20x16384xi32, #tpu.memory_space<hbm>> -> memref<1x512xi32, #tpu.memory_space<hbm>>
      %dma_start3A_1916 = tpu.memref_squeeze %dma_start3A_1915 : memref<1x512xi32, #tpu.memory_space<hbm>> -> memref<512xi32, #tpu.memory_space<hbm>>
      tpu.enqueue_dma source(%dma_start3A_1916 : memref<512xi32, #tpu.memory_space<hbm>>) target(%arg6 : memref<512xi32, #tpu.memory_space<vmem>>) target_semaphore(%run_scoped3A : memref<!tpu.dma_semaphore, #tpu.memory_space<semaphore_mem>>)
      %dma_wait3A_1917 = tpu.memref_slice %arg2[%select_n3A_434, %sub3A_437] : memref<20x16384xi32, #tpu.memory_space<hbm>> -> memref<1x512xi32, #tpu.memory_space<hbm>>
      %dma_wait3A_1918 = tpu.memref_squeeze %dma_wait3A_1917 : memref<1x512xi32, #tpu.memory_space<hbm>> -> memref<512xi32, #tpu.memory_space<hbm>>
      %dma_wait3A_1919 = tpu.memref_slice %arg2[%select_n3A_434, %sub3A_437] : memref<20x16384xi32, #tpu.memory_space<hbm>> -> memref<1x512xi32, #tpu.memory_space<hbm>>
      %dma_wait3A_1920 = tpu.memref_squeeze %dma_wait3A_1919 : memref<1x512xi32, #tpu.memory_space<hbm>> -> memref<512xi32, #tpu.memory_space<hbm>>
      tpu.wait_dma2 semaphore(%run_scoped3A : memref<!tpu.dma_semaphore, #tpu.memory_space<semaphore_mem>>) src(%dma_wait3A_1920 : memref<512xi32, #tpu.memory_space<hbm>>) dst(%arg6 : memref<512xi32, #tpu.memory_space<vmem>>)
      tpu.yield
    }) : () -> ()
    %dma_start3A_438 = arith.constant 0 : i32
    %dma_start3A_439 = arith.constant 0 : i32
    %dma_start3A_440 = tpu.memref_slice %arg3[%dma_start3A_438, %dma_start3A_439] : memref<1007616x64xf32, #tpu.memory_space<hbm>> -> memref<1007616x64xf32, #tpu.memory_space<hbm>>
    tpu.enqueue_indirect_dma source(%dma_start3A_440 : memref<1007616x64xf32, #tpu.memory_space<hbm>>) target(%arg8 : memref<512x64xf32, #tpu.memory_space<vmem>>) offsets(%arg6 : memref<512xi32, #tpu.memory_space<vmem>>) semaphore(%arg10 : memref<!tpu.dma_semaphore, #tpu.memory_space<semaphore_mem>>)
    %dma_wait3A_441 = arith.constant 0 : i32
    %dma_wait3A_442 = arith.constant 0 : i32
    %dma_wait3A_443 = tpu.memref_slice %arg3[%dma_wait3A_441, %dma_wait3A_442] : memref<1007616x64xf32, #tpu.memory_space<hbm>> -> memref<1007616x64xf32, #tpu.memory_space<hbm>>
    tpu.wait_indirect_dma semaphore(%arg9 : memref<!tpu.dma_semaphore, #tpu.memory_space<semaphore_mem>>) src(%dma_wait3A_443 : memref<1007616x64xf32, #tpu.memory_space<hbm>>) dst(%arg7 : memref<512x64xf32, #tpu.memory_space<vmem>>)
    %add3A_444 = arith.constant 2048 : i32
    %add3A_445 = arith.addi %mul3A_2, %add3A_444 : i32
    %jit3A_446 = arith.constant 16384 : i32
    %div3A_447 = arith.divsi %add3A_445, %jit3A_446 : i32
    %sign3A_448 = arith.constant 0 : i32
    %sign3A_449 = arith.cmpi sgt, %add3A_445, %sign3A_448 : i32
    %sign3A_450 = arith.extui %sign3A_449 : i1 to i32
    %sign3A_451 = arith.constant 0 : i32
    %sign3A_452 = arith.cmpi slt, %add3A_445, %sign3A_451 : i32
    %sign3A_453 = arith.extui %sign3A_452 : i1 to i32
    %sign3A_454 = arith.subi %sign3A_450, %sign3A_453 : i32
    %sign3A_455 = arith.constant 0 : i32
    %sign3A_456 = arith.cmpi sgt, %jit3A_446, %sign3A_455 : i32
    %sign3A_457 = arith.extui %sign3A_456 : i1 to i32
    %sign3A_458 = arith.constant 0 : i32
    %sign3A_459 = arith.cmpi slt, %jit3A_446, %sign3A_458 : i32
    %sign3A_460 = arith.extui %sign3A_459 : i1 to i32
    %sign3A_461 = arith.subi %sign3A_457, %sign3A_460 : i32
    %ne3A_462 = arith.cmpi ne, %sign3A_454, %sign3A_461 : i32
    %rem3A_463 = arith.remsi %add3A_445, %jit3A_446 : i32
    %ne3A_464 = arith.constant 0 : i32
    %ne3A_465 = arith.cmpi ne, %rem3A_463, %ne3A_464 : i32
    %and3A_466 = arith.andi %ne3A_462, %ne3A_465 : i1
    %sub3A_467 = arith.constant 1 : i32
    %sub3A_468 = arith.subi %div3A_447, %sub3A_467 : i32
    %select_n3A_469 = arith.select %and3A_466, %sub3A_468, %div3A_447 : i32
    %mul3A_470 = arith.constant 16384 : i32
    %mul3A_471 = arith.muli %select_n3A_469, %mul3A_470 : i32
    %sub3A_472 = arith.subi %add3A_445, %mul3A_471 : i32
    %jit3A_473 = arith.constant 8192 : i32
    %div3A_474 = arith.divsi %sub3A_472, %jit3A_473 : i32
    %sign3A_475 = arith.constant 0 : i32
    %sign3A_476 = arith.cmpi sgt, %sub3A_472, %sign3A_475 : i32
    %sign3A_477 = arith.extui %sign3A_476 : i1 to i32
    %sign3A_478 = arith.constant 0 : i32
    %sign3A_479 = arith.cmpi slt, %sub3A_472, %sign3A_478 : i32
    %sign3A_480 = arith.extui %sign3A_479 : i1 to i32
    %sign3A_481 = arith.subi %sign3A_477, %sign3A_480 : i32
    %sign3A_482 = arith.constant 0 : i32
    %sign3A_483 = arith.cmpi sgt, %jit3A_473, %sign3A_482 : i32
    %sign3A_484 = arith.extui %sign3A_483 : i1 to i32
    %sign3A_485 = arith.constant 0 : i32
    %sign3A_486 = arith.cmpi slt, %jit3A_473, %sign3A_485 : i32
    %sign3A_487 = arith.extui %sign3A_486 : i1 to i32
    %sign3A_488 = arith.subi %sign3A_484, %sign3A_487 : i32
    %ne3A_489 = arith.cmpi ne, %sign3A_481, %sign3A_488 : i32
    %rem3A_490 = arith.remsi %sub3A_472, %jit3A_473 : i32
    %ne3A_491 = arith.constant 0 : i32
    %ne3A_492 = arith.cmpi ne, %rem3A_490, %ne3A_491 : i32
    %and3A_493 = arith.andi %ne3A_489, %ne3A_492 : i1
    %sub3A_494 = arith.constant 1 : i32
    %sub3A_495 = arith.subi %div3A_474, %sub3A_494 : i32
    %select_n3A_496 = arith.select %and3A_493, %sub3A_495, %div3A_474 : i32
    %mul3A_497 = arith.constant 8192 : i32
    %mul3A_498 = arith.muli %select_n3A_469, %mul3A_497 : i32
    %add3A_499 = arith.addi %mul3A_498, %sub3A_472 : i32
    %mul3A_500 = arith.constant 8192 : i32
    %mul3A_501 = arith.muli %select_n3A_496, %mul3A_500 : i32
    %sub3A_502 = arith.subi %add3A_499, %mul3A_501 : i32
    %mul3A_503 = arith.constant 64 : i32
    %mul3A_504 = arith.muli %select_n3A_496, %mul3A_503 : i32
    "tpu.region"() ({
      %run_scoped3A = tpu.sem_alloc : memref<!tpu.dma_semaphore, #tpu.memory_space<semaphore_mem>>
      %dma_start3A_1913 = tpu.memref_slice %arg4[%sub3A_502, %mul3A_504] : memref<163840x128xf32, #tpu.memory_space<hbm>> -> memref<512x64xf32, #tpu.memory_space<hbm>>
      %dma_start3A_1914 = tpu.memref_slice %arg4[%sub3A_502, %mul3A_504] : memref<163840x128xf32, #tpu.memory_space<hbm>> -> memref<512x64xf32, #tpu.memory_space<hbm>>
      tpu.enqueue_dma source(%arg7 : memref<512x64xf32, #tpu.memory_space<vmem>>) target(%dma_start3A_1914 : memref<512x64xf32, #tpu.memory_space<hbm>>) target_semaphore(%run_scoped3A : memref<!tpu.dma_semaphore, #tpu.memory_space<semaphore_mem>>)
      %dma_wait3A_1915 = tpu.memref_slice %arg4[%sub3A_502, %mul3A_504] : memref<163840x128xf32, #tpu.memory_space<hbm>> -> memref<512x64xf32, #tpu.memory_space<hbm>>
      %dma_wait3A_1916 = tpu.memref_slice %arg4[%sub3A_502, %mul3A_504] : memref<163840x128xf32, #tpu.memory_space<hbm>> -> memref<512x64xf32, #tpu.memory_space<hbm>>
      tpu.wait_dma2 semaphore(%run_scoped3A : memref<!tpu.dma_semaphore, #tpu.memory_space<semaphore_mem>>) src(%arg7 : memref<512x64xf32, #tpu.memory_space<vmem>>) dst(%dma_wait3A_1916 : memref<512x64xf32, #tpu.memory_space<hbm>>)
      tpu.yield
    }) : () -> ()
    %add3A_505 = arith.constant 3072 : i32
    %add3A_506 = arith.addi %mul3A_2, %add3A_505 : i32
    %jit3A_507 = arith.constant 16384 : i32
    %div3A_508 = arith.divsi %add3A_506, %jit3A_507 : i32
    %sign3A_509 = arith.constant 0 : i32
    %sign3A_510 = arith.cmpi sgt, %add3A_506, %sign3A_509 : i32
    %sign3A_511 = arith.extui %sign3A_510 : i1 to i32
    %sign3A_512 = arith.constant 0 : i32
    %sign3A_513 = arith.cmpi slt, %add3A_506, %sign3A_512 : i32
    %sign3A_514 = arith.extui %sign3A_513 : i1 to i32
    %sign3A_515 = arith.subi %sign3A_511, %sign3A_514 : i32
    %sign3A_516 = arith.constant 0 : i32
    %sign3A_517 = arith.cmpi sgt, %jit3A_507, %sign3A_516 : i32
    %sign3A_518 = arith.extui %sign3A_517 : i1 to i32
    %sign3A_519 = arith.constant 0 : i32
    %sign3A_520 = arith.cmpi slt, %jit3A_507, %sign3A_519 : i32
    %sign3A_521 = arith.extui %sign3A_520 : i1 to i32
    %sign3A_522 = arith.subi %sign3A_518, %sign3A_521 : i32
    %ne3A_523 = arith.cmpi ne, %sign3A_515, %sign3A_522 : i32
    %rem3A_524 = arith.remsi %add3A_506, %jit3A_507 : i32
    %ne3A_525 = arith.constant 0 : i32
    %ne3A_526 = arith.cmpi ne, %rem3A_524, %ne3A_525 : i32
    %and3A_527 = arith.andi %ne3A_523, %ne3A_526 : i1
    %sub3A_528 = arith.constant 1 : i32
    %sub3A_529 = arith.subi %div3A_508, %sub3A_528 : i32
    %select_n3A_530 = arith.select %and3A_527, %sub3A_529, %div3A_508 : i32
    %mul3A_531 = arith.constant 16384 : i32
    %mul3A_532 = arith.muli %select_n3A_530, %mul3A_531 : i32
    %sub3A_533 = arith.subi %add3A_506, %mul3A_532 : i32
    "tpu.region"() ({
      %run_scoped3A = tpu.sem_alloc : memref<!tpu.dma_semaphore, #tpu.memory_space<semaphore_mem>>
      %dma_start3A_1913 = tpu.memref_slice %arg2[%select_n3A_530, %sub3A_533] : memref<20x16384xi32, #tpu.memory_space<hbm>> -> memref<1x512xi32, #tpu.memory_space<hbm>>
      %dma_start3A_1914 = tpu.memref_squeeze %dma_start3A_1913 : memref<1x512xi32, #tpu.memory_space<hbm>> -> memref<512xi32, #tpu.memory_space<hbm>>
      %dma_start3A_1915 = tpu.memref_slice %arg2[%select_n3A_530, %sub3A_533] : memref<20x16384xi32, #tpu.memory_space<hbm>> -> memref<1x512xi32, #tpu.memory_space<hbm>>
      %dma_start3A_1916 = tpu.memref_squeeze %dma_start3A_1915 : memref<1x512xi32, #tpu.memory_space<hbm>> -> memref<512xi32, #tpu.memory_space<hbm>>
      tpu.enqueue_dma source(%dma_start3A_1916 : memref<512xi32, #tpu.memory_space<hbm>>) target(%arg5 : memref<512xi32, #tpu.memory_space<vmem>>) target_semaphore(%run_scoped3A : memref<!tpu.dma_semaphore, #tpu.memory_space<semaphore_mem>>)
      %dma_wait3A_1917 = tpu.memref_slice %arg2[%select_n3A_530, %sub3A_533] : memref<20x16384xi32, #tpu.memory_space<hbm>> -> memref<1x512xi32, #tpu.memory_space<hbm>>
      %dma_wait3A_1918 = tpu.memref_squeeze %dma_wait3A_1917 : memref<1x512xi32, #tpu.memory_space<hbm>> -> memref<512xi32, #tpu.memory_space<hbm>>
      %dma_wait3A_1919 = tpu.memref_slice %arg2[%select_n3A_530, %sub3A_533] : memref<20x16384xi32, #tpu.memory_space<hbm>> -> memref<1x512xi32, #tpu.memory_space<hbm>>
      %dma_wait3A_1920 = tpu.memref_squeeze %dma_wait3A_1919 : memref<1x512xi32, #tpu.memory_space<hbm>> -> memref<512xi32, #tpu.memory_space<hbm>>
      tpu.wait_dma2 semaphore(%run_scoped3A : memref<!tpu.dma_semaphore, #tpu.memory_space<semaphore_mem>>) src(%dma_wait3A_1920 : memref<512xi32, #tpu.memory_space<hbm>>) dst(%arg5 : memref<512xi32, #tpu.memory_space<vmem>>)
      tpu.yield
    }) : () -> ()
    %dma_start3A_534 = arith.constant 0 : i32
    %dma_start3A_535 = arith.constant 0 : i32
    %dma_start3A_536 = tpu.memref_slice %arg3[%dma_start3A_534, %dma_start3A_535] : memref<1007616x64xf32, #tpu.memory_space<hbm>> -> memref<1007616x64xf32, #tpu.memory_space<hbm>>
    tpu.enqueue_indirect_dma source(%dma_start3A_536 : memref<1007616x64xf32, #tpu.memory_space<hbm>>) target(%arg7 : memref<512x64xf32, #tpu.memory_space<vmem>>) offsets(%arg5 : memref<512xi32, #tpu.memory_space<vmem>>) semaphore(%arg9 : memref<!tpu.dma_semaphore, #tpu.memory_space<semaphore_mem>>)
    %dma_wait3A_537 = arith.constant 0 : i32
    %dma_wait3A_538 = arith.constant 0 : i32
    %dma_wait3A_539 = tpu.memref_slice %arg3[%dma_wait3A_537, %dma_wait3A_538] : memref<1007616x64xf32, #tpu.memory_space<hbm>> -> memref<1007616x64xf32, #tpu.memory_space<hbm>>
    tpu.wait_indirect_dma semaphore(%arg10 : memref<!tpu.dma_semaphore, #tpu.memory_space<semaphore_mem>>) src(%dma_wait3A_539 : memref<1007616x64xf32, #tpu.memory_space<hbm>>) dst(%arg8 : memref<512x64xf32, #tpu.memory_space<vmem>>)
    %add3A_540 = arith.constant 2560 : i32
    %add3A_541 = arith.addi %mul3A_2, %add3A_540 : i32
    %jit3A_542 = arith.constant 16384 : i32
    %div3A_543 = arith.divsi %add3A_541, %jit3A_542 : i32
    %sign3A_544 = arith.constant 0 : i32
    %sign3A_545 = arith.cmpi sgt, %add3A_541, %sign3A_544 : i32
    %sign3A_546 = arith.extui %sign3A_545 : i1 to i32
    %sign3A_547 = arith.constant 0 : i32
    %sign3A_548 = arith.cmpi slt, %add3A_541, %sign3A_547 : i32
    %sign3A_549 = arith.extui %sign3A_548 : i1 to i32
    %sign3A_550 = arith.subi %sign3A_546, %sign3A_549 : i32
    %sign3A_551 = arith.constant 0 : i32
    %sign3A_552 = arith.cmpi sgt, %jit3A_542, %sign3A_551 : i32
    %sign3A_553 = arith.extui %sign3A_552 : i1 to i32
    %sign3A_554 = arith.constant 0 : i32
    %sign3A_555 = arith.cmpi slt, %jit3A_542, %sign3A_554 : i32
    %sign3A_556 = arith.extui %sign3A_555 : i1 to i32
    %sign3A_557 = arith.subi %sign3A_553, %sign3A_556 : i32
    %ne3A_558 = arith.cmpi ne, %sign3A_550, %sign3A_557 : i32
    %rem3A_559 = arith.remsi %add3A_541, %jit3A_542 : i32
    %ne3A_560 = arith.constant 0 : i32
    %ne3A_561 = arith.cmpi ne, %rem3A_559, %ne3A_560 : i32
    %and3A_562 = arith.andi %ne3A_558, %ne3A_561 : i1
    %sub3A_563 = arith.constant 1 : i32
    %sub3A_564 = arith.subi %div3A_543, %sub3A_563 : i32
    %select_n3A_565 = arith.select %and3A_562, %sub3A_564, %div3A_543 : i32
    %mul3A_566 = arith.constant 16384 : i32
    %mul3A_567 = arith.muli %select_n3A_565, %mul3A_566 : i32
    %sub3A_568 = arith.subi %add3A_541, %mul3A_567 : i32
    %jit3A_569 = arith.constant 8192 : i32
    %div3A_570 = arith.divsi %sub3A_568, %jit3A_569 : i32
    %sign3A_571 = arith.constant 0 : i32
    %sign3A_572 = arith.cmpi sgt, %sub3A_568, %sign3A_571 : i32
    %sign3A_573 = arith.extui %sign3A_572 : i1 to i32
    %sign3A_574 = arith.constant 0 : i32
    %sign3A_575 = arith.cmpi slt, %sub3A_568, %sign3A_574 : i32
    %sign3A_576 = arith.extui %sign3A_575 : i1 to i32
    %sign3A_577 = arith.subi %sign3A_573, %sign3A_576 : i32
    %sign3A_578 = arith.constant 0 : i32
    %sign3A_579 = arith.cmpi sgt, %jit3A_569, %sign3A_578 : i32
    %sign3A_580 = arith.extui %sign3A_579 : i1 to i32
    %sign3A_581 = arith.constant 0 : i32
    %sign3A_582 = arith.cmpi slt, %jit3A_569, %sign3A_581 : i32
    %sign3A_583 = arith.extui %sign3A_582 : i1 to i32
    %sign3A_584 = arith.subi %sign3A_580, %sign3A_583 : i32
    %ne3A_585 = arith.cmpi ne, %sign3A_577, %sign3A_584 : i32
    %rem3A_586 = arith.remsi %sub3A_568, %jit3A_569 : i32
    %ne3A_587 = arith.constant 0 : i32
    %ne3A_588 = arith.cmpi ne, %rem3A_586, %ne3A_587 : i32
    %and3A_589 = arith.andi %ne3A_585, %ne3A_588 : i1
    %sub3A_590 = arith.constant 1 : i32
    %sub3A_591 = arith.subi %div3A_570, %sub3A_590 : i32
    %select_n3A_592 = arith.select %and3A_589, %sub3A_591, %div3A_570 : i32
    %mul3A_593 = arith.constant 8192 : i32
    %mul3A_594 = arith.muli %select_n3A_565, %mul3A_593 : i32
    %add3A_595 = arith.addi %mul3A_594, %sub3A_568 : i32
    %mul3A_596 = arith.constant 8192 : i32
    %mul3A_597 = arith.muli %select_n3A_592, %mul3A_596 : i32
    %sub3A_598 = arith.subi %add3A_595, %mul3A_597 : i32
    %mul3A_599 = arith.constant 64 : i32
    %mul3A_600 = arith.muli %select_n3A_592, %mul3A_599 : i32
    "tpu.region"() ({
      %run_scoped3A = tpu.sem_alloc : memref<!tpu.dma_semaphore, #tpu.memory_space<semaphore_mem>>
      %dma_start3A_1913 = tpu.memref_slice %arg4[%sub3A_598, %mul3A_600] : memref<163840x128xf32, #tpu.memory_space<hbm>> -> memref<512x64xf32, #tpu.memory_space<hbm>>
      %dma_start3A_1914 = tpu.memref_slice %arg4[%sub3A_598, %mul3A_600] : memref<163840x128xf32, #tpu.memory_space<hbm>> -> memref<512x64xf32, #tpu.memory_space<hbm>>
      tpu.enqueue_dma source(%arg8 : memref<512x64xf32, #tpu.memory_space<vmem>>) target(%dma_start3A_1914 : memref<512x64xf32, #tpu.memory_space<hbm>>) target_semaphore(%run_scoped3A : memref<!tpu.dma_semaphore, #tpu.memory_space<semaphore_mem>>)
      %dma_wait3A_1915 = tpu.memref_slice %arg4[%sub3A_598, %mul3A_600] : memref<163840x128xf32, #tpu.memory_space<hbm>> -> memref<512x64xf32, #tpu.memory_space<hbm>>
      %dma_wait3A_1916 = tpu.memref_slice %arg4[%sub3A_598, %mul3A_600] : memref<163840x128xf32, #tpu.memory_space<hbm>> -> memref<512x64xf32, #tpu.memory_space<hbm>>
      tpu.wait_dma2 semaphore(%run_scoped3A : memref<!tpu.dma_semaphore, #tpu.memory_space<semaphore_mem>>) src(%arg8 : memref<512x64xf32, #tpu.memory_space<vmem>>) dst(%dma_wait3A_1916 : memref<512x64xf32, #tpu.memory_space<hbm>>)
      tpu.yield
    }) : () -> ()
    %add3A_601 = arith.constant 3584 : i32
    %add3A_602 = arith.addi %mul3A_2, %add3A_601 : i32
    %jit3A_603 = arith.constant 16384 : i32
    %div3A_604 = arith.divsi %add3A_602, %jit3A_603 : i32
    %sign3A_605 = arith.constant 0 : i32
    %sign3A_606 = arith.cmpi sgt, %add3A_602, %sign3A_605 : i32
    %sign3A_607 = arith.extui %sign3A_606 : i1 to i32
    %sign3A_608 = arith.constant 0 : i32
    %sign3A_609 = arith.cmpi slt, %add3A_602, %sign3A_608 : i32
    %sign3A_610 = arith.extui %sign3A_609 : i1 to i32
    %sign3A_611 = arith.subi %sign3A_607, %sign3A_610 : i32
    %sign3A_612 = arith.constant 0 : i32
    %sign3A_613 = arith.cmpi sgt, %jit3A_603, %sign3A_612 : i32
    %sign3A_614 = arith.extui %sign3A_613 : i1 to i32
    %sign3A_615 = arith.constant 0 : i32
    %sign3A_616 = arith.cmpi slt, %jit3A_603, %sign3A_615 : i32
    %sign3A_617 = arith.extui %sign3A_616 : i1 to i32
    %sign3A_618 = arith.subi %sign3A_614, %sign3A_617 : i32
    %ne3A_619 = arith.cmpi ne, %sign3A_611, %sign3A_618 : i32
    %rem3A_620 = arith.remsi %add3A_602, %jit3A_603 : i32
    %ne3A_621 = arith.constant 0 : i32
    %ne3A_622 = arith.cmpi ne, %rem3A_620, %ne3A_621 : i32
    %and3A_623 = arith.andi %ne3A_619, %ne3A_622 : i1
    %sub3A_624 = arith.constant 1 : i32
    %sub3A_625 = arith.subi %div3A_604, %sub3A_624 : i32
    %select_n3A_626 = arith.select %and3A_623, %sub3A_625, %div3A_604 : i32
    %mul3A_627 = arith.constant 16384 : i32
    %mul3A_628 = arith.muli %select_n3A_626, %mul3A_627 : i32
    %sub3A_629 = arith.subi %add3A_602, %mul3A_628 : i32
    "tpu.region"() ({
      %run_scoped3A = tpu.sem_alloc : memref<!tpu.dma_semaphore, #tpu.memory_space<semaphore_mem>>
      %dma_start3A_1913 = tpu.memref_slice %arg2[%select_n3A_626, %sub3A_629] : memref<20x16384xi32, #tpu.memory_space<hbm>> -> memref<1x512xi32, #tpu.memory_space<hbm>>
      %dma_start3A_1914 = tpu.memref_squeeze %dma_start3A_1913 : memref<1x512xi32, #tpu.memory_space<hbm>> -> memref<512xi32, #tpu.memory_space<hbm>>
      %dma_start3A_1915 = tpu.memref_slice %arg2[%select_n3A_626, %sub3A_629] : memref<20x16384xi32, #tpu.memory_space<hbm>> -> memref<1x512xi32, #tpu.memory_space<hbm>>
      %dma_start3A_1916 = tpu.memref_squeeze %dma_start3A_1915 : memref<1x512xi32, #tpu.memory_space<hbm>> -> memref<512xi32, #tpu.memory_space<hbm>>
      tpu.enqueue_dma source(%dma_start3A_1916 : memref<512xi32, #tpu.memory_space<hbm>>) target(%arg6 : memref<512xi32, #tpu.memory_space<vmem>>) target_semaphore(%run_scoped3A : memref<!tpu.dma_semaphore, #tpu.memory_space<semaphore_mem>>)
      %dma_wait3A_1917 = tpu.memref_slice %arg2[%select_n3A_626, %sub3A_629] : memref<20x16384xi32, #tpu.memory_space<hbm>> -> memref<1x512xi32, #tpu.memory_space<hbm>>
      %dma_wait3A_1918 = tpu.memref_squeeze %dma_wait3A_1917 : memref<1x512xi32, #tpu.memory_space<hbm>> -> memref<512xi32, #tpu.memory_space<hbm>>
      %dma_wait3A_1919 = tpu.memref_slice %arg2[%select_n3A_626, %sub3A_629] : memref<20x16384xi32, #tpu.memory_space<hbm>> -> memref<1x512xi32, #tpu.memory_space<hbm>>
      %dma_wait3A_1920 = tpu.memref_squeeze %dma_wait3A_1919 : memref<1x512xi32, #tpu.memory_space<hbm>> -> memref<512xi32, #tpu.memory_space<hbm>>
      tpu.wait_dma2 semaphore(%run_scoped3A : memref<!tpu.dma_semaphore, #tpu.memory_space<semaphore_mem>>) src(%dma_wait3A_1920 : memref<512xi32, #tpu.memory_space<hbm>>) dst(%arg6 : memref<512xi32, #tpu.memory_space<vmem>>)
      tpu.yield
    }) : () -> ()
    %dma_start3A_630 = arith.constant 0 : i32
    %dma_start3A_631 = arith.constant 0 : i32
    %dma_start3A_632 = tpu.memref_slice %arg3[%dma_start3A_630, %dma_start3A_631] : memref<1007616x64xf32, #tpu.memory_space<hbm>> -> memref<1007616x64xf32, #tpu.memory_space<hbm>>
    tpu.enqueue_indirect_dma source(%dma_start3A_632 : memref<1007616x64xf32, #tpu.memory_space<hbm>>) target(%arg8 : memref<512x64xf32, #tpu.memory_space<vmem>>) offsets(%arg6 : memref<512xi32, #tpu.memory_space<vmem>>) semaphore(%arg10 : memref<!tpu.dma_semaphore, #tpu.memory_space<semaphore_mem>>)
    %dma_wait3A_633 = arith.constant 0 : i32
    %dma_wait3A_634 = arith.constant 0 : i32
    %dma_wait3A_635 = tpu.memref_slice %arg3[%dma_wait3A_633, %dma_wait3A_634] : memref<1007616x64xf32, #tpu.memory_space<hbm>> -> memref<1007616x64xf32, #tpu.memory_space<hbm>>
    tpu.wait_indirect_dma semaphore(%arg9 : memref<!tpu.dma_semaphore, #tpu.memory_space<semaphore_mem>>) src(%dma_wait3A_635 : memref<1007616x64xf32, #tpu.memory_space<hbm>>) dst(%arg7 : memref<512x64xf32, #tpu.memory_space<vmem>>)
    %add3A_636 = arith.constant 3072 : i32
    %add3A_637 = arith.addi %mul3A_2, %add3A_636 : i32
    %jit3A_638 = arith.constant 16384 : i32
    %div3A_639 = arith.divsi %add3A_637, %jit3A_638 : i32
    %sign3A_640 = arith.constant 0 : i32
    %sign3A_641 = arith.cmpi sgt, %add3A_637, %sign3A_640 : i32
    %sign3A_642 = arith.extui %sign3A_641 : i1 to i32
    %sign3A_643 = arith.constant 0 : i32
    %sign3A_644 = arith.cmpi slt, %add3A_637, %sign3A_643 : i32
    %sign3A_645 = arith.extui %sign3A_644 : i1 to i32
    %sign3A_646 = arith.subi %sign3A_642, %sign3A_645 : i32
    %sign3A_647 = arith.constant 0 : i32
    %sign3A_648 = arith.cmpi sgt, %jit3A_638, %sign3A_647 : i32
    %sign3A_649 = arith.extui %sign3A_648 : i1 to i32
    %sign3A_650 = arith.constant 0 : i32
    %sign3A_651 = arith.cmpi slt, %jit3A_638, %sign3A_650 : i32
    %sign3A_652 = arith.extui %sign3A_651 : i1 to i32
    %sign3A_653 = arith.subi %sign3A_649, %sign3A_652 : i32
    %ne3A_654 = arith.cmpi ne, %sign3A_646, %sign3A_653 : i32
    %rem3A_655 = arith.remsi %add3A_637, %jit3A_638 : i32
    %ne3A_656 = arith.constant 0 : i32
    %ne3A_657 = arith.cmpi ne, %rem3A_655, %ne3A_656 : i32
    %and3A_658 = arith.andi %ne3A_654, %ne3A_657 : i1
    %sub3A_659 = arith.constant 1 : i32
    %sub3A_660 = arith.subi %div3A_639, %sub3A_659 : i32
    %select_n3A_661 = arith.select %and3A_658, %sub3A_660, %div3A_639 : i32
    %mul3A_662 = arith.constant 16384 : i32
    %mul3A_663 = arith.muli %select_n3A_661, %mul3A_662 : i32
    %sub3A_664 = arith.subi %add3A_637, %mul3A_663 : i32
    %jit3A_665 = arith.constant 8192 : i32
    %div3A_666 = arith.divsi %sub3A_664, %jit3A_665 : i32
    %sign3A_667 = arith.constant 0 : i32
    %sign3A_668 = arith.cmpi sgt, %sub3A_664, %sign3A_667 : i32
    %sign3A_669 = arith.extui %sign3A_668 : i1 to i32
    %sign3A_670 = arith.constant 0 : i32
    %sign3A_671 = arith.cmpi slt, %sub3A_664, %sign3A_670 : i32
    %sign3A_672 = arith.extui %sign3A_671 : i1 to i32
    %sign3A_673 = arith.subi %sign3A_669, %sign3A_672 : i32
    %sign3A_674 = arith.constant 0 : i32
    %sign3A_675 = arith.cmpi sgt, %jit3A_665, %sign3A_674 : i32
    %sign3A_676 = arith.extui %sign3A_675 : i1 to i32
    %sign3A_677 = arith.constant 0 : i32
    %sign3A_678 = arith.cmpi slt, %jit3A_665, %sign3A_677 : i32
    %sign3A_679 = arith.extui %sign3A_678 : i1 to i32
    %sign3A_680 = arith.subi %sign3A_676, %sign3A_679 : i32
    %ne3A_681 = arith.cmpi ne, %sign3A_673, %sign3A_680 : i32
    %rem3A_682 = arith.remsi %sub3A_664, %jit3A_665 : i32
    %ne3A_683 = arith.constant 0 : i32
    %ne3A_684 = arith.cmpi ne, %rem3A_682, %ne3A_683 : i32
    %and3A_685 = arith.andi %ne3A_681, %ne3A_684 : i1
    %sub3A_686 = arith.constant 1 : i32
    %sub3A_687 = arith.subi %div3A_666, %sub3A_686 : i32
    %select_n3A_688 = arith.select %and3A_685, %sub3A_687, %div3A_666 : i32
    %mul3A_689 = arith.constant 8192 : i32
    %mul3A_690 = arith.muli %select_n3A_661, %mul3A_689 : i32
    %add3A_691 = arith.addi %mul3A_690, %sub3A_664 : i32
    %mul3A_692 = arith.constant 8192 : i32
    %mul3A_693 = arith.muli %select_n3A_688, %mul3A_692 : i32
    %sub3A_694 = arith.subi %add3A_691, %mul3A_693 : i32
    %mul3A_695 = arith.constant 64 : i32
    %mul3A_696 = arith.muli %select_n3A_688, %mul3A_695 : i32
    "tpu.region"() ({
      %run_scoped3A = tpu.sem_alloc : memref<!tpu.dma_semaphore, #tpu.memory_space<semaphore_mem>>
      %dma_start3A_1913 = tpu.memref_slice %arg4[%sub3A_694, %mul3A_696] : memref<163840x128xf32, #tpu.memory_space<hbm>> -> memref<512x64xf32, #tpu.memory_space<hbm>>
      %dma_start3A_1914 = tpu.memref_slice %arg4[%sub3A_694, %mul3A_696] : memref<163840x128xf32, #tpu.memory_space<hbm>> -> memref<512x64xf32, #tpu.memory_space<hbm>>
      tpu.enqueue_dma source(%arg7 : memref<512x64xf32, #tpu.memory_space<vmem>>) target(%dma_start3A_1914 : memref<512x64xf32, #tpu.memory_space<hbm>>) target_semaphore(%run_scoped3A : memref<!tpu.dma_semaphore, #tpu.memory_space<semaphore_mem>>)
      %dma_wait3A_1915 = tpu.memref_slice %arg4[%sub3A_694, %mul3A_696] : memref<163840x128xf32, #tpu.memory_space<hbm>> -> memref<512x64xf32, #tpu.memory_space<hbm>>
      %dma_wait3A_1916 = tpu.memref_slice %arg4[%sub3A_694, %mul3A_696] : memref<163840x128xf32, #tpu.memory_space<hbm>> -> memref<512x64xf32, #tpu.memory_space<hbm>>
      tpu.wait_dma2 semaphore(%run_scoped3A : memref<!tpu.dma_semaphore, #tpu.memory_space<semaphore_mem>>) src(%arg7 : memref<512x64xf32, #tpu.memory_space<vmem>>) dst(%dma_wait3A_1916 : memref<512x64xf32, #tpu.memory_space<hbm>>)
      tpu.yield
    }) : () -> ()
    %add3A_697 = arith.constant 4096 : i32
    %add3A_698 = arith.addi %mul3A_2, %add3A_697 : i32
    %jit3A_699 = arith.constant 16384 : i32
    %div3A_700 = arith.divsi %add3A_698, %jit3A_699 : i32
    %sign3A_701 = arith.constant 0 : i32
    %sign3A_702 = arith.cmpi sgt, %add3A_698, %sign3A_701 : i32
    %sign3A_703 = arith.extui %sign3A_702 : i1 to i32
    %sign3A_704 = arith.constant 0 : i32
    %sign3A_705 = arith.cmpi slt, %add3A_698, %sign3A_704 : i32
    %sign3A_706 = arith.extui %sign3A_705 : i1 to i32
    %sign3A_707 = arith.subi %sign3A_703, %sign3A_706 : i32
    %sign3A_708 = arith.constant 0 : i32
    %sign3A_709 = arith.cmpi sgt, %jit3A_699, %sign3A_708 : i32
    %sign3A_710 = arith.extui %sign3A_709 : i1 to i32
    %sign3A_711 = arith.constant 0 : i32
    %sign3A_712 = arith.cmpi slt, %jit3A_699, %sign3A_711 : i32
    %sign3A_713 = arith.extui %sign3A_712 : i1 to i32
    %sign3A_714 = arith.subi %sign3A_710, %sign3A_713 : i32
    %ne3A_715 = arith.cmpi ne, %sign3A_707, %sign3A_714 : i32
    %rem3A_716 = arith.remsi %add3A_698, %jit3A_699 : i32
    %ne3A_717 = arith.constant 0 : i32
    %ne3A_718 = arith.cmpi ne, %rem3A_716, %ne3A_717 : i32
    %and3A_719 = arith.andi %ne3A_715, %ne3A_718 : i1
    %sub3A_720 = arith.constant 1 : i32
    %sub3A_721 = arith.subi %div3A_700, %sub3A_720 : i32
    %select_n3A_722 = arith.select %and3A_719, %sub3A_721, %div3A_700 : i32
    %mul3A_723 = arith.constant 16384 : i32
    %mul3A_724 = arith.muli %select_n3A_722, %mul3A_723 : i32
    %sub3A_725 = arith.subi %add3A_698, %mul3A_724 : i32
    "tpu.region"() ({
      %run_scoped3A = tpu.sem_alloc : memref<!tpu.dma_semaphore, #tpu.memory_space<semaphore_mem>>
      %dma_start3A_1913 = tpu.memref_slice %arg2[%select_n3A_722, %sub3A_725] : memref<20x16384xi32, #tpu.memory_space<hbm>> -> memref<1x512xi32, #tpu.memory_space<hbm>>
      %dma_start3A_1914 = tpu.memref_squeeze %dma_start3A_1913 : memref<1x512xi32, #tpu.memory_space<hbm>> -> memref<512xi32, #tpu.memory_space<hbm>>
      %dma_start3A_1915 = tpu.memref_slice %arg2[%select_n3A_722, %sub3A_725] : memref<20x16384xi32, #tpu.memory_space<hbm>> -> memref<1x512xi32, #tpu.memory_space<hbm>>
      %dma_start3A_1916 = tpu.memref_squeeze %dma_start3A_1915 : memref<1x512xi32, #tpu.memory_space<hbm>> -> memref<512xi32, #tpu.memory_space<hbm>>
      tpu.enqueue_dma source(%dma_start3A_1916 : memref<512xi32, #tpu.memory_space<hbm>>) target(%arg5 : memref<512xi32, #tpu.memory_space<vmem>>) target_semaphore(%run_scoped3A : memref<!tpu.dma_semaphore, #tpu.memory_space<semaphore_mem>>)
      %dma_wait3A_1917 = tpu.memref_slice %arg2[%select_n3A_722, %sub3A_725] : memref<20x16384xi32, #tpu.memory_space<hbm>> -> memref<1x512xi32, #tpu.memory_space<hbm>>
      %dma_wait3A_1918 = tpu.memref_squeeze %dma_wait3A_1917 : memref<1x512xi32, #tpu.memory_space<hbm>> -> memref<512xi32, #tpu.memory_space<hbm>>
      %dma_wait3A_1919 = tpu.memref_slice %arg2[%select_n3A_722, %sub3A_725] : memref<20x16384xi32, #tpu.memory_space<hbm>> -> memref<1x512xi32, #tpu.memory_space<hbm>>
      %dma_wait3A_1920 = tpu.memref_squeeze %dma_wait3A_1919 : memref<1x512xi32, #tpu.memory_space<hbm>> -> memref<512xi32, #tpu.memory_space<hbm>>
      tpu.wait_dma2 semaphore(%run_scoped3A : memref<!tpu.dma_semaphore, #tpu.memory_space<semaphore_mem>>) src(%dma_wait3A_1920 : memref<512xi32, #tpu.memory_space<hbm>>) dst(%arg5 : memref<512xi32, #tpu.memory_space<vmem>>)
      tpu.yield
    }) : () -> ()
    %dma_start3A_726 = arith.constant 0 : i32
    %dma_start3A_727 = arith.constant 0 : i32
    %dma_start3A_728 = tpu.memref_slice %arg3[%dma_start3A_726, %dma_start3A_727] : memref<1007616x64xf32, #tpu.memory_space<hbm>> -> memref<1007616x64xf32, #tpu.memory_space<hbm>>
    tpu.enqueue_indirect_dma source(%dma_start3A_728 : memref<1007616x64xf32, #tpu.memory_space<hbm>>) target(%arg7 : memref<512x64xf32, #tpu.memory_space<vmem>>) offsets(%arg5 : memref<512xi32, #tpu.memory_space<vmem>>) semaphore(%arg9 : memref<!tpu.dma_semaphore, #tpu.memory_space<semaphore_mem>>)
    %dma_wait3A_729 = arith.constant 0 : i32
    %dma_wait3A_730 = arith.constant 0 : i32
    %dma_wait3A_731 = tpu.memref_slice %arg3[%dma_wait3A_729, %dma_wait3A_730] : memref<1007616x64xf32, #tpu.memory_space<hbm>> -> memref<1007616x64xf32, #tpu.memory_space<hbm>>
    tpu.wait_indirect_dma semaphore(%arg10 : memref<!tpu.dma_semaphore, #tpu.memory_space<semaphore_mem>>) src(%dma_wait3A_731 : memref<1007616x64xf32, #tpu.memory_space<hbm>>) dst(%arg8 : memref<512x64xf32, #tpu.memory_space<vmem>>)
    %add3A_732 = arith.constant 3584 : i32
    %add3A_733 = arith.addi %mul3A_2, %add3A_732 : i32
    %jit3A_734 = arith.constant 16384 : i32
    %div3A_735 = arith.divsi %add3A_733, %jit3A_734 : i32
    %sign3A_736 = arith.constant 0 : i32
    %sign3A_737 = arith.cmpi sgt, %add3A_733, %sign3A_736 : i32
    %sign3A_738 = arith.extui %sign3A_737 : i1 to i32
    %sign3A_739 = arith.constant 0 : i32
    %sign3A_740 = arith.cmpi slt, %add3A_733, %sign3A_739 : i32
    %sign3A_741 = arith.extui %sign3A_740 : i1 to i32
    %sign3A_742 = arith.subi %sign3A_738, %sign3A_741 : i32
    %sign3A_743 = arith.constant 0 : i32
    %sign3A_744 = arith.cmpi sgt, %jit3A_734, %sign3A_743 : i32
    %sign3A_745 = arith.extui %sign3A_744 : i1 to i32
    %sign3A_746 = arith.constant 0 : i32
    %sign3A_747 = arith.cmpi slt, %jit3A_734, %sign3A_746 : i32
    %sign3A_748 = arith.extui %sign3A_747 : i1 to i32
    %sign3A_749 = arith.subi %sign3A_745, %sign3A_748 : i32
    %ne3A_750 = arith.cmpi ne, %sign3A_742, %sign3A_749 : i32
    %rem3A_751 = arith.remsi %add3A_733, %jit3A_734 : i32
    %ne3A_752 = arith.constant 0 : i32
    %ne3A_753 = arith.cmpi ne, %rem3A_751, %ne3A_752 : i32
    %and3A_754 = arith.andi %ne3A_750, %ne3A_753 : i1
    %sub3A_755 = arith.constant 1 : i32
    %sub3A_756 = arith.subi %div3A_735, %sub3A_755 : i32
    %select_n3A_757 = arith.select %and3A_754, %sub3A_756, %div3A_735 : i32
    %mul3A_758 = arith.constant 16384 : i32
    %mul3A_759 = arith.muli %select_n3A_757, %mul3A_758 : i32
    %sub3A_760 = arith.subi %add3A_733, %mul3A_759 : i32
    %jit3A_761 = arith.constant 8192 : i32
    %div3A_762 = arith.divsi %sub3A_760, %jit3A_761 : i32
    %sign3A_763 = arith.constant 0 : i32
    %sign3A_764 = arith.cmpi sgt, %sub3A_760, %sign3A_763 : i32
    %sign3A_765 = arith.extui %sign3A_764 : i1 to i32
    %sign3A_766 = arith.constant 0 : i32
    %sign3A_767 = arith.cmpi slt, %sub3A_760, %sign3A_766 : i32
    %sign3A_768 = arith.extui %sign3A_767 : i1 to i32
    %sign3A_769 = arith.subi %sign3A_765, %sign3A_768 : i32
    %sign3A_770 = arith.constant 0 : i32
    %sign3A_771 = arith.cmpi sgt, %jit3A_761, %sign3A_770 : i32
    %sign3A_772 = arith.extui %sign3A_771 : i1 to i32
    %sign3A_773 = arith.constant 0 : i32
    %sign3A_774 = arith.cmpi slt, %jit3A_761, %sign3A_773 : i32
    %sign3A_775 = arith.extui %sign3A_774 : i1 to i32
    %sign3A_776 = arith.subi %sign3A_772, %sign3A_775 : i32
    %ne3A_777 = arith.cmpi ne, %sign3A_769, %sign3A_776 : i32
    %rem3A_778 = arith.remsi %sub3A_760, %jit3A_761 : i32
    %ne3A_779 = arith.constant 0 : i32
    %ne3A_780 = arith.cmpi ne, %rem3A_778, %ne3A_779 : i32
    %and3A_781 = arith.andi %ne3A_777, %ne3A_780 : i1
    %sub3A_782 = arith.constant 1 : i32
    %sub3A_783 = arith.subi %div3A_762, %sub3A_782 : i32
    %select_n3A_784 = arith.select %and3A_781, %sub3A_783, %div3A_762 : i32
    %mul3A_785 = arith.constant 8192 : i32
    %mul3A_786 = arith.muli %select_n3A_757, %mul3A_785 : i32
    %add3A_787 = arith.addi %mul3A_786, %sub3A_760 : i32
    %mul3A_788 = arith.constant 8192 : i32
    %mul3A_789 = arith.muli %select_n3A_784, %mul3A_788 : i32
    %sub3A_790 = arith.subi %add3A_787, %mul3A_789 : i32
    %mul3A_791 = arith.constant 64 : i32
    %mul3A_792 = arith.muli %select_n3A_784, %mul3A_791 : i32
    "tpu.region"() ({
      %run_scoped3A = tpu.sem_alloc : memref<!tpu.dma_semaphore, #tpu.memory_space<semaphore_mem>>
      %dma_start3A_1913 = tpu.memref_slice %arg4[%sub3A_790, %mul3A_792] : memref<163840x128xf32, #tpu.memory_space<hbm>> -> memref<512x64xf32, #tpu.memory_space<hbm>>
      %dma_start3A_1914 = tpu.memref_slice %arg4[%sub3A_790, %mul3A_792] : memref<163840x128xf32, #tpu.memory_space<hbm>> -> memref<512x64xf32, #tpu.memory_space<hbm>>
      tpu.enqueue_dma source(%arg8 : memref<512x64xf32, #tpu.memory_space<vmem>>) target(%dma_start3A_1914 : memref<512x64xf32, #tpu.memory_space<hbm>>) target_semaphore(%run_scoped3A : memref<!tpu.dma_semaphore, #tpu.memory_space<semaphore_mem>>)
      %dma_wait3A_1915 = tpu.memref_slice %arg4[%sub3A_790, %mul3A_792] : memref<163840x128xf32, #tpu.memory_space<hbm>> -> memref<512x64xf32, #tpu.memory_space<hbm>>
      %dma_wait3A_1916 = tpu.memref_slice %arg4[%sub3A_790, %mul3A_792] : memref<163840x128xf32, #tpu.memory_space<hbm>> -> memref<512x64xf32, #tpu.memory_space<hbm>>
      tpu.wait_dma2 semaphore(%run_scoped3A : memref<!tpu.dma_semaphore, #tpu.memory_space<semaphore_mem>>) src(%arg8 : memref<512x64xf32, #tpu.memory_space<vmem>>) dst(%dma_wait3A_1916 : memref<512x64xf32, #tpu.memory_space<hbm>>)
      tpu.yield
    }) : () -> ()
    %add3A_793 = arith.constant 4608 : i32
    %add3A_794 = arith.addi %mul3A_2, %add3A_793 : i32
    %jit3A_795 = arith.constant 16384 : i32
    %div3A_796 = arith.divsi %add3A_794, %jit3A_795 : i32
    %sign3A_797 = arith.constant 0 : i32
    %sign3A_798 = arith.cmpi sgt, %add3A_794, %sign3A_797 : i32
    %sign3A_799 = arith.extui %sign3A_798 : i1 to i32
    %sign3A_800 = arith.constant 0 : i32
    %sign3A_801 = arith.cmpi slt, %add3A_794, %sign3A_800 : i32
    %sign3A_802 = arith.extui %sign3A_801 : i1 to i32
    %sign3A_803 = arith.subi %sign3A_799, %sign3A_802 : i32
    %sign3A_804 = arith.constant 0 : i32
    %sign3A_805 = arith.cmpi sgt, %jit3A_795, %sign3A_804 : i32
    %sign3A_806 = arith.extui %sign3A_805 : i1 to i32
    %sign3A_807 = arith.constant 0 : i32
    %sign3A_808 = arith.cmpi slt, %jit3A_795, %sign3A_807 : i32
    %sign3A_809 = arith.extui %sign3A_808 : i1 to i32
    %sign3A_810 = arith.subi %sign3A_806, %sign3A_809 : i32
    %ne3A_811 = arith.cmpi ne, %sign3A_803, %sign3A_810 : i32
    %rem3A_812 = arith.remsi %add3A_794, %jit3A_795 : i32
    %ne3A_813 = arith.constant 0 : i32
    %ne3A_814 = arith.cmpi ne, %rem3A_812, %ne3A_813 : i32
    %and3A_815 = arith.andi %ne3A_811, %ne3A_814 : i1
    %sub3A_816 = arith.constant 1 : i32
    %sub3A_817 = arith.subi %div3A_796, %sub3A_816 : i32
    %select_n3A_818 = arith.select %and3A_815, %sub3A_817, %div3A_796 : i32
    %mul3A_819 = arith.constant 16384 : i32
    %mul3A_820 = arith.muli %select_n3A_818, %mul3A_819 : i32
    %sub3A_821 = arith.subi %add3A_794, %mul3A_820 : i32
    "tpu.region"() ({
      %run_scoped3A = tpu.sem_alloc : memref<!tpu.dma_semaphore, #tpu.memory_space<semaphore_mem>>
      %dma_start3A_1913 = tpu.memref_slice %arg2[%select_n3A_818, %sub3A_821] : memref<20x16384xi32, #tpu.memory_space<hbm>> -> memref<1x512xi32, #tpu.memory_space<hbm>>
      %dma_start3A_1914 = tpu.memref_squeeze %dma_start3A_1913 : memref<1x512xi32, #tpu.memory_space<hbm>> -> memref<512xi32, #tpu.memory_space<hbm>>
      %dma_start3A_1915 = tpu.memref_slice %arg2[%select_n3A_818, %sub3A_821] : memref<20x16384xi32, #tpu.memory_space<hbm>> -> memref<1x512xi32, #tpu.memory_space<hbm>>
      %dma_start3A_1916 = tpu.memref_squeeze %dma_start3A_1915 : memref<1x512xi32, #tpu.memory_space<hbm>> -> memref<512xi32, #tpu.memory_space<hbm>>
      tpu.enqueue_dma source(%dma_start3A_1916 : memref<512xi32, #tpu.memory_space<hbm>>) target(%arg6 : memref<512xi32, #tpu.memory_space<vmem>>) target_semaphore(%run_scoped3A : memref<!tpu.dma_semaphore, #tpu.memory_space<semaphore_mem>>)
      %dma_wait3A_1917 = tpu.memref_slice %arg2[%select_n3A_818, %sub3A_821] : memref<20x16384xi32, #tpu.memory_space<hbm>> -> memref<1x512xi32, #tpu.memory_space<hbm>>
      %dma_wait3A_1918 = tpu.memref_squeeze %dma_wait3A_1917 : memref<1x512xi32, #tpu.memory_space<hbm>> -> memref<512xi32, #tpu.memory_space<hbm>>
      %dma_wait3A_1919 = tpu.memref_slice %arg2[%select_n3A_818, %sub3A_821] : memref<20x16384xi32, #tpu.memory_space<hbm>> -> memref<1x512xi32, #tpu.memory_space<hbm>>
      %dma_wait3A_1920 = tpu.memref_squeeze %dma_wait3A_1919 : memref<1x512xi32, #tpu.memory_space<hbm>> -> memref<512xi32, #tpu.memory_space<hbm>>
      tpu.wait_dma2 semaphore(%run_scoped3A : memref<!tpu.dma_semaphore, #tpu.memory_space<semaphore_mem>>) src(%dma_wait3A_1920 : memref<512xi32, #tpu.memory_space<hbm>>) dst(%arg6 : memref<512xi32, #tpu.memory_space<vmem>>)
      tpu.yield
    }) : () -> ()
    %dma_start3A_822 = arith.constant 0 : i32
    %dma_start3A_823 = arith.constant 0 : i32
    %dma_start3A_824 = tpu.memref_slice %arg3[%dma_start3A_822, %dma_start3A_823] : memref<1007616x64xf32, #tpu.memory_space<hbm>> -> memref<1007616x64xf32, #tpu.memory_space<hbm>>
    tpu.enqueue_indirect_dma source(%dma_start3A_824 : memref<1007616x64xf32, #tpu.memory_space<hbm>>) target(%arg8 : memref<512x64xf32, #tpu.memory_space<vmem>>) offsets(%arg6 : memref<512xi32, #tpu.memory_space<vmem>>) semaphore(%arg10 : memref<!tpu.dma_semaphore, #tpu.memory_space<semaphore_mem>>)
    %dma_wait3A_825 = arith.constant 0 : i32
    %dma_wait3A_826 = arith.constant 0 : i32
    %dma_wait3A_827 = tpu.memref_slice %arg3[%dma_wait3A_825, %dma_wait3A_826] : memref<1007616x64xf32, #tpu.memory_space<hbm>> -> memref<1007616x64xf32, #tpu.memory_space<hbm>>
    tpu.wait_indirect_dma semaphore(%arg9 : memref<!tpu.dma_semaphore, #tpu.memory_space<semaphore_mem>>) src(%dma_wait3A_827 : memref<1007616x64xf32, #tpu.memory_space<hbm>>) dst(%arg7 : memref<512x64xf32, #tpu.memory_space<vmem>>)
    %add3A_828 = arith.constant 4096 : i32
    %add3A_829 = arith.addi %mul3A_2, %add3A_828 : i32
    %jit3A_830 = arith.constant 16384 : i32
    %div3A_831 = arith.divsi %add3A_829, %jit3A_830 : i32
    %sign3A_832 = arith.constant 0 : i32
    %sign3A_833 = arith.cmpi sgt, %add3A_829, %sign3A_832 : i32
    %sign3A_834 = arith.extui %sign3A_833 : i1 to i32
    %sign3A_835 = arith.constant 0 : i32
    %sign3A_836 = arith.cmpi slt, %add3A_829, %sign3A_835 : i32
    %sign3A_837 = arith.extui %sign3A_836 : i1 to i32
    %sign3A_838 = arith.subi %sign3A_834, %sign3A_837 : i32
    %sign3A_839 = arith.constant 0 : i32
    %sign3A_840 = arith.cmpi sgt, %jit3A_830, %sign3A_839 : i32
    %sign3A_841 = arith.extui %sign3A_840 : i1 to i32
    %sign3A_842 = arith.constant 0 : i32
    %sign3A_843 = arith.cmpi slt, %jit3A_830, %sign3A_842 : i32
    %sign3A_844 = arith.extui %sign3A_843 : i1 to i32
    %sign3A_845 = arith.subi %sign3A_841, %sign3A_844 : i32
    %ne3A_846 = arith.cmpi ne, %sign3A_838, %sign3A_845 : i32
    %rem3A_847 = arith.remsi %add3A_829, %jit3A_830 : i32
    %ne3A_848 = arith.constant 0 : i32
    %ne3A_849 = arith.cmpi ne, %rem3A_847, %ne3A_848 : i32
    %and3A_850 = arith.andi %ne3A_846, %ne3A_849 : i1
    %sub3A_851 = arith.constant 1 : i32
    %sub3A_852 = arith.subi %div3A_831, %sub3A_851 : i32
    %select_n3A_853 = arith.select %and3A_850, %sub3A_852, %div3A_831 : i32
    %mul3A_854 = arith.constant 16384 : i32
    %mul3A_855 = arith.muli %select_n3A_853, %mul3A_854 : i32
    %sub3A_856 = arith.subi %add3A_829, %mul3A_855 : i32
    %jit3A_857 = arith.constant 8192 : i32
    %div3A_858 = arith.divsi %sub3A_856, %jit3A_857 : i32
    %sign3A_859 = arith.constant 0 : i32
    %sign3A_860 = arith.cmpi sgt, %sub3A_856, %sign3A_859 : i32
    %sign3A_861 = arith.extui %sign3A_860 : i1 to i32
    %sign3A_862 = arith.constant 0 : i32
    %sign3A_863 = arith.cmpi slt, %sub3A_856, %sign3A_862 : i32
    %sign3A_864 = arith.extui %sign3A_863 : i1 to i32
    %sign3A_865 = arith.subi %sign3A_861, %sign3A_864 : i32
    %sign3A_866 = arith.constant 0 : i32
    %sign3A_867 = arith.cmpi sgt, %jit3A_857, %sign3A_866 : i32
    %sign3A_868 = arith.extui %sign3A_867 : i1 to i32
    %sign3A_869 = arith.constant 0 : i32
    %sign3A_870 = arith.cmpi slt, %jit3A_857, %sign3A_869 : i32
    %sign3A_871 = arith.extui %sign3A_870 : i1 to i32
    %sign3A_872 = arith.subi %sign3A_868, %sign3A_871 : i32
    %ne3A_873 = arith.cmpi ne, %sign3A_865, %sign3A_872 : i32
    %rem3A_874 = arith.remsi %sub3A_856, %jit3A_857 : i32
    %ne3A_875 = arith.constant 0 : i32
    %ne3A_876 = arith.cmpi ne, %rem3A_874, %ne3A_875 : i32
    %and3A_877 = arith.andi %ne3A_873, %ne3A_876 : i1
    %sub3A_878 = arith.constant 1 : i32
    %sub3A_879 = arith.subi %div3A_858, %sub3A_878 : i32
    %select_n3A_880 = arith.select %and3A_877, %sub3A_879, %div3A_858 : i32
    %mul3A_881 = arith.constant 8192 : i32
    %mul3A_882 = arith.muli %select_n3A_853, %mul3A_881 : i32
    %add3A_883 = arith.addi %mul3A_882, %sub3A_856 : i32
    %mul3A_884 = arith.constant 8192 : i32
    %mul3A_885 = arith.muli %select_n3A_880, %mul3A_884 : i32
    %sub3A_886 = arith.subi %add3A_883, %mul3A_885 : i32
    %mul3A_887 = arith.constant 64 : i32
    %mul3A_888 = arith.muli %select_n3A_880, %mul3A_887 : i32
    "tpu.region"() ({
      %run_scoped3A = tpu.sem_alloc : memref<!tpu.dma_semaphore, #tpu.memory_space<semaphore_mem>>
      %dma_start3A_1913 = tpu.memref_slice %arg4[%sub3A_886, %mul3A_888] : memref<163840x128xf32, #tpu.memory_space<hbm>> -> memref<512x64xf32, #tpu.memory_space<hbm>>
      %dma_start3A_1914 = tpu.memref_slice %arg4[%sub3A_886, %mul3A_888] : memref<163840x128xf32, #tpu.memory_space<hbm>> -> memref<512x64xf32, #tpu.memory_space<hbm>>
      tpu.enqueue_dma source(%arg7 : memref<512x64xf32, #tpu.memory_space<vmem>>) target(%dma_start3A_1914 : memref<512x64xf32, #tpu.memory_space<hbm>>) target_semaphore(%run_scoped3A : memref<!tpu.dma_semaphore, #tpu.memory_space<semaphore_mem>>)
      %dma_wait3A_1915 = tpu.memref_slice %arg4[%sub3A_886, %mul3A_888] : memref<163840x128xf32, #tpu.memory_space<hbm>> -> memref<512x64xf32, #tpu.memory_space<hbm>>
      %dma_wait3A_1916 = tpu.memref_slice %arg4[%sub3A_886, %mul3A_888] : memref<163840x128xf32, #tpu.memory_space<hbm>> -> memref<512x64xf32, #tpu.memory_space<hbm>>
      tpu.wait_dma2 semaphore(%run_scoped3A : memref<!tpu.dma_semaphore, #tpu.memory_space<semaphore_mem>>) src(%arg7 : memref<512x64xf32, #tpu.memory_space<vmem>>) dst(%dma_wait3A_1916 : memref<512x64xf32, #tpu.memory_space<hbm>>)
      tpu.yield
    }) : () -> ()
    %add3A_889 = arith.constant 5120 : i32
    %add3A_890 = arith.addi %mul3A_2, %add3A_889 : i32
    %jit3A_891 = arith.constant 16384 : i32
    %div3A_892 = arith.divsi %add3A_890, %jit3A_891 : i32
    %sign3A_893 = arith.constant 0 : i32
    %sign3A_894 = arith.cmpi sgt, %add3A_890, %sign3A_893 : i32
    %sign3A_895 = arith.extui %sign3A_894 : i1 to i32
    %sign3A_896 = arith.constant 0 : i32
    %sign3A_897 = arith.cmpi slt, %add3A_890, %sign3A_896 : i32
    %sign3A_898 = arith.extui %sign3A_897 : i1 to i32
    %sign3A_899 = arith.subi %sign3A_895, %sign3A_898 : i32
    %sign3A_900 = arith.constant 0 : i32
    %sign3A_901 = arith.cmpi sgt, %jit3A_891, %sign3A_900 : i32
    %sign3A_902 = arith.extui %sign3A_901 : i1 to i32
    %sign3A_903 = arith.constant 0 : i32
    %sign3A_904 = arith.cmpi slt, %jit3A_891, %sign3A_903 : i32
    %sign3A_905 = arith.extui %sign3A_904 : i1 to i32
    %sign3A_906 = arith.subi %sign3A_902, %sign3A_905 : i32
    %ne3A_907 = arith.cmpi ne, %sign3A_899, %sign3A_906 : i32
    %rem3A_908 = arith.remsi %add3A_890, %jit3A_891 : i32
    %ne3A_909 = arith.constant 0 : i32
    %ne3A_910 = arith.cmpi ne, %rem3A_908, %ne3A_909 : i32
    %and3A_911 = arith.andi %ne3A_907, %ne3A_910 : i1
    %sub3A_912 = arith.constant 1 : i32
    %sub3A_913 = arith.subi %div3A_892, %sub3A_912 : i32
    %select_n3A_914 = arith.select %and3A_911, %sub3A_913, %div3A_892 : i32
    %mul3A_915 = arith.constant 16384 : i32
    %mul3A_916 = arith.muli %select_n3A_914, %mul3A_915 : i32
    %sub3A_917 = arith.subi %add3A_890, %mul3A_916 : i32
    "tpu.region"() ({
      %run_scoped3A = tpu.sem_alloc : memref<!tpu.dma_semaphore, #tpu.memory_space<semaphore_mem>>
      %dma_start3A_1913 = tpu.memref_slice %arg2[%select_n3A_914, %sub3A_917] : memref<20x16384xi32, #tpu.memory_space<hbm>> -> memref<1x512xi32, #tpu.memory_space<hbm>>
      %dma_start3A_1914 = tpu.memref_squeeze %dma_start3A_1913 : memref<1x512xi32, #tpu.memory_space<hbm>> -> memref<512xi32, #tpu.memory_space<hbm>>
      %dma_start3A_1915 = tpu.memref_slice %arg2[%select_n3A_914, %sub3A_917] : memref<20x16384xi32, #tpu.memory_space<hbm>> -> memref<1x512xi32, #tpu.memory_space<hbm>>
      %dma_start3A_1916 = tpu.memref_squeeze %dma_start3A_1915 : memref<1x512xi32, #tpu.memory_space<hbm>> -> memref<512xi32, #tpu.memory_space<hbm>>
      tpu.enqueue_dma source(%dma_start3A_1916 : memref<512xi32, #tpu.memory_space<hbm>>) target(%arg5 : memref<512xi32, #tpu.memory_space<vmem>>) target_semaphore(%run_scoped3A : memref<!tpu.dma_semaphore, #tpu.memory_space<semaphore_mem>>)
      %dma_wait3A_1917 = tpu.memref_slice %arg2[%select_n3A_914, %sub3A_917] : memref<20x16384xi32, #tpu.memory_space<hbm>> -> memref<1x512xi32, #tpu.memory_space<hbm>>
      %dma_wait3A_1918 = tpu.memref_squeeze %dma_wait3A_1917 : memref<1x512xi32, #tpu.memory_space<hbm>> -> memref<512xi32, #tpu.memory_space<hbm>>
      %dma_wait3A_1919 = tpu.memref_slice %arg2[%select_n3A_914, %sub3A_917] : memref<20x16384xi32, #tpu.memory_space<hbm>> -> memref<1x512xi32, #tpu.memory_space<hbm>>
      %dma_wait3A_1920 = tpu.memref_squeeze %dma_wait3A_1919 : memref<1x512xi32, #tpu.memory_space<hbm>> -> memref<512xi32, #tpu.memory_space<hbm>>
      tpu.wait_dma2 semaphore(%run_scoped3A : memref<!tpu.dma_semaphore, #tpu.memory_space<semaphore_mem>>) src(%dma_wait3A_1920 : memref<512xi32, #tpu.memory_space<hbm>>) dst(%arg5 : memref<512xi32, #tpu.memory_space<vmem>>)
      tpu.yield
    }) : () -> ()
    %dma_start3A_918 = arith.constant 0 : i32
    %dma_start3A_919 = arith.constant 0 : i32
    %dma_start3A_920 = tpu.memref_slice %arg3[%dma_start3A_918, %dma_start3A_919] : memref<1007616x64xf32, #tpu.memory_space<hbm>> -> memref<1007616x64xf32, #tpu.memory_space<hbm>>
    tpu.enqueue_indirect_dma source(%dma_start3A_920 : memref<1007616x64xf32, #tpu.memory_space<hbm>>) target(%arg7 : memref<512x64xf32, #tpu.memory_space<vmem>>) offsets(%arg5 : memref<512xi32, #tpu.memory_space<vmem>>) semaphore(%arg9 : memref<!tpu.dma_semaphore, #tpu.memory_space<semaphore_mem>>)
    %dma_wait3A_921 = arith.constant 0 : i32
    %dma_wait3A_922 = arith.constant 0 : i32
    %dma_wait3A_923 = tpu.memref_slice %arg3[%dma_wait3A_921, %dma_wait3A_922] : memref<1007616x64xf32, #tpu.memory_space<hbm>> -> memref<1007616x64xf32, #tpu.memory_space<hbm>>
    tpu.wait_indirect_dma semaphore(%arg10 : memref<!tpu.dma_semaphore, #tpu.memory_space<semaphore_mem>>) src(%dma_wait3A_923 : memref<1007616x64xf32, #tpu.memory_space<hbm>>) dst(%arg8 : memref<512x64xf32, #tpu.memory_space<vmem>>)
    %add3A_924 = arith.constant 4608 : i32
    %add3A_925 = arith.addi %mul3A_2, %add3A_924 : i32
    %jit3A_926 = arith.constant 16384 : i32
    %div3A_927 = arith.divsi %add3A_925, %jit3A_926 : i32
    %sign3A_928 = arith.constant 0 : i32
    %sign3A_929 = arith.cmpi sgt, %add3A_925, %sign3A_928 : i32
    %sign3A_930 = arith.extui %sign3A_929 : i1 to i32
    %sign3A_931 = arith.constant 0 : i32
    %sign3A_932 = arith.cmpi slt, %add3A_925, %sign3A_931 : i32
    %sign3A_933 = arith.extui %sign3A_932 : i1 to i32
    %sign3A_934 = arith.subi %sign3A_930, %sign3A_933 : i32
    %sign3A_935 = arith.constant 0 : i32
    %sign3A_936 = arith.cmpi sgt, %jit3A_926, %sign3A_935 : i32
    %sign3A_937 = arith.extui %sign3A_936 : i1 to i32
    %sign3A_938 = arith.constant 0 : i32
    %sign3A_939 = arith.cmpi slt, %jit3A_926, %sign3A_938 : i32
    %sign3A_940 = arith.extui %sign3A_939 : i1 to i32
    %sign3A_941 = arith.subi %sign3A_937, %sign3A_940 : i32
    %ne3A_942 = arith.cmpi ne, %sign3A_934, %sign3A_941 : i32
    %rem3A_943 = arith.remsi %add3A_925, %jit3A_926 : i32
    %ne3A_944 = arith.constant 0 : i32
    %ne3A_945 = arith.cmpi ne, %rem3A_943, %ne3A_944 : i32
    %and3A_946 = arith.andi %ne3A_942, %ne3A_945 : i1
    %sub3A_947 = arith.constant 1 : i32
    %sub3A_948 = arith.subi %div3A_927, %sub3A_947 : i32
    %select_n3A_949 = arith.select %and3A_946, %sub3A_948, %div3A_927 : i32
    %mul3A_950 = arith.constant 16384 : i32
    %mul3A_951 = arith.muli %select_n3A_949, %mul3A_950 : i32
    %sub3A_952 = arith.subi %add3A_925, %mul3A_951 : i32
    %jit3A_953 = arith.constant 8192 : i32
    %div3A_954 = arith.divsi %sub3A_952, %jit3A_953 : i32
    %sign3A_955 = arith.constant 0 : i32
    %sign3A_956 = arith.cmpi sgt, %sub3A_952, %sign3A_955 : i32
    %sign3A_957 = arith.extui %sign3A_956 : i1 to i32
    %sign3A_958 = arith.constant 0 : i32
    %sign3A_959 = arith.cmpi slt, %sub3A_952, %sign3A_958 : i32
    %sign3A_960 = arith.extui %sign3A_959 : i1 to i32
    %sign3A_961 = arith.subi %sign3A_957, %sign3A_960 : i32
    %sign3A_962 = arith.constant 0 : i32
    %sign3A_963 = arith.cmpi sgt, %jit3A_953, %sign3A_962 : i32
    %sign3A_964 = arith.extui %sign3A_963 : i1 to i32
    %sign3A_965 = arith.constant 0 : i32
    %sign3A_966 = arith.cmpi slt, %jit3A_953, %sign3A_965 : i32
    %sign3A_967 = arith.extui %sign3A_966 : i1 to i32
    %sign3A_968 = arith.subi %sign3A_964, %sign3A_967 : i32
    %ne3A_969 = arith.cmpi ne, %sign3A_961, %sign3A_968 : i32
    %rem3A_970 = arith.remsi %sub3A_952, %jit3A_953 : i32
    %ne3A_971 = arith.constant 0 : i32
    %ne3A_972 = arith.cmpi ne, %rem3A_970, %ne3A_971 : i32
    %and3A_973 = arith.andi %ne3A_969, %ne3A_972 : i1
    %sub3A_974 = arith.constant 1 : i32
    %sub3A_975 = arith.subi %div3A_954, %sub3A_974 : i32
    %select_n3A_976 = arith.select %and3A_973, %sub3A_975, %div3A_954 : i32
    %mul3A_977 = arith.constant 8192 : i32
    %mul3A_978 = arith.muli %select_n3A_949, %mul3A_977 : i32
    %add3A_979 = arith.addi %mul3A_978, %sub3A_952 : i32
    %mul3A_980 = arith.constant 8192 : i32
    %mul3A_981 = arith.muli %select_n3A_976, %mul3A_980 : i32
    %sub3A_982 = arith.subi %add3A_979, %mul3A_981 : i32
    %mul3A_983 = arith.constant 64 : i32
    %mul3A_984 = arith.muli %select_n3A_976, %mul3A_983 : i32
    "tpu.region"() ({
      %run_scoped3A = tpu.sem_alloc : memref<!tpu.dma_semaphore, #tpu.memory_space<semaphore_mem>>
      %dma_start3A_1913 = tpu.memref_slice %arg4[%sub3A_982, %mul3A_984] : memref<163840x128xf32, #tpu.memory_space<hbm>> -> memref<512x64xf32, #tpu.memory_space<hbm>>
      %dma_start3A_1914 = tpu.memref_slice %arg4[%sub3A_982, %mul3A_984] : memref<163840x128xf32, #tpu.memory_space<hbm>> -> memref<512x64xf32, #tpu.memory_space<hbm>>
      tpu.enqueue_dma source(%arg8 : memref<512x64xf32, #tpu.memory_space<vmem>>) target(%dma_start3A_1914 : memref<512x64xf32, #tpu.memory_space<hbm>>) target_semaphore(%run_scoped3A : memref<!tpu.dma_semaphore, #tpu.memory_space<semaphore_mem>>)
      %dma_wait3A_1915 = tpu.memref_slice %arg4[%sub3A_982, %mul3A_984] : memref<163840x128xf32, #tpu.memory_space<hbm>> -> memref<512x64xf32, #tpu.memory_space<hbm>>
      %dma_wait3A_1916 = tpu.memref_slice %arg4[%sub3A_982, %mul3A_984] : memref<163840x128xf32, #tpu.memory_space<hbm>> -> memref<512x64xf32, #tpu.memory_space<hbm>>
      tpu.wait_dma2 semaphore(%run_scoped3A : memref<!tpu.dma_semaphore, #tpu.memory_space<semaphore_mem>>) src(%arg8 : memref<512x64xf32, #tpu.memory_space<vmem>>) dst(%dma_wait3A_1916 : memref<512x64xf32, #tpu.memory_space<hbm>>)
      tpu.yield
    }) : () -> ()
    %add3A_985 = arith.constant 5632 : i32
    %add3A_986 = arith.addi %mul3A_2, %add3A_985 : i32
    %jit3A_987 = arith.constant 16384 : i32
    %div3A_988 = arith.divsi %add3A_986, %jit3A_987 : i32
    %sign3A_989 = arith.constant 0 : i32
    %sign3A_990 = arith.cmpi sgt, %add3A_986, %sign3A_989 : i32
    %sign3A_991 = arith.extui %sign3A_990 : i1 to i32
    %sign3A_992 = arith.constant 0 : i32
    %sign3A_993 = arith.cmpi slt, %add3A_986, %sign3A_992 : i32
    %sign3A_994 = arith.extui %sign3A_993 : i1 to i32
    %sign3A_995 = arith.subi %sign3A_991, %sign3A_994 : i32
    %sign3A_996 = arith.constant 0 : i32
    %sign3A_997 = arith.cmpi sgt, %jit3A_987, %sign3A_996 : i32
    %sign3A_998 = arith.extui %sign3A_997 : i1 to i32
    %sign3A_999 = arith.constant 0 : i32
    %sign3A_1000 = arith.cmpi slt, %jit3A_987, %sign3A_999 : i32
    %sign3A_1001 = arith.extui %sign3A_1000 : i1 to i32
    %sign3A_1002 = arith.subi %sign3A_998, %sign3A_1001 : i32
    %ne3A_1003 = arith.cmpi ne, %sign3A_995, %sign3A_1002 : i32
    %rem3A_1004 = arith.remsi %add3A_986, %jit3A_987 : i32
    %ne3A_1005 = arith.constant 0 : i32
    %ne3A_1006 = arith.cmpi ne, %rem3A_1004, %ne3A_1005 : i32
    %and3A_1007 = arith.andi %ne3A_1003, %ne3A_1006 : i1
    %sub3A_1008 = arith.constant 1 : i32
    %sub3A_1009 = arith.subi %div3A_988, %sub3A_1008 : i32
    %select_n3A_1010 = arith.select %and3A_1007, %sub3A_1009, %div3A_988 : i32
    %mul3A_1011 = arith.constant 16384 : i32
    %mul3A_1012 = arith.muli %select_n3A_1010, %mul3A_1011 : i32
    %sub3A_1013 = arith.subi %add3A_986, %mul3A_1012 : i32
    "tpu.region"() ({
      %run_scoped3A = tpu.sem_alloc : memref<!tpu.dma_semaphore, #tpu.memory_space<semaphore_mem>>
      %dma_start3A_1913 = tpu.memref_slice %arg2[%select_n3A_1010, %sub3A_1013] : memref<20x16384xi32, #tpu.memory_space<hbm>> -> memref<1x512xi32, #tpu.memory_space<hbm>>
      %dma_start3A_1914 = tpu.memref_squeeze %dma_start3A_1913 : memref<1x512xi32, #tpu.memory_space<hbm>> -> memref<512xi32, #tpu.memory_space<hbm>>
      %dma_start3A_1915 = tpu.memref_slice %arg2[%select_n3A_1010, %sub3A_1013] : memref<20x16384xi32, #tpu.memory_space<hbm>> -> memref<1x512xi32, #tpu.memory_space<hbm>>
      %dma_start3A_1916 = tpu.memref_squeeze %dma_start3A_1915 : memref<1x512xi32, #tpu.memory_space<hbm>> -> memref<512xi32, #tpu.memory_space<hbm>>
      tpu.enqueue_dma source(%dma_start3A_1916 : memref<512xi32, #tpu.memory_space<hbm>>) target(%arg6 : memref<512xi32, #tpu.memory_space<vmem>>) target_semaphore(%run_scoped3A : memref<!tpu.dma_semaphore, #tpu.memory_space<semaphore_mem>>)
      %dma_wait3A_1917 = tpu.memref_slice %arg2[%select_n3A_1010, %sub3A_1013] : memref<20x16384xi32, #tpu.memory_space<hbm>> -> memref<1x512xi32, #tpu.memory_space<hbm>>
      %dma_wait3A_1918 = tpu.memref_squeeze %dma_wait3A_1917 : memref<1x512xi32, #tpu.memory_space<hbm>> -> memref<512xi32, #tpu.memory_space<hbm>>
      %dma_wait3A_1919 = tpu.memref_slice %arg2[%select_n3A_1010, %sub3A_1013] : memref<20x16384xi32, #tpu.memory_space<hbm>> -> memref<1x512xi32, #tpu.memory_space<hbm>>
      %dma_wait3A_1920 = tpu.memref_squeeze %dma_wait3A_1919 : memref<1x512xi32, #tpu.memory_space<hbm>> -> memref<512xi32, #tpu.memory_space<hbm>>
      tpu.wait_dma2 semaphore(%run_scoped3A : memref<!tpu.dma_semaphore, #tpu.memory_space<semaphore_mem>>) src(%dma_wait3A_1920 : memref<512xi32, #tpu.memory_space<hbm>>) dst(%arg6 : memref<512xi32, #tpu.memory_space<vmem>>)
      tpu.yield
    }) : () -> ()
    %dma_start3A_1014 = arith.constant 0 : i32
    %dma_start3A_1015 = arith.constant 0 : i32
    %dma_start3A_1016 = tpu.memref_slice %arg3[%dma_start3A_1014, %dma_start3A_1015] : memref<1007616x64xf32, #tpu.memory_space<hbm>> -> memref<1007616x64xf32, #tpu.memory_space<hbm>>
    tpu.enqueue_indirect_dma source(%dma_start3A_1016 : memref<1007616x64xf32, #tpu.memory_space<hbm>>) target(%arg8 : memref<512x64xf32, #tpu.memory_space<vmem>>) offsets(%arg6 : memref<512xi32, #tpu.memory_space<vmem>>) semaphore(%arg10 : memref<!tpu.dma_semaphore, #tpu.memory_space<semaphore_mem>>)
    %dma_wait3A_1017 = arith.constant 0 : i32
    %dma_wait3A_1018 = arith.constant 0 : i32
    %dma_wait3A_1019 = tpu.memref_slice %arg3[%dma_wait3A_1017, %dma_wait3A_1018] : memref<1007616x64xf32, #tpu.memory_space<hbm>> -> memref<1007616x64xf32, #tpu.memory_space<hbm>>
    tpu.wait_indirect_dma semaphore(%arg9 : memref<!tpu.dma_semaphore, #tpu.memory_space<semaphore_mem>>) src(%dma_wait3A_1019 : memref<1007616x64xf32, #tpu.memory_space<hbm>>) dst(%arg7 : memref<512x64xf32, #tpu.memory_space<vmem>>)
    %add3A_1020 = arith.constant 5120 : i32
    %add3A_1021 = arith.addi %mul3A_2, %add3A_1020 : i32
    %jit3A_1022 = arith.constant 16384 : i32
    %div3A_1023 = arith.divsi %add3A_1021, %jit3A_1022 : i32
    %sign3A_1024 = arith.constant 0 : i32
    %sign3A_1025 = arith.cmpi sgt, %add3A_1021, %sign3A_1024 : i32
    %sign3A_1026 = arith.extui %sign3A_1025 : i1 to i32
    %sign3A_1027 = arith.constant 0 : i32
    %sign3A_1028 = arith.cmpi slt, %add3A_1021, %sign3A_1027 : i32
    %sign3A_1029 = arith.extui %sign3A_1028 : i1 to i32
    %sign3A_1030 = arith.subi %sign3A_1026, %sign3A_1029 : i32
    %sign3A_1031 = arith.constant 0 : i32
    %sign3A_1032 = arith.cmpi sgt, %jit3A_1022, %sign3A_1031 : i32
    %sign3A_1033 = arith.extui %sign3A_1032 : i1 to i32
    %sign3A_1034 = arith.constant 0 : i32
    %sign3A_1035 = arith.cmpi slt, %jit3A_1022, %sign3A_1034 : i32
    %sign3A_1036 = arith.extui %sign3A_1035 : i1 to i32
    %sign3A_1037 = arith.subi %sign3A_1033, %sign3A_1036 : i32
    %ne3A_1038 = arith.cmpi ne, %sign3A_1030, %sign3A_1037 : i32
    %rem3A_1039 = arith.remsi %add3A_1021, %jit3A_1022 : i32
    %ne3A_1040 = arith.constant 0 : i32
    %ne3A_1041 = arith.cmpi ne, %rem3A_1039, %ne3A_1040 : i32
    %and3A_1042 = arith.andi %ne3A_1038, %ne3A_1041 : i1
    %sub3A_1043 = arith.constant 1 : i32
    %sub3A_1044 = arith.subi %div3A_1023, %sub3A_1043 : i32
    %select_n3A_1045 = arith.select %and3A_1042, %sub3A_1044, %div3A_1023 : i32
    %mul3A_1046 = arith.constant 16384 : i32
    %mul3A_1047 = arith.muli %select_n3A_1045, %mul3A_1046 : i32
    %sub3A_1048 = arith.subi %add3A_1021, %mul3A_1047 : i32
    %jit3A_1049 = arith.constant 8192 : i32
    %div3A_1050 = arith.divsi %sub3A_1048, %jit3A_1049 : i32
    %sign3A_1051 = arith.constant 0 : i32
    %sign3A_1052 = arith.cmpi sgt, %sub3A_1048, %sign3A_1051 : i32
    %sign3A_1053 = arith.extui %sign3A_1052 : i1 to i32
    %sign3A_1054 = arith.constant 0 : i32
    %sign3A_1055 = arith.cmpi slt, %sub3A_1048, %sign3A_1054 : i32
    %sign3A_1056 = arith.extui %sign3A_1055 : i1 to i32
    %sign3A_1057 = arith.subi %sign3A_1053, %sign3A_1056 : i32
    %sign3A_1058 = arith.constant 0 : i32
    %sign3A_1059 = arith.cmpi sgt, %jit3A_1049, %sign3A_1058 : i32
    %sign3A_1060 = arith.extui %sign3A_1059 : i1 to i32
    %sign3A_1061 = arith.constant 0 : i32
    %sign3A_1062 = arith.cmpi slt, %jit3A_1049, %sign3A_1061 : i32
    %sign3A_1063 = arith.extui %sign3A_1062 : i1 to i32
    %sign3A_1064 = arith.subi %sign3A_1060, %sign3A_1063 : i32
    %ne3A_1065 = arith.cmpi ne, %sign3A_1057, %sign3A_1064 : i32
    %rem3A_1066 = arith.remsi %sub3A_1048, %jit3A_1049 : i32
    %ne3A_1067 = arith.constant 0 : i32
    %ne3A_1068 = arith.cmpi ne, %rem3A_1066, %ne3A_1067 : i32
    %and3A_1069 = arith.andi %ne3A_1065, %ne3A_1068 : i1
    %sub3A_1070 = arith.constant 1 : i32
    %sub3A_1071 = arith.subi %div3A_1050, %sub3A_1070 : i32
    %select_n3A_1072 = arith.select %and3A_1069, %sub3A_1071, %div3A_1050 : i32
    %mul3A_1073 = arith.constant 8192 : i32
    %mul3A_1074 = arith.muli %select_n3A_1045, %mul3A_1073 : i32
    %add3A_1075 = arith.addi %mul3A_1074, %sub3A_1048 : i32
    %mul3A_1076 = arith.constant 8192 : i32
    %mul3A_1077 = arith.muli %select_n3A_1072, %mul3A_1076 : i32
    %sub3A_1078 = arith.subi %add3A_1075, %mul3A_1077 : i32
    %mul3A_1079 = arith.constant 64 : i32
    %mul3A_1080 = arith.muli %select_n3A_1072, %mul3A_1079 : i32
    "tpu.region"() ({
      %run_scoped3A = tpu.sem_alloc : memref<!tpu.dma_semaphore, #tpu.memory_space<semaphore_mem>>
      %dma_start3A_1913 = tpu.memref_slice %arg4[%sub3A_1078, %mul3A_1080] : memref<163840x128xf32, #tpu.memory_space<hbm>> -> memref<512x64xf32, #tpu.memory_space<hbm>>
      %dma_start3A_1914 = tpu.memref_slice %arg4[%sub3A_1078, %mul3A_1080] : memref<163840x128xf32, #tpu.memory_space<hbm>> -> memref<512x64xf32, #tpu.memory_space<hbm>>
      tpu.enqueue_dma source(%arg7 : memref<512x64xf32, #tpu.memory_space<vmem>>) target(%dma_start3A_1914 : memref<512x64xf32, #tpu.memory_space<hbm>>) target_semaphore(%run_scoped3A : memref<!tpu.dma_semaphore, #tpu.memory_space<semaphore_mem>>)
      %dma_wait3A_1915 = tpu.memref_slice %arg4[%sub3A_1078, %mul3A_1080] : memref<163840x128xf32, #tpu.memory_space<hbm>> -> memref<512x64xf32, #tpu.memory_space<hbm>>
      %dma_wait3A_1916 = tpu.memref_slice %arg4[%sub3A_1078, %mul3A_1080] : memref<163840x128xf32, #tpu.memory_space<hbm>> -> memref<512x64xf32, #tpu.memory_space<hbm>>
      tpu.wait_dma2 semaphore(%run_scoped3A : memref<!tpu.dma_semaphore, #tpu.memory_space<semaphore_mem>>) src(%arg7 : memref<512x64xf32, #tpu.memory_space<vmem>>) dst(%dma_wait3A_1916 : memref<512x64xf32, #tpu.memory_space<hbm>>)
      tpu.yield
    }) : () -> ()
    %add3A_1081 = arith.constant 6144 : i32
    %add3A_1082 = arith.addi %mul3A_2, %add3A_1081 : i32
    %jit3A_1083 = arith.constant 16384 : i32
    %div3A_1084 = arith.divsi %add3A_1082, %jit3A_1083 : i32
    %sign3A_1085 = arith.constant 0 : i32
    %sign3A_1086 = arith.cmpi sgt, %add3A_1082, %sign3A_1085 : i32
    %sign3A_1087 = arith.extui %sign3A_1086 : i1 to i32
    %sign3A_1088 = arith.constant 0 : i32
    %sign3A_1089 = arith.cmpi slt, %add3A_1082, %sign3A_1088 : i32
    %sign3A_1090 = arith.extui %sign3A_1089 : i1 to i32
    %sign3A_1091 = arith.subi %sign3A_1087, %sign3A_1090 : i32
    %sign3A_1092 = arith.constant 0 : i32
    %sign3A_1093 = arith.cmpi sgt, %jit3A_1083, %sign3A_1092 : i32
    %sign3A_1094 = arith.extui %sign3A_1093 : i1 to i32
    %sign3A_1095 = arith.constant 0 : i32
    %sign3A_1096 = arith.cmpi slt, %jit3A_1083, %sign3A_1095 : i32
    %sign3A_1097 = arith.extui %sign3A_1096 : i1 to i32
    %sign3A_1098 = arith.subi %sign3A_1094, %sign3A_1097 : i32
    %ne3A_1099 = arith.cmpi ne, %sign3A_1091, %sign3A_1098 : i32
    %rem3A_1100 = arith.remsi %add3A_1082, %jit3A_1083 : i32
    %ne3A_1101 = arith.constant 0 : i32
    %ne3A_1102 = arith.cmpi ne, %rem3A_1100, %ne3A_1101 : i32
    %and3A_1103 = arith.andi %ne3A_1099, %ne3A_1102 : i1
    %sub3A_1104 = arith.constant 1 : i32
    %sub3A_1105 = arith.subi %div3A_1084, %sub3A_1104 : i32
    %select_n3A_1106 = arith.select %and3A_1103, %sub3A_1105, %div3A_1084 : i32
    %mul3A_1107 = arith.constant 16384 : i32
    %mul3A_1108 = arith.muli %select_n3A_1106, %mul3A_1107 : i32
    %sub3A_1109 = arith.subi %add3A_1082, %mul3A_1108 : i32
    "tpu.region"() ({
      %run_scoped3A = tpu.sem_alloc : memref<!tpu.dma_semaphore, #tpu.memory_space<semaphore_mem>>
      %dma_start3A_1913 = tpu.memref_slice %arg2[%select_n3A_1106, %sub3A_1109] : memref<20x16384xi32, #tpu.memory_space<hbm>> -> memref<1x512xi32, #tpu.memory_space<hbm>>
      %dma_start3A_1914 = tpu.memref_squeeze %dma_start3A_1913 : memref<1x512xi32, #tpu.memory_space<hbm>> -> memref<512xi32, #tpu.memory_space<hbm>>
      %dma_start3A_1915 = tpu.memref_slice %arg2[%select_n3A_1106, %sub3A_1109] : memref<20x16384xi32, #tpu.memory_space<hbm>> -> memref<1x512xi32, #tpu.memory_space<hbm>>
      %dma_start3A_1916 = tpu.memref_squeeze %dma_start3A_1915 : memref<1x512xi32, #tpu.memory_space<hbm>> -> memref<512xi32, #tpu.memory_space<hbm>>
      tpu.enqueue_dma source(%dma_start3A_1916 : memref<512xi32, #tpu.memory_space<hbm>>) target(%arg5 : memref<512xi32, #tpu.memory_space<vmem>>) target_semaphore(%run_scoped3A : memref<!tpu.dma_semaphore, #tpu.memory_space<semaphore_mem>>)
      %dma_wait3A_1917 = tpu.memref_slice %arg2[%select_n3A_1106, %sub3A_1109] : memref<20x16384xi32, #tpu.memory_space<hbm>> -> memref<1x512xi32, #tpu.memory_space<hbm>>
      %dma_wait3A_1918 = tpu.memref_squeeze %dma_wait3A_1917 : memref<1x512xi32, #tpu.memory_space<hbm>> -> memref<512xi32, #tpu.memory_space<hbm>>
      %dma_wait3A_1919 = tpu.memref_slice %arg2[%select_n3A_1106, %sub3A_1109] : memref<20x16384xi32, #tpu.memory_space<hbm>> -> memref<1x512xi32, #tpu.memory_space<hbm>>
      %dma_wait3A_1920 = tpu.memref_squeeze %dma_wait3A_1919 : memref<1x512xi32, #tpu.memory_space<hbm>> -> memref<512xi32, #tpu.memory_space<hbm>>
      tpu.wait_dma2 semaphore(%run_scoped3A : memref<!tpu.dma_semaphore, #tpu.memory_space<semaphore_mem>>) src(%dma_wait3A_1920 : memref<512xi32, #tpu.memory_space<hbm>>) dst(%arg5 : memref<512xi32, #tpu.memory_space<vmem>>)
      tpu.yield
    }) : () -> ()
    %dma_start3A_1110 = arith.constant 0 : i32
    %dma_start3A_1111 = arith.constant 0 : i32
    %dma_start3A_1112 = tpu.memref_slice %arg3[%dma_start3A_1110, %dma_start3A_1111] : memref<1007616x64xf32, #tpu.memory_space<hbm>> -> memref<1007616x64xf32, #tpu.memory_space<hbm>>
    tpu.enqueue_indirect_dma source(%dma_start3A_1112 : memref<1007616x64xf32, #tpu.memory_space<hbm>>) target(%arg7 : memref<512x64xf32, #tpu.memory_space<vmem>>) offsets(%arg5 : memref<512xi32, #tpu.memory_space<vmem>>) semaphore(%arg9 : memref<!tpu.dma_semaphore, #tpu.memory_space<semaphore_mem>>)
    %dma_wait3A_1113 = arith.constant 0 : i32
    %dma_wait3A_1114 = arith.constant 0 : i32
    %dma_wait3A_1115 = tpu.memref_slice %arg3[%dma_wait3A_1113, %dma_wait3A_1114] : memref<1007616x64xf32, #tpu.memory_space<hbm>> -> memref<1007616x64xf32, #tpu.memory_space<hbm>>
    tpu.wait_indirect_dma semaphore(%arg10 : memref<!tpu.dma_semaphore, #tpu.memory_space<semaphore_mem>>) src(%dma_wait3A_1115 : memref<1007616x64xf32, #tpu.memory_space<hbm>>) dst(%arg8 : memref<512x64xf32, #tpu.memory_space<vmem>>)
    %add3A_1116 = arith.constant 5632 : i32
    %add3A_1117 = arith.addi %mul3A_2, %add3A_1116 : i32
    %jit3A_1118 = arith.constant 16384 : i32
    %div3A_1119 = arith.divsi %add3A_1117, %jit3A_1118 : i32
    %sign3A_1120 = arith.constant 0 : i32
    %sign3A_1121 = arith.cmpi sgt, %add3A_1117, %sign3A_1120 : i32
    %sign3A_1122 = arith.extui %sign3A_1121 : i1 to i32
    %sign3A_1123 = arith.constant 0 : i32
    %sign3A_1124 = arith.cmpi slt, %add3A_1117, %sign3A_1123 : i32
    %sign3A_1125 = arith.extui %sign3A_1124 : i1 to i32
    %sign3A_1126 = arith.subi %sign3A_1122, %sign3A_1125 : i32
    %sign3A_1127 = arith.constant 0 : i32
    %sign3A_1128 = arith.cmpi sgt, %jit3A_1118, %sign3A_1127 : i32
    %sign3A_1129 = arith.extui %sign3A_1128 : i1 to i32
    %sign3A_1130 = arith.constant 0 : i32
    %sign3A_1131 = arith.cmpi slt, %jit3A_1118, %sign3A_1130 : i32
    %sign3A_1132 = arith.extui %sign3A_1131 : i1 to i32
    %sign3A_1133 = arith.subi %sign3A_1129, %sign3A_1132 : i32
    %ne3A_1134 = arith.cmpi ne, %sign3A_1126, %sign3A_1133 : i32
    %rem3A_1135 = arith.remsi %add3A_1117, %jit3A_1118 : i32
    %ne3A_1136 = arith.constant 0 : i32
    %ne3A_1137 = arith.cmpi ne, %rem3A_1135, %ne3A_1136 : i32
    %and3A_1138 = arith.andi %ne3A_1134, %ne3A_1137 : i1
    %sub3A_1139 = arith.constant 1 : i32
    %sub3A_1140 = arith.subi %div3A_1119, %sub3A_1139 : i32
    %select_n3A_1141 = arith.select %and3A_1138, %sub3A_1140, %div3A_1119 : i32
    %mul3A_1142 = arith.constant 16384 : i32
    %mul3A_1143 = arith.muli %select_n3A_1141, %mul3A_1142 : i32
    %sub3A_1144 = arith.subi %add3A_1117, %mul3A_1143 : i32
    %jit3A_1145 = arith.constant 8192 : i32
    %div3A_1146 = arith.divsi %sub3A_1144, %jit3A_1145 : i32
    %sign3A_1147 = arith.constant 0 : i32
    %sign3A_1148 = arith.cmpi sgt, %sub3A_1144, %sign3A_1147 : i32
    %sign3A_1149 = arith.extui %sign3A_1148 : i1 to i32
    %sign3A_1150 = arith.constant 0 : i32
    %sign3A_1151 = arith.cmpi slt, %sub3A_1144, %sign3A_1150 : i32
    %sign3A_1152 = arith.extui %sign3A_1151 : i1 to i32
    %sign3A_1153 = arith.subi %sign3A_1149, %sign3A_1152 : i32
    %sign3A_1154 = arith.constant 0 : i32
    %sign3A_1155 = arith.cmpi sgt, %jit3A_1145, %sign3A_1154 : i32
    %sign3A_1156 = arith.extui %sign3A_1155 : i1 to i32
    %sign3A_1157 = arith.constant 0 : i32
    %sign3A_1158 = arith.cmpi slt, %jit3A_1145, %sign3A_1157 : i32
    %sign3A_1159 = arith.extui %sign3A_1158 : i1 to i32
    %sign3A_1160 = arith.subi %sign3A_1156, %sign3A_1159 : i32
    %ne3A_1161 = arith.cmpi ne, %sign3A_1153, %sign3A_1160 : i32
    %rem3A_1162 = arith.remsi %sub3A_1144, %jit3A_1145 : i32
    %ne3A_1163 = arith.constant 0 : i32
    %ne3A_1164 = arith.cmpi ne, %rem3A_1162, %ne3A_1163 : i32
    %and3A_1165 = arith.andi %ne3A_1161, %ne3A_1164 : i1
    %sub3A_1166 = arith.constant 1 : i32
    %sub3A_1167 = arith.subi %div3A_1146, %sub3A_1166 : i32
    %select_n3A_1168 = arith.select %and3A_1165, %sub3A_1167, %div3A_1146 : i32
    %mul3A_1169 = arith.constant 8192 : i32
    %mul3A_1170 = arith.muli %select_n3A_1141, %mul3A_1169 : i32
    %add3A_1171 = arith.addi %mul3A_1170, %sub3A_1144 : i32
    %mul3A_1172 = arith.constant 8192 : i32
    %mul3A_1173 = arith.muli %select_n3A_1168, %mul3A_1172 : i32
    %sub3A_1174 = arith.subi %add3A_1171, %mul3A_1173 : i32
    %mul3A_1175 = arith.constant 64 : i32
    %mul3A_1176 = arith.muli %select_n3A_1168, %mul3A_1175 : i32
    "tpu.region"() ({
      %run_scoped3A = tpu.sem_alloc : memref<!tpu.dma_semaphore, #tpu.memory_space<semaphore_mem>>
      %dma_start3A_1913 = tpu.memref_slice %arg4[%sub3A_1174, %mul3A_1176] : memref<163840x128xf32, #tpu.memory_space<hbm>> -> memref<512x64xf32, #tpu.memory_space<hbm>>
      %dma_start3A_1914 = tpu.memref_slice %arg4[%sub3A_1174, %mul3A_1176] : memref<163840x128xf32, #tpu.memory_space<hbm>> -> memref<512x64xf32, #tpu.memory_space<hbm>>
      tpu.enqueue_dma source(%arg8 : memref<512x64xf32, #tpu.memory_space<vmem>>) target(%dma_start3A_1914 : memref<512x64xf32, #tpu.memory_space<hbm>>) target_semaphore(%run_scoped3A : memref<!tpu.dma_semaphore, #tpu.memory_space<semaphore_mem>>)
      %dma_wait3A_1915 = tpu.memref_slice %arg4[%sub3A_1174, %mul3A_1176] : memref<163840x128xf32, #tpu.memory_space<hbm>> -> memref<512x64xf32, #tpu.memory_space<hbm>>
      %dma_wait3A_1916 = tpu.memref_slice %arg4[%sub3A_1174, %mul3A_1176] : memref<163840x128xf32, #tpu.memory_space<hbm>> -> memref<512x64xf32, #tpu.memory_space<hbm>>
      tpu.wait_dma2 semaphore(%run_scoped3A : memref<!tpu.dma_semaphore, #tpu.memory_space<semaphore_mem>>) src(%arg8 : memref<512x64xf32, #tpu.memory_space<vmem>>) dst(%dma_wait3A_1916 : memref<512x64xf32, #tpu.memory_space<hbm>>)
      tpu.yield
    }) : () -> ()
    %add3A_1177 = arith.constant 6656 : i32
    %add3A_1178 = arith.addi %mul3A_2, %add3A_1177 : i32
    %jit3A_1179 = arith.constant 16384 : i32
    %div3A_1180 = arith.divsi %add3A_1178, %jit3A_1179 : i32
    %sign3A_1181 = arith.constant 0 : i32
    %sign3A_1182 = arith.cmpi sgt, %add3A_1178, %sign3A_1181 : i32
    %sign3A_1183 = arith.extui %sign3A_1182 : i1 to i32
    %sign3A_1184 = arith.constant 0 : i32
    %sign3A_1185 = arith.cmpi slt, %add3A_1178, %sign3A_1184 : i32
    %sign3A_1186 = arith.extui %sign3A_1185 : i1 to i32
    %sign3A_1187 = arith.subi %sign3A_1183, %sign3A_1186 : i32
    %sign3A_1188 = arith.constant 0 : i32
    %sign3A_1189 = arith.cmpi sgt, %jit3A_1179, %sign3A_1188 : i32
    %sign3A_1190 = arith.extui %sign3A_1189 : i1 to i32
    %sign3A_1191 = arith.constant 0 : i32
    %sign3A_1192 = arith.cmpi slt, %jit3A_1179, %sign3A_1191 : i32
    %sign3A_1193 = arith.extui %sign3A_1192 : i1 to i32
    %sign3A_1194 = arith.subi %sign3A_1190, %sign3A_1193 : i32
    %ne3A_1195 = arith.cmpi ne, %sign3A_1187, %sign3A_1194 : i32
    %rem3A_1196 = arith.remsi %add3A_1178, %jit3A_1179 : i32
    %ne3A_1197 = arith.constant 0 : i32
    %ne3A_1198 = arith.cmpi ne, %rem3A_1196, %ne3A_1197 : i32
    %and3A_1199 = arith.andi %ne3A_1195, %ne3A_1198 : i1
    %sub3A_1200 = arith.constant 1 : i32
    %sub3A_1201 = arith.subi %div3A_1180, %sub3A_1200 : i32
    %select_n3A_1202 = arith.select %and3A_1199, %sub3A_1201, %div3A_1180 : i32
    %mul3A_1203 = arith.constant 16384 : i32
    %mul3A_1204 = arith.muli %select_n3A_1202, %mul3A_1203 : i32
    %sub3A_1205 = arith.subi %add3A_1178, %mul3A_1204 : i32
    "tpu.region"() ({
      %run_scoped3A = tpu.sem_alloc : memref<!tpu.dma_semaphore, #tpu.memory_space<semaphore_mem>>
      %dma_start3A_1913 = tpu.memref_slice %arg2[%select_n3A_1202, %sub3A_1205] : memref<20x16384xi32, #tpu.memory_space<hbm>> -> memref<1x512xi32, #tpu.memory_space<hbm>>
      %dma_start3A_1914 = tpu.memref_squeeze %dma_start3A_1913 : memref<1x512xi32, #tpu.memory_space<hbm>> -> memref<512xi32, #tpu.memory_space<hbm>>
      %dma_start3A_1915 = tpu.memref_slice %arg2[%select_n3A_1202, %sub3A_1205] : memref<20x16384xi32, #tpu.memory_space<hbm>> -> memref<1x512xi32, #tpu.memory_space<hbm>>
      %dma_start3A_1916 = tpu.memref_squeeze %dma_start3A_1915 : memref<1x512xi32, #tpu.memory_space<hbm>> -> memref<512xi32, #tpu.memory_space<hbm>>
      tpu.enqueue_dma source(%dma_start3A_1916 : memref<512xi32, #tpu.memory_space<hbm>>) target(%arg6 : memref<512xi32, #tpu.memory_space<vmem>>) target_semaphore(%run_scoped3A : memref<!tpu.dma_semaphore, #tpu.memory_space<semaphore_mem>>)
      %dma_wait3A_1917 = tpu.memref_slice %arg2[%select_n3A_1202, %sub3A_1205] : memref<20x16384xi32, #tpu.memory_space<hbm>> -> memref<1x512xi32, #tpu.memory_space<hbm>>
      %dma_wait3A_1918 = tpu.memref_squeeze %dma_wait3A_1917 : memref<1x512xi32, #tpu.memory_space<hbm>> -> memref<512xi32, #tpu.memory_space<hbm>>
      %dma_wait3A_1919 = tpu.memref_slice %arg2[%select_n3A_1202, %sub3A_1205] : memref<20x16384xi32, #tpu.memory_space<hbm>> -> memref<1x512xi32, #tpu.memory_space<hbm>>
      %dma_wait3A_1920 = tpu.memref_squeeze %dma_wait3A_1919 : memref<1x512xi32, #tpu.memory_space<hbm>> -> memref<512xi32, #tpu.memory_space<hbm>>
      tpu.wait_dma2 semaphore(%run_scoped3A : memref<!tpu.dma_semaphore, #tpu.memory_space<semaphore_mem>>) src(%dma_wait3A_1920 : memref<512xi32, #tpu.memory_space<hbm>>) dst(%arg6 : memref<512xi32, #tpu.memory_space<vmem>>)
      tpu.yield
    }) : () -> ()
    %dma_start3A_1206 = arith.constant 0 : i32
    %dma_start3A_1207 = arith.constant 0 : i32
    %dma_start3A_1208 = tpu.memref_slice %arg3[%dma_start3A_1206, %dma_start3A_1207] : memref<1007616x64xf32, #tpu.memory_space<hbm>> -> memref<1007616x64xf32, #tpu.memory_space<hbm>>
    tpu.enqueue_indirect_dma source(%dma_start3A_1208 : memref<1007616x64xf32, #tpu.memory_space<hbm>>) target(%arg8 : memref<512x64xf32, #tpu.memory_space<vmem>>) offsets(%arg6 : memref<512xi32, #tpu.memory_space<vmem>>) semaphore(%arg10 : memref<!tpu.dma_semaphore, #tpu.memory_space<semaphore_mem>>)
    %dma_wait3A_1209 = arith.constant 0 : i32
    %dma_wait3A_1210 = arith.constant 0 : i32
    %dma_wait3A_1211 = tpu.memref_slice %arg3[%dma_wait3A_1209, %dma_wait3A_1210] : memref<1007616x64xf32, #tpu.memory_space<hbm>> -> memref<1007616x64xf32, #tpu.memory_space<hbm>>
    tpu.wait_indirect_dma semaphore(%arg9 : memref<!tpu.dma_semaphore, #tpu.memory_space<semaphore_mem>>) src(%dma_wait3A_1211 : memref<1007616x64xf32, #tpu.memory_space<hbm>>) dst(%arg7 : memref<512x64xf32, #tpu.memory_space<vmem>>)
    %add3A_1212 = arith.constant 6144 : i32
    %add3A_1213 = arith.addi %mul3A_2, %add3A_1212 : i32
    %jit3A_1214 = arith.constant 16384 : i32
    %div3A_1215 = arith.divsi %add3A_1213, %jit3A_1214 : i32
    %sign3A_1216 = arith.constant 0 : i32
    %sign3A_1217 = arith.cmpi sgt, %add3A_1213, %sign3A_1216 : i32
    %sign3A_1218 = arith.extui %sign3A_1217 : i1 to i32
    %sign3A_1219 = arith.constant 0 : i32
    %sign3A_1220 = arith.cmpi slt, %add3A_1213, %sign3A_1219 : i32
    %sign3A_1221 = arith.extui %sign3A_1220 : i1 to i32
    %sign3A_1222 = arith.subi %sign3A_1218, %sign3A_1221 : i32
    %sign3A_1223 = arith.constant 0 : i32
    %sign3A_1224 = arith.cmpi sgt, %jit3A_1214, %sign3A_1223 : i32
    %sign3A_1225 = arith.extui %sign3A_1224 : i1 to i32
    %sign3A_1226 = arith.constant 0 : i32
    %sign3A_1227 = arith.cmpi slt, %jit3A_1214, %sign3A_1226 : i32
    %sign3A_1228 = arith.extui %sign3A_1227 : i1 to i32
    %sign3A_1229 = arith.subi %sign3A_1225, %sign3A_1228 : i32
    %ne3A_1230 = arith.cmpi ne, %sign3A_1222, %sign3A_1229 : i32
    %rem3A_1231 = arith.remsi %add3A_1213, %jit3A_1214 : i32
    %ne3A_1232 = arith.constant 0 : i32
    %ne3A_1233 = arith.cmpi ne, %rem3A_1231, %ne3A_1232 : i32
    %and3A_1234 = arith.andi %ne3A_1230, %ne3A_1233 : i1
    %sub3A_1235 = arith.constant 1 : i32
    %sub3A_1236 = arith.subi %div3A_1215, %sub3A_1235 : i32
    %select_n3A_1237 = arith.select %and3A_1234, %sub3A_1236, %div3A_1215 : i32
    %mul3A_1238 = arith.constant 16384 : i32
    %mul3A_1239 = arith.muli %select_n3A_1237, %mul3A_1238 : i32
    %sub3A_1240 = arith.subi %add3A_1213, %mul3A_1239 : i32
    %jit3A_1241 = arith.constant 8192 : i32
    %div3A_1242 = arith.divsi %sub3A_1240, %jit3A_1241 : i32
    %sign3A_1243 = arith.constant 0 : i32
    %sign3A_1244 = arith.cmpi sgt, %sub3A_1240, %sign3A_1243 : i32
    %sign3A_1245 = arith.extui %sign3A_1244 : i1 to i32
    %sign3A_1246 = arith.constant 0 : i32
    %sign3A_1247 = arith.cmpi slt, %sub3A_1240, %sign3A_1246 : i32
    %sign3A_1248 = arith.extui %sign3A_1247 : i1 to i32
    %sign3A_1249 = arith.subi %sign3A_1245, %sign3A_1248 : i32
    %sign3A_1250 = arith.constant 0 : i32
    %sign3A_1251 = arith.cmpi sgt, %jit3A_1241, %sign3A_1250 : i32
    %sign3A_1252 = arith.extui %sign3A_1251 : i1 to i32
    %sign3A_1253 = arith.constant 0 : i32
    %sign3A_1254 = arith.cmpi slt, %jit3A_1241, %sign3A_1253 : i32
    %sign3A_1255 = arith.extui %sign3A_1254 : i1 to i32
    %sign3A_1256 = arith.subi %sign3A_1252, %sign3A_1255 : i32
    %ne3A_1257 = arith.cmpi ne, %sign3A_1249, %sign3A_1256 : i32
    %rem3A_1258 = arith.remsi %sub3A_1240, %jit3A_1241 : i32
    %ne3A_1259 = arith.constant 0 : i32
    %ne3A_1260 = arith.cmpi ne, %rem3A_1258, %ne3A_1259 : i32
    %and3A_1261 = arith.andi %ne3A_1257, %ne3A_1260 : i1
    %sub3A_1262 = arith.constant 1 : i32
    %sub3A_1263 = arith.subi %div3A_1242, %sub3A_1262 : i32
    %select_n3A_1264 = arith.select %and3A_1261, %sub3A_1263, %div3A_1242 : i32
    %mul3A_1265 = arith.constant 8192 : i32
    %mul3A_1266 = arith.muli %select_n3A_1237, %mul3A_1265 : i32
    %add3A_1267 = arith.addi %mul3A_1266, %sub3A_1240 : i32
    %mul3A_1268 = arith.constant 8192 : i32
    %mul3A_1269 = arith.muli %select_n3A_1264, %mul3A_1268 : i32
    %sub3A_1270 = arith.subi %add3A_1267, %mul3A_1269 : i32
    %mul3A_1271 = arith.constant 64 : i32
    %mul3A_1272 = arith.muli %select_n3A_1264, %mul3A_1271 : i32
    "tpu.region"() ({
      %run_scoped3A = tpu.sem_alloc : memref<!tpu.dma_semaphore, #tpu.memory_space<semaphore_mem>>
      %dma_start3A_1913 = tpu.memref_slice %arg4[%sub3A_1270, %mul3A_1272] : memref<163840x128xf32, #tpu.memory_space<hbm>> -> memref<512x64xf32, #tpu.memory_space<hbm>>
      %dma_start3A_1914 = tpu.memref_slice %arg4[%sub3A_1270, %mul3A_1272] : memref<163840x128xf32, #tpu.memory_space<hbm>> -> memref<512x64xf32, #tpu.memory_space<hbm>>
      tpu.enqueue_dma source(%arg7 : memref<512x64xf32, #tpu.memory_space<vmem>>) target(%dma_start3A_1914 : memref<512x64xf32, #tpu.memory_space<hbm>>) target_semaphore(%run_scoped3A : memref<!tpu.dma_semaphore, #tpu.memory_space<semaphore_mem>>)
      %dma_wait3A_1915 = tpu.memref_slice %arg4[%sub3A_1270, %mul3A_1272] : memref<163840x128xf32, #tpu.memory_space<hbm>> -> memref<512x64xf32, #tpu.memory_space<hbm>>
      %dma_wait3A_1916 = tpu.memref_slice %arg4[%sub3A_1270, %mul3A_1272] : memref<163840x128xf32, #tpu.memory_space<hbm>> -> memref<512x64xf32, #tpu.memory_space<hbm>>
      tpu.wait_dma2 semaphore(%run_scoped3A : memref<!tpu.dma_semaphore, #tpu.memory_space<semaphore_mem>>) src(%arg7 : memref<512x64xf32, #tpu.memory_space<vmem>>) dst(%dma_wait3A_1916 : memref<512x64xf32, #tpu.memory_space<hbm>>)
      tpu.yield
    }) : () -> ()
    %add3A_1273 = arith.constant 7168 : i32
    %add3A_1274 = arith.addi %mul3A_2, %add3A_1273 : i32
    %jit3A_1275 = arith.constant 16384 : i32
    %div3A_1276 = arith.divsi %add3A_1274, %jit3A_1275 : i32
    %sign3A_1277 = arith.constant 0 : i32
    %sign3A_1278 = arith.cmpi sgt, %add3A_1274, %sign3A_1277 : i32
    %sign3A_1279 = arith.extui %sign3A_1278 : i1 to i32
    %sign3A_1280 = arith.constant 0 : i32
    %sign3A_1281 = arith.cmpi slt, %add3A_1274, %sign3A_1280 : i32
    %sign3A_1282 = arith.extui %sign3A_1281 : i1 to i32
    %sign3A_1283 = arith.subi %sign3A_1279, %sign3A_1282 : i32
    %sign3A_1284 = arith.constant 0 : i32
    %sign3A_1285 = arith.cmpi sgt, %jit3A_1275, %sign3A_1284 : i32
    %sign3A_1286 = arith.extui %sign3A_1285 : i1 to i32
    %sign3A_1287 = arith.constant 0 : i32
    %sign3A_1288 = arith.cmpi slt, %jit3A_1275, %sign3A_1287 : i32
    %sign3A_1289 = arith.extui %sign3A_1288 : i1 to i32
    %sign3A_1290 = arith.subi %sign3A_1286, %sign3A_1289 : i32
    %ne3A_1291 = arith.cmpi ne, %sign3A_1283, %sign3A_1290 : i32
    %rem3A_1292 = arith.remsi %add3A_1274, %jit3A_1275 : i32
    %ne3A_1293 = arith.constant 0 : i32
    %ne3A_1294 = arith.cmpi ne, %rem3A_1292, %ne3A_1293 : i32
    %and3A_1295 = arith.andi %ne3A_1291, %ne3A_1294 : i1
    %sub3A_1296 = arith.constant 1 : i32
    %sub3A_1297 = arith.subi %div3A_1276, %sub3A_1296 : i32
    %select_n3A_1298 = arith.select %and3A_1295, %sub3A_1297, %div3A_1276 : i32
    %mul3A_1299 = arith.constant 16384 : i32
    %mul3A_1300 = arith.muli %select_n3A_1298, %mul3A_1299 : i32
    %sub3A_1301 = arith.subi %add3A_1274, %mul3A_1300 : i32
    "tpu.region"() ({
      %run_scoped3A = tpu.sem_alloc : memref<!tpu.dma_semaphore, #tpu.memory_space<semaphore_mem>>
      %dma_start3A_1913 = tpu.memref_slice %arg2[%select_n3A_1298, %sub3A_1301] : memref<20x16384xi32, #tpu.memory_space<hbm>> -> memref<1x512xi32, #tpu.memory_space<hbm>>
      %dma_start3A_1914 = tpu.memref_squeeze %dma_start3A_1913 : memref<1x512xi32, #tpu.memory_space<hbm>> -> memref<512xi32, #tpu.memory_space<hbm>>
      %dma_start3A_1915 = tpu.memref_slice %arg2[%select_n3A_1298, %sub3A_1301] : memref<20x16384xi32, #tpu.memory_space<hbm>> -> memref<1x512xi32, #tpu.memory_space<hbm>>
      %dma_start3A_1916 = tpu.memref_squeeze %dma_start3A_1915 : memref<1x512xi32, #tpu.memory_space<hbm>> -> memref<512xi32, #tpu.memory_space<hbm>>
      tpu.enqueue_dma source(%dma_start3A_1916 : memref<512xi32, #tpu.memory_space<hbm>>) target(%arg5 : memref<512xi32, #tpu.memory_space<vmem>>) target_semaphore(%run_scoped3A : memref<!tpu.dma_semaphore, #tpu.memory_space<semaphore_mem>>)
      %dma_wait3A_1917 = tpu.memref_slice %arg2[%select_n3A_1298, %sub3A_1301] : memref<20x16384xi32, #tpu.memory_space<hbm>> -> memref<1x512xi32, #tpu.memory_space<hbm>>
      %dma_wait3A_1918 = tpu.memref_squeeze %dma_wait3A_1917 : memref<1x512xi32, #tpu.memory_space<hbm>> -> memref<512xi32, #tpu.memory_space<hbm>>
      %dma_wait3A_1919 = tpu.memref_slice %arg2[%select_n3A_1298, %sub3A_1301] : memref<20x16384xi32, #tpu.memory_space<hbm>> -> memref<1x512xi32, #tpu.memory_space<hbm>>
      %dma_wait3A_1920 = tpu.memref_squeeze %dma_wait3A_1919 : memref<1x512xi32, #tpu.memory_space<hbm>> -> memref<512xi32, #tpu.memory_space<hbm>>
      tpu.wait_dma2 semaphore(%run_scoped3A : memref<!tpu.dma_semaphore, #tpu.memory_space<semaphore_mem>>) src(%dma_wait3A_1920 : memref<512xi32, #tpu.memory_space<hbm>>) dst(%arg5 : memref<512xi32, #tpu.memory_space<vmem>>)
      tpu.yield
    }) : () -> ()
    %dma_start3A_1302 = arith.constant 0 : i32
    %dma_start3A_1303 = arith.constant 0 : i32
    %dma_start3A_1304 = tpu.memref_slice %arg3[%dma_start3A_1302, %dma_start3A_1303] : memref<1007616x64xf32, #tpu.memory_space<hbm>> -> memref<1007616x64xf32, #tpu.memory_space<hbm>>
    tpu.enqueue_indirect_dma source(%dma_start3A_1304 : memref<1007616x64xf32, #tpu.memory_space<hbm>>) target(%arg7 : memref<512x64xf32, #tpu.memory_space<vmem>>) offsets(%arg5 : memref<512xi32, #tpu.memory_space<vmem>>) semaphore(%arg9 : memref<!tpu.dma_semaphore, #tpu.memory_space<semaphore_mem>>)
    %dma_wait3A_1305 = arith.constant 0 : i32
    %dma_wait3A_1306 = arith.constant 0 : i32
    %dma_wait3A_1307 = tpu.memref_slice %arg3[%dma_wait3A_1305, %dma_wait3A_1306] : memref<1007616x64xf32, #tpu.memory_space<hbm>> -> memref<1007616x64xf32, #tpu.memory_space<hbm>>
    tpu.wait_indirect_dma semaphore(%arg10 : memref<!tpu.dma_semaphore, #tpu.memory_space<semaphore_mem>>) src(%dma_wait3A_1307 : memref<1007616x64xf32, #tpu.memory_space<hbm>>) dst(%arg8 : memref<512x64xf32, #tpu.memory_space<vmem>>)
    %add3A_1308 = arith.constant 6656 : i32
    %add3A_1309 = arith.addi %mul3A_2, %add3A_1308 : i32
    %jit3A_1310 = arith.constant 16384 : i32
    %div3A_1311 = arith.divsi %add3A_1309, %jit3A_1310 : i32
    %sign3A_1312 = arith.constant 0 : i32
    %sign3A_1313 = arith.cmpi sgt, %add3A_1309, %sign3A_1312 : i32
    %sign3A_1314 = arith.extui %sign3A_1313 : i1 to i32
    %sign3A_1315 = arith.constant 0 : i32
    %sign3A_1316 = arith.cmpi slt, %add3A_1309, %sign3A_1315 : i32
    %sign3A_1317 = arith.extui %sign3A_1316 : i1 to i32
    %sign3A_1318 = arith.subi %sign3A_1314, %sign3A_1317 : i32
    %sign3A_1319 = arith.constant 0 : i32
    %sign3A_1320 = arith.cmpi sgt, %jit3A_1310, %sign3A_1319 : i32
    %sign3A_1321 = arith.extui %sign3A_1320 : i1 to i32
    %sign3A_1322 = arith.constant 0 : i32
    %sign3A_1323 = arith.cmpi slt, %jit3A_1310, %sign3A_1322 : i32
    %sign3A_1324 = arith.extui %sign3A_1323 : i1 to i32
    %sign3A_1325 = arith.subi %sign3A_1321, %sign3A_1324 : i32
    %ne3A_1326 = arith.cmpi ne, %sign3A_1318, %sign3A_1325 : i32
    %rem3A_1327 = arith.remsi %add3A_1309, %jit3A_1310 : i32
    %ne3A_1328 = arith.constant 0 : i32
    %ne3A_1329 = arith.cmpi ne, %rem3A_1327, %ne3A_1328 : i32
    %and3A_1330 = arith.andi %ne3A_1326, %ne3A_1329 : i1
    %sub3A_1331 = arith.constant 1 : i32
    %sub3A_1332 = arith.subi %div3A_1311, %sub3A_1331 : i32
    %select_n3A_1333 = arith.select %and3A_1330, %sub3A_1332, %div3A_1311 : i32
    %mul3A_1334 = arith.constant 16384 : i32
    %mul3A_1335 = arith.muli %select_n3A_1333, %mul3A_1334 : i32
    %sub3A_1336 = arith.subi %add3A_1309, %mul3A_1335 : i32
    %jit3A_1337 = arith.constant 8192 : i32
    %div3A_1338 = arith.divsi %sub3A_1336, %jit3A_1337 : i32
    %sign3A_1339 = arith.constant 0 : i32
    %sign3A_1340 = arith.cmpi sgt, %sub3A_1336, %sign3A_1339 : i32
    %sign3A_1341 = arith.extui %sign3A_1340 : i1 to i32
    %sign3A_1342 = arith.constant 0 : i32
    %sign3A_1343 = arith.cmpi slt, %sub3A_1336, %sign3A_1342 : i32
    %sign3A_1344 = arith.extui %sign3A_1343 : i1 to i32
    %sign3A_1345 = arith.subi %sign3A_1341, %sign3A_1344 : i32
    %sign3A_1346 = arith.constant 0 : i32
    %sign3A_1347 = arith.cmpi sgt, %jit3A_1337, %sign3A_1346 : i32
    %sign3A_1348 = arith.extui %sign3A_1347 : i1 to i32
    %sign3A_1349 = arith.constant 0 : i32
    %sign3A_1350 = arith.cmpi slt, %jit3A_1337, %sign3A_1349 : i32
    %sign3A_1351 = arith.extui %sign3A_1350 : i1 to i32
    %sign3A_1352 = arith.subi %sign3A_1348, %sign3A_1351 : i32
    %ne3A_1353 = arith.cmpi ne, %sign3A_1345, %sign3A_1352 : i32
    %rem3A_1354 = arith.remsi %sub3A_1336, %jit3A_1337 : i32
    %ne3A_1355 = arith.constant 0 : i32
    %ne3A_1356 = arith.cmpi ne, %rem3A_1354, %ne3A_1355 : i32
    %and3A_1357 = arith.andi %ne3A_1353, %ne3A_1356 : i1
    %sub3A_1358 = arith.constant 1 : i32
    %sub3A_1359 = arith.subi %div3A_1338, %sub3A_1358 : i32
    %select_n3A_1360 = arith.select %and3A_1357, %sub3A_1359, %div3A_1338 : i32
    %mul3A_1361 = arith.constant 8192 : i32
    %mul3A_1362 = arith.muli %select_n3A_1333, %mul3A_1361 : i32
    %add3A_1363 = arith.addi %mul3A_1362, %sub3A_1336 : i32
    %mul3A_1364 = arith.constant 8192 : i32
    %mul3A_1365 = arith.muli %select_n3A_1360, %mul3A_1364 : i32
    %sub3A_1366 = arith.subi %add3A_1363, %mul3A_1365 : i32
    %mul3A_1367 = arith.constant 64 : i32
    %mul3A_1368 = arith.muli %select_n3A_1360, %mul3A_1367 : i32
    "tpu.region"() ({
      %run_scoped3A = tpu.sem_alloc : memref<!tpu.dma_semaphore, #tpu.memory_space<semaphore_mem>>
      %dma_start3A_1913 = tpu.memref_slice %arg4[%sub3A_1366, %mul3A_1368] : memref<163840x128xf32, #tpu.memory_space<hbm>> -> memref<512x64xf32, #tpu.memory_space<hbm>>
      %dma_start3A_1914 = tpu.memref_slice %arg4[%sub3A_1366, %mul3A_1368] : memref<163840x128xf32, #tpu.memory_space<hbm>> -> memref<512x64xf32, #tpu.memory_space<hbm>>
      tpu.enqueue_dma source(%arg8 : memref<512x64xf32, #tpu.memory_space<vmem>>) target(%dma_start3A_1914 : memref<512x64xf32, #tpu.memory_space<hbm>>) target_semaphore(%run_scoped3A : memref<!tpu.dma_semaphore, #tpu.memory_space<semaphore_mem>>)
      %dma_wait3A_1915 = tpu.memref_slice %arg4[%sub3A_1366, %mul3A_1368] : memref<163840x128xf32, #tpu.memory_space<hbm>> -> memref<512x64xf32, #tpu.memory_space<hbm>>
      %dma_wait3A_1916 = tpu.memref_slice %arg4[%sub3A_1366, %mul3A_1368] : memref<163840x128xf32, #tpu.memory_space<hbm>> -> memref<512x64xf32, #tpu.memory_space<hbm>>
      tpu.wait_dma2 semaphore(%run_scoped3A : memref<!tpu.dma_semaphore, #tpu.memory_space<semaphore_mem>>) src(%arg8 : memref<512x64xf32, #tpu.memory_space<vmem>>) dst(%dma_wait3A_1916 : memref<512x64xf32, #tpu.memory_space<hbm>>)
      tpu.yield
    }) : () -> ()
    %add3A_1369 = arith.constant 7680 : i32
    %add3A_1370 = arith.addi %mul3A_2, %add3A_1369 : i32
    %jit3A_1371 = arith.constant 16384 : i32
    %div3A_1372 = arith.divsi %add3A_1370, %jit3A_1371 : i32
    %sign3A_1373 = arith.constant 0 : i32
    %sign3A_1374 = arith.cmpi sgt, %add3A_1370, %sign3A_1373 : i32
    %sign3A_1375 = arith.extui %sign3A_1374 : i1 to i32
    %sign3A_1376 = arith.constant 0 : i32
    %sign3A_1377 = arith.cmpi slt, %add3A_1370, %sign3A_1376 : i32
    %sign3A_1378 = arith.extui %sign3A_1377 : i1 to i32
    %sign3A_1379 = arith.subi %sign3A_1375, %sign3A_1378 : i32
    %sign3A_1380 = arith.constant 0 : i32
    %sign3A_1381 = arith.cmpi sgt, %jit3A_1371, %sign3A_1380 : i32
    %sign3A_1382 = arith.extui %sign3A_1381 : i1 to i32
    %sign3A_1383 = arith.constant 0 : i32
    %sign3A_1384 = arith.cmpi slt, %jit3A_1371, %sign3A_1383 : i32
    %sign3A_1385 = arith.extui %sign3A_1384 : i1 to i32
    %sign3A_1386 = arith.subi %sign3A_1382, %sign3A_1385 : i32
    %ne3A_1387 = arith.cmpi ne, %sign3A_1379, %sign3A_1386 : i32
    %rem3A_1388 = arith.remsi %add3A_1370, %jit3A_1371 : i32
    %ne3A_1389 = arith.constant 0 : i32
    %ne3A_1390 = arith.cmpi ne, %rem3A_1388, %ne3A_1389 : i32
    %and3A_1391 = arith.andi %ne3A_1387, %ne3A_1390 : i1
    %sub3A_1392 = arith.constant 1 : i32
    %sub3A_1393 = arith.subi %div3A_1372, %sub3A_1392 : i32
    %select_n3A_1394 = arith.select %and3A_1391, %sub3A_1393, %div3A_1372 : i32
    %mul3A_1395 = arith.constant 16384 : i32
    %mul3A_1396 = arith.muli %select_n3A_1394, %mul3A_1395 : i32
    %sub3A_1397 = arith.subi %add3A_1370, %mul3A_1396 : i32
    "tpu.region"() ({
      %run_scoped3A = tpu.sem_alloc : memref<!tpu.dma_semaphore, #tpu.memory_space<semaphore_mem>>
      %dma_start3A_1913 = tpu.memref_slice %arg2[%select_n3A_1394, %sub3A_1397] : memref<20x16384xi32, #tpu.memory_space<hbm>> -> memref<1x512xi32, #tpu.memory_space<hbm>>
      %dma_start3A_1914 = tpu.memref_squeeze %dma_start3A_1913 : memref<1x512xi32, #tpu.memory_space<hbm>> -> memref<512xi32, #tpu.memory_space<hbm>>
      %dma_start3A_1915 = tpu.memref_slice %arg2[%select_n3A_1394, %sub3A_1397] : memref<20x16384xi32, #tpu.memory_space<hbm>> -> memref<1x512xi32, #tpu.memory_space<hbm>>
      %dma_start3A_1916 = tpu.memref_squeeze %dma_start3A_1915 : memref<1x512xi32, #tpu.memory_space<hbm>> -> memref<512xi32, #tpu.memory_space<hbm>>
      tpu.enqueue_dma source(%dma_start3A_1916 : memref<512xi32, #tpu.memory_space<hbm>>) target(%arg6 : memref<512xi32, #tpu.memory_space<vmem>>) target_semaphore(%run_scoped3A : memref<!tpu.dma_semaphore, #tpu.memory_space<semaphore_mem>>)
      %dma_wait3A_1917 = tpu.memref_slice %arg2[%select_n3A_1394, %sub3A_1397] : memref<20x16384xi32, #tpu.memory_space<hbm>> -> memref<1x512xi32, #tpu.memory_space<hbm>>
      %dma_wait3A_1918 = tpu.memref_squeeze %dma_wait3A_1917 : memref<1x512xi32, #tpu.memory_space<hbm>> -> memref<512xi32, #tpu.memory_space<hbm>>
      %dma_wait3A_1919 = tpu.memref_slice %arg2[%select_n3A_1394, %sub3A_1397] : memref<20x16384xi32, #tpu.memory_space<hbm>> -> memref<1x512xi32, #tpu.memory_space<hbm>>
      %dma_wait3A_1920 = tpu.memref_squeeze %dma_wait3A_1919 : memref<1x512xi32, #tpu.memory_space<hbm>> -> memref<512xi32, #tpu.memory_space<hbm>>
      tpu.wait_dma2 semaphore(%run_scoped3A : memref<!tpu.dma_semaphore, #tpu.memory_space<semaphore_mem>>) src(%dma_wait3A_1920 : memref<512xi32, #tpu.memory_space<hbm>>) dst(%arg6 : memref<512xi32, #tpu.memory_space<vmem>>)
      tpu.yield
    }) : () -> ()
    %dma_start3A_1398 = arith.constant 0 : i32
    %dma_start3A_1399 = arith.constant 0 : i32
    %dma_start3A_1400 = tpu.memref_slice %arg3[%dma_start3A_1398, %dma_start3A_1399] : memref<1007616x64xf32, #tpu.memory_space<hbm>> -> memref<1007616x64xf32, #tpu.memory_space<hbm>>
    tpu.enqueue_indirect_dma source(%dma_start3A_1400 : memref<1007616x64xf32, #tpu.memory_space<hbm>>) target(%arg8 : memref<512x64xf32, #tpu.memory_space<vmem>>) offsets(%arg6 : memref<512xi32, #tpu.memory_space<vmem>>) semaphore(%arg10 : memref<!tpu.dma_semaphore, #tpu.memory_space<semaphore_mem>>)
    %dma_wait3A_1401 = arith.constant 0 : i32
    %dma_wait3A_1402 = arith.constant 0 : i32
    %dma_wait3A_1403 = tpu.memref_slice %arg3[%dma_wait3A_1401, %dma_wait3A_1402] : memref<1007616x64xf32, #tpu.memory_space<hbm>> -> memref<1007616x64xf32, #tpu.memory_space<hbm>>
    tpu.wait_indirect_dma semaphore(%arg9 : memref<!tpu.dma_semaphore, #tpu.memory_space<semaphore_mem>>) src(%dma_wait3A_1403 : memref<1007616x64xf32, #tpu.memory_space<hbm>>) dst(%arg7 : memref<512x64xf32, #tpu.memory_space<vmem>>)
    %add3A_1404 = arith.constant 7168 : i32
    %add3A_1405 = arith.addi %mul3A_2, %add3A_1404 : i32
    %jit3A_1406 = arith.constant 16384 : i32
    %div3A_1407 = arith.divsi %add3A_1405, %jit3A_1406 : i32
    %sign3A_1408 = arith.constant 0 : i32
    %sign3A_1409 = arith.cmpi sgt, %add3A_1405, %sign3A_1408 : i32
    %sign3A_1410 = arith.extui %sign3A_1409 : i1 to i32
    %sign3A_1411 = arith.constant 0 : i32
    %sign3A_1412 = arith.cmpi slt, %add3A_1405, %sign3A_1411 : i32
    %sign3A_1413 = arith.extui %sign3A_1412 : i1 to i32
    %sign3A_1414 = arith.subi %sign3A_1410, %sign3A_1413 : i32
    %sign3A_1415 = arith.constant 0 : i32
    %sign3A_1416 = arith.cmpi sgt, %jit3A_1406, %sign3A_1415 : i32
    %sign3A_1417 = arith.extui %sign3A_1416 : i1 to i32
    %sign3A_1418 = arith.constant 0 : i32
    %sign3A_1419 = arith.cmpi slt, %jit3A_1406, %sign3A_1418 : i32
    %sign3A_1420 = arith.extui %sign3A_1419 : i1 to i32
    %sign3A_1421 = arith.subi %sign3A_1417, %sign3A_1420 : i32
    %ne3A_1422 = arith.cmpi ne, %sign3A_1414, %sign3A_1421 : i32
    %rem3A_1423 = arith.remsi %add3A_1405, %jit3A_1406 : i32
    %ne3A_1424 = arith.constant 0 : i32
    %ne3A_1425 = arith.cmpi ne, %rem3A_1423, %ne3A_1424 : i32
    %and3A_1426 = arith.andi %ne3A_1422, %ne3A_1425 : i1
    %sub3A_1427 = arith.constant 1 : i32
    %sub3A_1428 = arith.subi %div3A_1407, %sub3A_1427 : i32
    %select_n3A_1429 = arith.select %and3A_1426, %sub3A_1428, %div3A_1407 : i32
    %mul3A_1430 = arith.constant 16384 : i32
    %mul3A_1431 = arith.muli %select_n3A_1429, %mul3A_1430 : i32
    %sub3A_1432 = arith.subi %add3A_1405, %mul3A_1431 : i32
    %jit3A_1433 = arith.constant 8192 : i32
    %div3A_1434 = arith.divsi %sub3A_1432, %jit3A_1433 : i32
    %sign3A_1435 = arith.constant 0 : i32
    %sign3A_1436 = arith.cmpi sgt, %sub3A_1432, %sign3A_1435 : i32
    %sign3A_1437 = arith.extui %sign3A_1436 : i1 to i32
    %sign3A_1438 = arith.constant 0 : i32
    %sign3A_1439 = arith.cmpi slt, %sub3A_1432, %sign3A_1438 : i32
    %sign3A_1440 = arith.extui %sign3A_1439 : i1 to i32
    %sign3A_1441 = arith.subi %sign3A_1437, %sign3A_1440 : i32
    %sign3A_1442 = arith.constant 0 : i32
    %sign3A_1443 = arith.cmpi sgt, %jit3A_1433, %sign3A_1442 : i32
    %sign3A_1444 = arith.extui %sign3A_1443 : i1 to i32
    %sign3A_1445 = arith.constant 0 : i32
    %sign3A_1446 = arith.cmpi slt, %jit3A_1433, %sign3A_1445 : i32
    %sign3A_1447 = arith.extui %sign3A_1446 : i1 to i32
    %sign3A_1448 = arith.subi %sign3A_1444, %sign3A_1447 : i32
    %ne3A_1449 = arith.cmpi ne, %sign3A_1441, %sign3A_1448 : i32
    %rem3A_1450 = arith.remsi %sub3A_1432, %jit3A_1433 : i32
    %ne3A_1451 = arith.constant 0 : i32
    %ne3A_1452 = arith.cmpi ne, %rem3A_1450, %ne3A_1451 : i32
    %and3A_1453 = arith.andi %ne3A_1449, %ne3A_1452 : i1
    %sub3A_1454 = arith.constant 1 : i32
    %sub3A_1455 = arith.subi %div3A_1434, %sub3A_1454 : i32
    %select_n3A_1456 = arith.select %and3A_1453, %sub3A_1455, %div3A_1434 : i32
    %mul3A_1457 = arith.constant 8192 : i32
    %mul3A_1458 = arith.muli %select_n3A_1429, %mul3A_1457 : i32
    %add3A_1459 = arith.addi %mul3A_1458, %sub3A_1432 : i32
    %mul3A_1460 = arith.constant 8192 : i32
    %mul3A_1461 = arith.muli %select_n3A_1456, %mul3A_1460 : i32
    %sub3A_1462 = arith.subi %add3A_1459, %mul3A_1461 : i32
    %mul3A_1463 = arith.constant 64 : i32
    %mul3A_1464 = arith.muli %select_n3A_1456, %mul3A_1463 : i32
    "tpu.region"() ({
      %run_scoped3A = tpu.sem_alloc : memref<!tpu.dma_semaphore, #tpu.memory_space<semaphore_mem>>
      %dma_start3A_1913 = tpu.memref_slice %arg4[%sub3A_1462, %mul3A_1464] : memref<163840x128xf32, #tpu.memory_space<hbm>> -> memref<512x64xf32, #tpu.memory_space<hbm>>
      %dma_start3A_1914 = tpu.memref_slice %arg4[%sub3A_1462, %mul3A_1464] : memref<163840x128xf32, #tpu.memory_space<hbm>> -> memref<512x64xf32, #tpu.memory_space<hbm>>
      tpu.enqueue_dma source(%arg7 : memref<512x64xf32, #tpu.memory_space<vmem>>) target(%dma_start3A_1914 : memref<512x64xf32, #tpu.memory_space<hbm>>) target_semaphore(%run_scoped3A : memref<!tpu.dma_semaphore, #tpu.memory_space<semaphore_mem>>)
      %dma_wait3A_1915 = tpu.memref_slice %arg4[%sub3A_1462, %mul3A_1464] : memref<163840x128xf32, #tpu.memory_space<hbm>> -> memref<512x64xf32, #tpu.memory_space<hbm>>
      %dma_wait3A_1916 = tpu.memref_slice %arg4[%sub3A_1462, %mul3A_1464] : memref<163840x128xf32, #tpu.memory_space<hbm>> -> memref<512x64xf32, #tpu.memory_space<hbm>>
      tpu.wait_dma2 semaphore(%run_scoped3A : memref<!tpu.dma_semaphore, #tpu.memory_space<semaphore_mem>>) src(%arg7 : memref<512x64xf32, #tpu.memory_space<vmem>>) dst(%dma_wait3A_1916 : memref<512x64xf32, #tpu.memory_space<hbm>>)
      tpu.yield
    }) : () -> ()
    %add3A_1465 = arith.constant 8192 : i32
    %add3A_1466 = arith.addi %mul3A_2, %add3A_1465 : i32
    %jit3A_1467 = arith.constant 16384 : i32
    %div3A_1468 = arith.divsi %add3A_1466, %jit3A_1467 : i32
    %sign3A_1469 = arith.constant 0 : i32
    %sign3A_1470 = arith.cmpi sgt, %add3A_1466, %sign3A_1469 : i32
    %sign3A_1471 = arith.extui %sign3A_1470 : i1 to i32
    %sign3A_1472 = arith.constant 0 : i32
    %sign3A_1473 = arith.cmpi slt, %add3A_1466, %sign3A_1472 : i32
    %sign3A_1474 = arith.extui %sign3A_1473 : i1 to i32
    %sign3A_1475 = arith.subi %sign3A_1471, %sign3A_1474 : i32
    %sign3A_1476 = arith.constant 0 : i32
    %sign3A_1477 = arith.cmpi sgt, %jit3A_1467, %sign3A_1476 : i32
    %sign3A_1478 = arith.extui %sign3A_1477 : i1 to i32
    %sign3A_1479 = arith.constant 0 : i32
    %sign3A_1480 = arith.cmpi slt, %jit3A_1467, %sign3A_1479 : i32
    %sign3A_1481 = arith.extui %sign3A_1480 : i1 to i32
    %sign3A_1482 = arith.subi %sign3A_1478, %sign3A_1481 : i32
    %ne3A_1483 = arith.cmpi ne, %sign3A_1475, %sign3A_1482 : i32
    %rem3A_1484 = arith.remsi %add3A_1466, %jit3A_1467 : i32
    %ne3A_1485 = arith.constant 0 : i32
    %ne3A_1486 = arith.cmpi ne, %rem3A_1484, %ne3A_1485 : i32
    %and3A_1487 = arith.andi %ne3A_1483, %ne3A_1486 : i1
    %sub3A_1488 = arith.constant 1 : i32
    %sub3A_1489 = arith.subi %div3A_1468, %sub3A_1488 : i32
    %select_n3A_1490 = arith.select %and3A_1487, %sub3A_1489, %div3A_1468 : i32
    %mul3A_1491 = arith.constant 16384 : i32
    %mul3A_1492 = arith.muli %select_n3A_1490, %mul3A_1491 : i32
    %sub3A_1493 = arith.subi %add3A_1466, %mul3A_1492 : i32
    "tpu.region"() ({
      %run_scoped3A = tpu.sem_alloc : memref<!tpu.dma_semaphore, #tpu.memory_space<semaphore_mem>>
      %dma_start3A_1913 = tpu.memref_slice %arg2[%select_n3A_1490, %sub3A_1493] : memref<20x16384xi32, #tpu.memory_space<hbm>> -> memref<1x512xi32, #tpu.memory_space<hbm>>
      %dma_start3A_1914 = tpu.memref_squeeze %dma_start3A_1913 : memref<1x512xi32, #tpu.memory_space<hbm>> -> memref<512xi32, #tpu.memory_space<hbm>>
      %dma_start3A_1915 = tpu.memref_slice %arg2[%select_n3A_1490, %sub3A_1493] : memref<20x16384xi32, #tpu.memory_space<hbm>> -> memref<1x512xi32, #tpu.memory_space<hbm>>
      %dma_start3A_1916 = tpu.memref_squeeze %dma_start3A_1915 : memref<1x512xi32, #tpu.memory_space<hbm>> -> memref<512xi32, #tpu.memory_space<hbm>>
      tpu.enqueue_dma source(%dma_start3A_1916 : memref<512xi32, #tpu.memory_space<hbm>>) target(%arg5 : memref<512xi32, #tpu.memory_space<vmem>>) target_semaphore(%run_scoped3A : memref<!tpu.dma_semaphore, #tpu.memory_space<semaphore_mem>>)
      %dma_wait3A_1917 = tpu.memref_slice %arg2[%select_n3A_1490, %sub3A_1493] : memref<20x16384xi32, #tpu.memory_space<hbm>> -> memref<1x512xi32, #tpu.memory_space<hbm>>
      %dma_wait3A_1918 = tpu.memref_squeeze %dma_wait3A_1917 : memref<1x512xi32, #tpu.memory_space<hbm>> -> memref<512xi32, #tpu.memory_space<hbm>>
      %dma_wait3A_1919 = tpu.memref_slice %arg2[%select_n3A_1490, %sub3A_1493] : memref<20x16384xi32, #tpu.memory_space<hbm>> -> memref<1x512xi32, #tpu.memory_space<hbm>>
      %dma_wait3A_1920 = tpu.memref_squeeze %dma_wait3A_1919 : memref<1x512xi32, #tpu.memory_space<hbm>> -> memref<512xi32, #tpu.memory_space<hbm>>
      tpu.wait_dma2 semaphore(%run_scoped3A : memref<!tpu.dma_semaphore, #tpu.memory_space<semaphore_mem>>) src(%dma_wait3A_1920 : memref<512xi32, #tpu.memory_space<hbm>>) dst(%arg5 : memref<512xi32, #tpu.memory_space<vmem>>)
      tpu.yield
    }) : () -> ()
    %dma_start3A_1494 = arith.constant 0 : i32
    %dma_start3A_1495 = arith.constant 0 : i32
    %dma_start3A_1496 = tpu.memref_slice %arg3[%dma_start3A_1494, %dma_start3A_1495] : memref<1007616x64xf32, #tpu.memory_space<hbm>> -> memref<1007616x64xf32, #tpu.memory_space<hbm>>
    tpu.enqueue_indirect_dma source(%dma_start3A_1496 : memref<1007616x64xf32, #tpu.memory_space<hbm>>) target(%arg7 : memref<512x64xf32, #tpu.memory_space<vmem>>) offsets(%arg5 : memref<512xi32, #tpu.memory_space<vmem>>) semaphore(%arg9 : memref<!tpu.dma_semaphore, #tpu.memory_space<semaphore_mem>>)
    %dma_wait3A_1497 = arith.constant 0 : i32
    %dma_wait3A_1498 = arith.constant 0 : i32
    %dma_wait3A_1499 = tpu.memref_slice %arg3[%dma_wait3A_1497, %dma_wait3A_1498] : memref<1007616x64xf32, #tpu.memory_space<hbm>> -> memref<1007616x64xf32, #tpu.memory_space<hbm>>
    tpu.wait_indirect_dma semaphore(%arg10 : memref<!tpu.dma_semaphore, #tpu.memory_space<semaphore_mem>>) src(%dma_wait3A_1499 : memref<1007616x64xf32, #tpu.memory_space<hbm>>) dst(%arg8 : memref<512x64xf32, #tpu.memory_space<vmem>>)
    %add3A_1500 = arith.constant 7680 : i32
    %add3A_1501 = arith.addi %mul3A_2, %add3A_1500 : i32
    %jit3A_1502 = arith.constant 16384 : i32
    %div3A_1503 = arith.divsi %add3A_1501, %jit3A_1502 : i32
    %sign3A_1504 = arith.constant 0 : i32
    %sign3A_1505 = arith.cmpi sgt, %add3A_1501, %sign3A_1504 : i32
    %sign3A_1506 = arith.extui %sign3A_1505 : i1 to i32
    %sign3A_1507 = arith.constant 0 : i32
    %sign3A_1508 = arith.cmpi slt, %add3A_1501, %sign3A_1507 : i32
    %sign3A_1509 = arith.extui %sign3A_1508 : i1 to i32
    %sign3A_1510 = arith.subi %sign3A_1506, %sign3A_1509 : i32
    %sign3A_1511 = arith.constant 0 : i32
    %sign3A_1512 = arith.cmpi sgt, %jit3A_1502, %sign3A_1511 : i32
    %sign3A_1513 = arith.extui %sign3A_1512 : i1 to i32
    %sign3A_1514 = arith.constant 0 : i32
    %sign3A_1515 = arith.cmpi slt, %jit3A_1502, %sign3A_1514 : i32
    %sign3A_1516 = arith.extui %sign3A_1515 : i1 to i32
    %sign3A_1517 = arith.subi %sign3A_1513, %sign3A_1516 : i32
    %ne3A_1518 = arith.cmpi ne, %sign3A_1510, %sign3A_1517 : i32
    %rem3A_1519 = arith.remsi %add3A_1501, %jit3A_1502 : i32
    %ne3A_1520 = arith.constant 0 : i32
    %ne3A_1521 = arith.cmpi ne, %rem3A_1519, %ne3A_1520 : i32
    %and3A_1522 = arith.andi %ne3A_1518, %ne3A_1521 : i1
    %sub3A_1523 = arith.constant 1 : i32
    %sub3A_1524 = arith.subi %div3A_1503, %sub3A_1523 : i32
    %select_n3A_1525 = arith.select %and3A_1522, %sub3A_1524, %div3A_1503 : i32
    %mul3A_1526 = arith.constant 16384 : i32
    %mul3A_1527 = arith.muli %select_n3A_1525, %mul3A_1526 : i32
    %sub3A_1528 = arith.subi %add3A_1501, %mul3A_1527 : i32
    %jit3A_1529 = arith.constant 8192 : i32
    %div3A_1530 = arith.divsi %sub3A_1528, %jit3A_1529 : i32
    %sign3A_1531 = arith.constant 0 : i32
    %sign3A_1532 = arith.cmpi sgt, %sub3A_1528, %sign3A_1531 : i32
    %sign3A_1533 = arith.extui %sign3A_1532 : i1 to i32
    %sign3A_1534 = arith.constant 0 : i32
    %sign3A_1535 = arith.cmpi slt, %sub3A_1528, %sign3A_1534 : i32
    %sign3A_1536 = arith.extui %sign3A_1535 : i1 to i32
    %sign3A_1537 = arith.subi %sign3A_1533, %sign3A_1536 : i32
    %sign3A_1538 = arith.constant 0 : i32
    %sign3A_1539 = arith.cmpi sgt, %jit3A_1529, %sign3A_1538 : i32
    %sign3A_1540 = arith.extui %sign3A_1539 : i1 to i32
    %sign3A_1541 = arith.constant 0 : i32
    %sign3A_1542 = arith.cmpi slt, %jit3A_1529, %sign3A_1541 : i32
    %sign3A_1543 = arith.extui %sign3A_1542 : i1 to i32
    %sign3A_1544 = arith.subi %sign3A_1540, %sign3A_1543 : i32
    %ne3A_1545 = arith.cmpi ne, %sign3A_1537, %sign3A_1544 : i32
    %rem3A_1546 = arith.remsi %sub3A_1528, %jit3A_1529 : i32
    %ne3A_1547 = arith.constant 0 : i32
    %ne3A_1548 = arith.cmpi ne, %rem3A_1546, %ne3A_1547 : i32
    %and3A_1549 = arith.andi %ne3A_1545, %ne3A_1548 : i1
    %sub3A_1550 = arith.constant 1 : i32
    %sub3A_1551 = arith.subi %div3A_1530, %sub3A_1550 : i32
    %select_n3A_1552 = arith.select %and3A_1549, %sub3A_1551, %div3A_1530 : i32
    %mul3A_1553 = arith.constant 8192 : i32
    %mul3A_1554 = arith.muli %select_n3A_1525, %mul3A_1553 : i32
    %add3A_1555 = arith.addi %mul3A_1554, %sub3A_1528 : i32
    %mul3A_1556 = arith.constant 8192 : i32
    %mul3A_1557 = arith.muli %select_n3A_1552, %mul3A_1556 : i32
    %sub3A_1558 = arith.subi %add3A_1555, %mul3A_1557 : i32
    %mul3A_1559 = arith.constant 64 : i32
    %mul3A_1560 = arith.muli %select_n3A_1552, %mul3A_1559 : i32
    "tpu.region"() ({
      %run_scoped3A = tpu.sem_alloc : memref<!tpu.dma_semaphore, #tpu.memory_space<semaphore_mem>>
      %dma_start3A_1913 = tpu.memref_slice %arg4[%sub3A_1558, %mul3A_1560] : memref<163840x128xf32, #tpu.memory_space<hbm>> -> memref<512x64xf32, #tpu.memory_space<hbm>>
      %dma_start3A_1914 = tpu.memref_slice %arg4[%sub3A_1558, %mul3A_1560] : memref<163840x128xf32, #tpu.memory_space<hbm>> -> memref<512x64xf32, #tpu.memory_space<hbm>>
      tpu.enqueue_dma source(%arg8 : memref<512x64xf32, #tpu.memory_space<vmem>>) target(%dma_start3A_1914 : memref<512x64xf32, #tpu.memory_space<hbm>>) target_semaphore(%run_scoped3A : memref<!tpu.dma_semaphore, #tpu.memory_space<semaphore_mem>>)
      %dma_wait3A_1915 = tpu.memref_slice %arg4[%sub3A_1558, %mul3A_1560] : memref<163840x128xf32, #tpu.memory_space<hbm>> -> memref<512x64xf32, #tpu.memory_space<hbm>>
      %dma_wait3A_1916 = tpu.memref_slice %arg4[%sub3A_1558, %mul3A_1560] : memref<163840x128xf32, #tpu.memory_space<hbm>> -> memref<512x64xf32, #tpu.memory_space<hbm>>
      tpu.wait_dma2 semaphore(%run_scoped3A : memref<!tpu.dma_semaphore, #tpu.memory_space<semaphore_mem>>) src(%arg8 : memref<512x64xf32, #tpu.memory_space<vmem>>) dst(%dma_wait3A_1916 : memref<512x64xf32, #tpu.memory_space<hbm>>)
      tpu.yield
    }) : () -> ()
    %add3A_1561 = arith.constant 8704 : i32
    %add3A_1562 = arith.addi %mul3A_2, %add3A_1561 : i32
    %jit3A_1563 = arith.constant 16384 : i32
    %div3A_1564 = arith.divsi %add3A_1562, %jit3A_1563 : i32
    %sign3A_1565 = arith.constant 0 : i32
    %sign3A_1566 = arith.cmpi sgt, %add3A_1562, %sign3A_1565 : i32
    %sign3A_1567 = arith.extui %sign3A_1566 : i1 to i32
    %sign3A_1568 = arith.constant 0 : i32
    %sign3A_1569 = arith.cmpi slt, %add3A_1562, %sign3A_1568 : i32
    %sign3A_1570 = arith.extui %sign3A_1569 : i1 to i32
    %sign3A_1571 = arith.subi %sign3A_1567, %sign3A_1570 : i32
    %sign3A_1572 = arith.constant 0 : i32
    %sign3A_1573 = arith.cmpi sgt, %jit3A_1563, %sign3A_1572 : i32
    %sign3A_1574 = arith.extui %sign3A_1573 : i1 to i32
    %sign3A_1575 = arith.constant 0 : i32
    %sign3A_1576 = arith.cmpi slt, %jit3A_1563, %sign3A_1575 : i32
    %sign3A_1577 = arith.extui %sign3A_1576 : i1 to i32
    %sign3A_1578 = arith.subi %sign3A_1574, %sign3A_1577 : i32
    %ne3A_1579 = arith.cmpi ne, %sign3A_1571, %sign3A_1578 : i32
    %rem3A_1580 = arith.remsi %add3A_1562, %jit3A_1563 : i32
    %ne3A_1581 = arith.constant 0 : i32
    %ne3A_1582 = arith.cmpi ne, %rem3A_1580, %ne3A_1581 : i32
    %and3A_1583 = arith.andi %ne3A_1579, %ne3A_1582 : i1
    %sub3A_1584 = arith.constant 1 : i32
    %sub3A_1585 = arith.subi %div3A_1564, %sub3A_1584 : i32
    %select_n3A_1586 = arith.select %and3A_1583, %sub3A_1585, %div3A_1564 : i32
    %mul3A_1587 = arith.constant 16384 : i32
    %mul3A_1588 = arith.muli %select_n3A_1586, %mul3A_1587 : i32
    %sub3A_1589 = arith.subi %add3A_1562, %mul3A_1588 : i32
    "tpu.region"() ({
      %run_scoped3A = tpu.sem_alloc : memref<!tpu.dma_semaphore, #tpu.memory_space<semaphore_mem>>
      %dma_start3A_1913 = tpu.memref_slice %arg2[%select_n3A_1586, %sub3A_1589] : memref<20x16384xi32, #tpu.memory_space<hbm>> -> memref<1x512xi32, #tpu.memory_space<hbm>>
      %dma_start3A_1914 = tpu.memref_squeeze %dma_start3A_1913 : memref<1x512xi32, #tpu.memory_space<hbm>> -> memref<512xi32, #tpu.memory_space<hbm>>
      %dma_start3A_1915 = tpu.memref_slice %arg2[%select_n3A_1586, %sub3A_1589] : memref<20x16384xi32, #tpu.memory_space<hbm>> -> memref<1x512xi32, #tpu.memory_space<hbm>>
      %dma_start3A_1916 = tpu.memref_squeeze %dma_start3A_1915 : memref<1x512xi32, #tpu.memory_space<hbm>> -> memref<512xi32, #tpu.memory_space<hbm>>
      tpu.enqueue_dma source(%dma_start3A_1916 : memref<512xi32, #tpu.memory_space<hbm>>) target(%arg6 : memref<512xi32, #tpu.memory_space<vmem>>) target_semaphore(%run_scoped3A : memref<!tpu.dma_semaphore, #tpu.memory_space<semaphore_mem>>)
      %dma_wait3A_1917 = tpu.memref_slice %arg2[%select_n3A_1586, %sub3A_1589] : memref<20x16384xi32, #tpu.memory_space<hbm>> -> memref<1x512xi32, #tpu.memory_space<hbm>>
      %dma_wait3A_1918 = tpu.memref_squeeze %dma_wait3A_1917 : memref<1x512xi32, #tpu.memory_space<hbm>> -> memref<512xi32, #tpu.memory_space<hbm>>
      %dma_wait3A_1919 = tpu.memref_slice %arg2[%select_n3A_1586, %sub3A_1589] : memref<20x16384xi32, #tpu.memory_space<hbm>> -> memref<1x512xi32, #tpu.memory_space<hbm>>
      %dma_wait3A_1920 = tpu.memref_squeeze %dma_wait3A_1919 : memref<1x512xi32, #tpu.memory_space<hbm>> -> memref<512xi32, #tpu.memory_space<hbm>>
      tpu.wait_dma2 semaphore(%run_scoped3A : memref<!tpu.dma_semaphore, #tpu.memory_space<semaphore_mem>>) src(%dma_wait3A_1920 : memref<512xi32, #tpu.memory_space<hbm>>) dst(%arg6 : memref<512xi32, #tpu.memory_space<vmem>>)
      tpu.yield
    }) : () -> ()
    %dma_start3A_1590 = arith.constant 0 : i32
    %dma_start3A_1591 = arith.constant 0 : i32
    %dma_start3A_1592 = tpu.memref_slice %arg3[%dma_start3A_1590, %dma_start3A_1591] : memref<1007616x64xf32, #tpu.memory_space<hbm>> -> memref<1007616x64xf32, #tpu.memory_space<hbm>>
    tpu.enqueue_indirect_dma source(%dma_start3A_1592 : memref<1007616x64xf32, #tpu.memory_space<hbm>>) target(%arg8 : memref<512x64xf32, #tpu.memory_space<vmem>>) offsets(%arg6 : memref<512xi32, #tpu.memory_space<vmem>>) semaphore(%arg10 : memref<!tpu.dma_semaphore, #tpu.memory_space<semaphore_mem>>)
    %dma_wait3A_1593 = arith.constant 0 : i32
    %dma_wait3A_1594 = arith.constant 0 : i32
    %dma_wait3A_1595 = tpu.memref_slice %arg3[%dma_wait3A_1593, %dma_wait3A_1594] : memref<1007616x64xf32, #tpu.memory_space<hbm>> -> memref<1007616x64xf32, #tpu.memory_space<hbm>>
    tpu.wait_indirect_dma semaphore(%arg9 : memref<!tpu.dma_semaphore, #tpu.memory_space<semaphore_mem>>) src(%dma_wait3A_1595 : memref<1007616x64xf32, #tpu.memory_space<hbm>>) dst(%arg7 : memref<512x64xf32, #tpu.memory_space<vmem>>)
    %add3A_1596 = arith.constant 8192 : i32
    %add3A_1597 = arith.addi %mul3A_2, %add3A_1596 : i32
    %jit3A_1598 = arith.constant 16384 : i32
    %div3A_1599 = arith.divsi %add3A_1597, %jit3A_1598 : i32
    %sign3A_1600 = arith.constant 0 : i32
    %sign3A_1601 = arith.cmpi sgt, %add3A_1597, %sign3A_1600 : i32
    %sign3A_1602 = arith.extui %sign3A_1601 : i1 to i32
    %sign3A_1603 = arith.constant 0 : i32
    %sign3A_1604 = arith.cmpi slt, %add3A_1597, %sign3A_1603 : i32
    %sign3A_1605 = arith.extui %sign3A_1604 : i1 to i32
    %sign3A_1606 = arith.subi %sign3A_1602, %sign3A_1605 : i32
    %sign3A_1607 = arith.constant 0 : i32
    %sign3A_1608 = arith.cmpi sgt, %jit3A_1598, %sign3A_1607 : i32
    %sign3A_1609 = arith.extui %sign3A_1608 : i1 to i32
    %sign3A_1610 = arith.constant 0 : i32
    %sign3A_1611 = arith.cmpi slt, %jit3A_1598, %sign3A_1610 : i32
    %sign3A_1612 = arith.extui %sign3A_1611 : i1 to i32
    %sign3A_1613 = arith.subi %sign3A_1609, %sign3A_1612 : i32
    %ne3A_1614 = arith.cmpi ne, %sign3A_1606, %sign3A_1613 : i32
    %rem3A_1615 = arith.remsi %add3A_1597, %jit3A_1598 : i32
    %ne3A_1616 = arith.constant 0 : i32
    %ne3A_1617 = arith.cmpi ne, %rem3A_1615, %ne3A_1616 : i32
    %and3A_1618 = arith.andi %ne3A_1614, %ne3A_1617 : i1
    %sub3A_1619 = arith.constant 1 : i32
    %sub3A_1620 = arith.subi %div3A_1599, %sub3A_1619 : i32
    %select_n3A_1621 = arith.select %and3A_1618, %sub3A_1620, %div3A_1599 : i32
    %mul3A_1622 = arith.constant 16384 : i32
    %mul3A_1623 = arith.muli %select_n3A_1621, %mul3A_1622 : i32
    %sub3A_1624 = arith.subi %add3A_1597, %mul3A_1623 : i32
    %jit3A_1625 = arith.constant 8192 : i32
    %div3A_1626 = arith.divsi %sub3A_1624, %jit3A_1625 : i32
    %sign3A_1627 = arith.constant 0 : i32
    %sign3A_1628 = arith.cmpi sgt, %sub3A_1624, %sign3A_1627 : i32
    %sign3A_1629 = arith.extui %sign3A_1628 : i1 to i32
    %sign3A_1630 = arith.constant 0 : i32
    %sign3A_1631 = arith.cmpi slt, %sub3A_1624, %sign3A_1630 : i32
    %sign3A_1632 = arith.extui %sign3A_1631 : i1 to i32
    %sign3A_1633 = arith.subi %sign3A_1629, %sign3A_1632 : i32
    %sign3A_1634 = arith.constant 0 : i32
    %sign3A_1635 = arith.cmpi sgt, %jit3A_1625, %sign3A_1634 : i32
    %sign3A_1636 = arith.extui %sign3A_1635 : i1 to i32
    %sign3A_1637 = arith.constant 0 : i32
    %sign3A_1638 = arith.cmpi slt, %jit3A_1625, %sign3A_1637 : i32
    %sign3A_1639 = arith.extui %sign3A_1638 : i1 to i32
    %sign3A_1640 = arith.subi %sign3A_1636, %sign3A_1639 : i32
    %ne3A_1641 = arith.cmpi ne, %sign3A_1633, %sign3A_1640 : i32
    %rem3A_1642 = arith.remsi %sub3A_1624, %jit3A_1625 : i32
    %ne3A_1643 = arith.constant 0 : i32
    %ne3A_1644 = arith.cmpi ne, %rem3A_1642, %ne3A_1643 : i32
    %and3A_1645 = arith.andi %ne3A_1641, %ne3A_1644 : i1
    %sub3A_1646 = arith.constant 1 : i32
    %sub3A_1647 = arith.subi %div3A_1626, %sub3A_1646 : i32
    %select_n3A_1648 = arith.select %and3A_1645, %sub3A_1647, %div3A_1626 : i32
    %mul3A_1649 = arith.constant 8192 : i32
    %mul3A_1650 = arith.muli %select_n3A_1621, %mul3A_1649 : i32
    %add3A_1651 = arith.addi %mul3A_1650, %sub3A_1624 : i32
    %mul3A_1652 = arith.constant 8192 : i32
    %mul3A_1653 = arith.muli %select_n3A_1648, %mul3A_1652 : i32
    %sub3A_1654 = arith.subi %add3A_1651, %mul3A_1653 : i32
    %mul3A_1655 = arith.constant 64 : i32
    %mul3A_1656 = arith.muli %select_n3A_1648, %mul3A_1655 : i32
    "tpu.region"() ({
      %run_scoped3A = tpu.sem_alloc : memref<!tpu.dma_semaphore, #tpu.memory_space<semaphore_mem>>
      %dma_start3A_1913 = tpu.memref_slice %arg4[%sub3A_1654, %mul3A_1656] : memref<163840x128xf32, #tpu.memory_space<hbm>> -> memref<512x64xf32, #tpu.memory_space<hbm>>
      %dma_start3A_1914 = tpu.memref_slice %arg4[%sub3A_1654, %mul3A_1656] : memref<163840x128xf32, #tpu.memory_space<hbm>> -> memref<512x64xf32, #tpu.memory_space<hbm>>
      tpu.enqueue_dma source(%arg7 : memref<512x64xf32, #tpu.memory_space<vmem>>) target(%dma_start3A_1914 : memref<512x64xf32, #tpu.memory_space<hbm>>) target_semaphore(%run_scoped3A : memref<!tpu.dma_semaphore, #tpu.memory_space<semaphore_mem>>)
      %dma_wait3A_1915 = tpu.memref_slice %arg4[%sub3A_1654, %mul3A_1656] : memref<163840x128xf32, #tpu.memory_space<hbm>> -> memref<512x64xf32, #tpu.memory_space<hbm>>
      %dma_wait3A_1916 = tpu.memref_slice %arg4[%sub3A_1654, %mul3A_1656] : memref<163840x128xf32, #tpu.memory_space<hbm>> -> memref<512x64xf32, #tpu.memory_space<hbm>>
      tpu.wait_dma2 semaphore(%run_scoped3A : memref<!tpu.dma_semaphore, #tpu.memory_space<semaphore_mem>>) src(%arg7 : memref<512x64xf32, #tpu.memory_space<vmem>>) dst(%dma_wait3A_1916 : memref<512x64xf32, #tpu.memory_space<hbm>>)
      tpu.yield
    }) : () -> ()
    %add3A_1657 = arith.constant 9216 : i32
    %add3A_1658 = arith.addi %mul3A_2, %add3A_1657 : i32
    %jit3A_1659 = arith.constant 16384 : i32
    %div3A_1660 = arith.divsi %add3A_1658, %jit3A_1659 : i32
    %sign3A_1661 = arith.constant 0 : i32
    %sign3A_1662 = arith.cmpi sgt, %add3A_1658, %sign3A_1661 : i32
    %sign3A_1663 = arith.extui %sign3A_1662 : i1 to i32
    %sign3A_1664 = arith.constant 0 : i32
    %sign3A_1665 = arith.cmpi slt, %add3A_1658, %sign3A_1664 : i32
    %sign3A_1666 = arith.extui %sign3A_1665 : i1 to i32
    %sign3A_1667 = arith.subi %sign3A_1663, %sign3A_1666 : i32
    %sign3A_1668 = arith.constant 0 : i32
    %sign3A_1669 = arith.cmpi sgt, %jit3A_1659, %sign3A_1668 : i32
    %sign3A_1670 = arith.extui %sign3A_1669 : i1 to i32
    %sign3A_1671 = arith.constant 0 : i32
    %sign3A_1672 = arith.cmpi slt, %jit3A_1659, %sign3A_1671 : i32
    %sign3A_1673 = arith.extui %sign3A_1672 : i1 to i32
    %sign3A_1674 = arith.subi %sign3A_1670, %sign3A_1673 : i32
    %ne3A_1675 = arith.cmpi ne, %sign3A_1667, %sign3A_1674 : i32
    %rem3A_1676 = arith.remsi %add3A_1658, %jit3A_1659 : i32
    %ne3A_1677 = arith.constant 0 : i32
    %ne3A_1678 = arith.cmpi ne, %rem3A_1676, %ne3A_1677 : i32
    %and3A_1679 = arith.andi %ne3A_1675, %ne3A_1678 : i1
    %sub3A_1680 = arith.constant 1 : i32
    %sub3A_1681 = arith.subi %div3A_1660, %sub3A_1680 : i32
    %select_n3A_1682 = arith.select %and3A_1679, %sub3A_1681, %div3A_1660 : i32
    %mul3A_1683 = arith.constant 16384 : i32
    %mul3A_1684 = arith.muli %select_n3A_1682, %mul3A_1683 : i32
    %sub3A_1685 = arith.subi %add3A_1658, %mul3A_1684 : i32
    "tpu.region"() ({
      %run_scoped3A = tpu.sem_alloc : memref<!tpu.dma_semaphore, #tpu.memory_space<semaphore_mem>>
      %dma_start3A_1913 = tpu.memref_slice %arg2[%select_n3A_1682, %sub3A_1685] : memref<20x16384xi32, #tpu.memory_space<hbm>> -> memref<1x512xi32, #tpu.memory_space<hbm>>
      %dma_start3A_1914 = tpu.memref_squeeze %dma_start3A_1913 : memref<1x512xi32, #tpu.memory_space<hbm>> -> memref<512xi32, #tpu.memory_space<hbm>>
      %dma_start3A_1915 = tpu.memref_slice %arg2[%select_n3A_1682, %sub3A_1685] : memref<20x16384xi32, #tpu.memory_space<hbm>> -> memref<1x512xi32, #tpu.memory_space<hbm>>
      %dma_start3A_1916 = tpu.memref_squeeze %dma_start3A_1915 : memref<1x512xi32, #tpu.memory_space<hbm>> -> memref<512xi32, #tpu.memory_space<hbm>>
      tpu.enqueue_dma source(%dma_start3A_1916 : memref<512xi32, #tpu.memory_space<hbm>>) target(%arg5 : memref<512xi32, #tpu.memory_space<vmem>>) target_semaphore(%run_scoped3A : memref<!tpu.dma_semaphore, #tpu.memory_space<semaphore_mem>>)
      %dma_wait3A_1917 = tpu.memref_slice %arg2[%select_n3A_1682, %sub3A_1685] : memref<20x16384xi32, #tpu.memory_space<hbm>> -> memref<1x512xi32, #tpu.memory_space<hbm>>
      %dma_wait3A_1918 = tpu.memref_squeeze %dma_wait3A_1917 : memref<1x512xi32, #tpu.memory_space<hbm>> -> memref<512xi32, #tpu.memory_space<hbm>>
      %dma_wait3A_1919 = tpu.memref_slice %arg2[%select_n3A_1682, %sub3A_1685] : memref<20x16384xi32, #tpu.memory_space<hbm>> -> memref<1x512xi32, #tpu.memory_space<hbm>>
      %dma_wait3A_1920 = tpu.memref_squeeze %dma_wait3A_1919 : memref<1x512xi32, #tpu.memory_space<hbm>> -> memref<512xi32, #tpu.memory_space<hbm>>
      tpu.wait_dma2 semaphore(%run_scoped3A : memref<!tpu.dma_semaphore, #tpu.memory_space<semaphore_mem>>) src(%dma_wait3A_1920 : memref<512xi32, #tpu.memory_space<hbm>>) dst(%arg5 : memref<512xi32, #tpu.memory_space<vmem>>)
      tpu.yield
    }) : () -> ()
    %dma_start3A_1686 = arith.constant 0 : i32
    %dma_start3A_1687 = arith.constant 0 : i32
    %dma_start3A_1688 = tpu.memref_slice %arg3[%dma_start3A_1686, %dma_start3A_1687] : memref<1007616x64xf32, #tpu.memory_space<hbm>> -> memref<1007616x64xf32, #tpu.memory_space<hbm>>
    tpu.enqueue_indirect_dma source(%dma_start3A_1688 : memref<1007616x64xf32, #tpu.memory_space<hbm>>) target(%arg7 : memref<512x64xf32, #tpu.memory_space<vmem>>) offsets(%arg5 : memref<512xi32, #tpu.memory_space<vmem>>) semaphore(%arg9 : memref<!tpu.dma_semaphore, #tpu.memory_space<semaphore_mem>>)
    %dma_wait3A_1689 = arith.constant 0 : i32
    %dma_wait3A_1690 = arith.constant 0 : i32
    %dma_wait3A_1691 = tpu.memref_slice %arg3[%dma_wait3A_1689, %dma_wait3A_1690] : memref<1007616x64xf32, #tpu.memory_space<hbm>> -> memref<1007616x64xf32, #tpu.memory_space<hbm>>
    tpu.wait_indirect_dma semaphore(%arg10 : memref<!tpu.dma_semaphore, #tpu.memory_space<semaphore_mem>>) src(%dma_wait3A_1691 : memref<1007616x64xf32, #tpu.memory_space<hbm>>) dst(%arg8 : memref<512x64xf32, #tpu.memory_space<vmem>>)
    %add3A_1692 = arith.constant 8704 : i32
    %add3A_1693 = arith.addi %mul3A_2, %add3A_1692 : i32
    %jit3A_1694 = arith.constant 16384 : i32
    %div3A_1695 = arith.divsi %add3A_1693, %jit3A_1694 : i32
    %sign3A_1696 = arith.constant 0 : i32
    %sign3A_1697 = arith.cmpi sgt, %add3A_1693, %sign3A_1696 : i32
    %sign3A_1698 = arith.extui %sign3A_1697 : i1 to i32
    %sign3A_1699 = arith.constant 0 : i32
    %sign3A_1700 = arith.cmpi slt, %add3A_1693, %sign3A_1699 : i32
    %sign3A_1701 = arith.extui %sign3A_1700 : i1 to i32
    %sign3A_1702 = arith.subi %sign3A_1698, %sign3A_1701 : i32
    %sign3A_1703 = arith.constant 0 : i32
    %sign3A_1704 = arith.cmpi sgt, %jit3A_1694, %sign3A_1703 : i32
    %sign3A_1705 = arith.extui %sign3A_1704 : i1 to i32
    %sign3A_1706 = arith.constant 0 : i32
    %sign3A_1707 = arith.cmpi slt, %jit3A_1694, %sign3A_1706 : i32
    %sign3A_1708 = arith.extui %sign3A_1707 : i1 to i32
    %sign3A_1709 = arith.subi %sign3A_1705, %sign3A_1708 : i32
    %ne3A_1710 = arith.cmpi ne, %sign3A_1702, %sign3A_1709 : i32
    %rem3A_1711 = arith.remsi %add3A_1693, %jit3A_1694 : i32
    %ne3A_1712 = arith.constant 0 : i32
    %ne3A_1713 = arith.cmpi ne, %rem3A_1711, %ne3A_1712 : i32
    %and3A_1714 = arith.andi %ne3A_1710, %ne3A_1713 : i1
    %sub3A_1715 = arith.constant 1 : i32
    %sub3A_1716 = arith.subi %div3A_1695, %sub3A_1715 : i32
    %select_n3A_1717 = arith.select %and3A_1714, %sub3A_1716, %div3A_1695 : i32
    %mul3A_1718 = arith.constant 16384 : i32
    %mul3A_1719 = arith.muli %select_n3A_1717, %mul3A_1718 : i32
    %sub3A_1720 = arith.subi %add3A_1693, %mul3A_1719 : i32
    %jit3A_1721 = arith.constant 8192 : i32
    %div3A_1722 = arith.divsi %sub3A_1720, %jit3A_1721 : i32
    %sign3A_1723 = arith.constant 0 : i32
    %sign3A_1724 = arith.cmpi sgt, %sub3A_1720, %sign3A_1723 : i32
    %sign3A_1725 = arith.extui %sign3A_1724 : i1 to i32
    %sign3A_1726 = arith.constant 0 : i32
    %sign3A_1727 = arith.cmpi slt, %sub3A_1720, %sign3A_1726 : i32
    %sign3A_1728 = arith.extui %sign3A_1727 : i1 to i32
    %sign3A_1729 = arith.subi %sign3A_1725, %sign3A_1728 : i32
    %sign3A_1730 = arith.constant 0 : i32
    %sign3A_1731 = arith.cmpi sgt, %jit3A_1721, %sign3A_1730 : i32
    %sign3A_1732 = arith.extui %sign3A_1731 : i1 to i32
    %sign3A_1733 = arith.constant 0 : i32
    %sign3A_1734 = arith.cmpi slt, %jit3A_1721, %sign3A_1733 : i32
    %sign3A_1735 = arith.extui %sign3A_1734 : i1 to i32
    %sign3A_1736 = arith.subi %sign3A_1732, %sign3A_1735 : i32
    %ne3A_1737 = arith.cmpi ne, %sign3A_1729, %sign3A_1736 : i32
    %rem3A_1738 = arith.remsi %sub3A_1720, %jit3A_1721 : i32
    %ne3A_1739 = arith.constant 0 : i32
    %ne3A_1740 = arith.cmpi ne, %rem3A_1738, %ne3A_1739 : i32
    %and3A_1741 = arith.andi %ne3A_1737, %ne3A_1740 : i1
    %sub3A_1742 = arith.constant 1 : i32
    %sub3A_1743 = arith.subi %div3A_1722, %sub3A_1742 : i32
    %select_n3A_1744 = arith.select %and3A_1741, %sub3A_1743, %div3A_1722 : i32
    %mul3A_1745 = arith.constant 8192 : i32
    %mul3A_1746 = arith.muli %select_n3A_1717, %mul3A_1745 : i32
    %add3A_1747 = arith.addi %mul3A_1746, %sub3A_1720 : i32
    %mul3A_1748 = arith.constant 8192 : i32
    %mul3A_1749 = arith.muli %select_n3A_1744, %mul3A_1748 : i32
    %sub3A_1750 = arith.subi %add3A_1747, %mul3A_1749 : i32
    %mul3A_1751 = arith.constant 64 : i32
    %mul3A_1752 = arith.muli %select_n3A_1744, %mul3A_1751 : i32
    "tpu.region"() ({
      %run_scoped3A = tpu.sem_alloc : memref<!tpu.dma_semaphore, #tpu.memory_space<semaphore_mem>>
      %dma_start3A_1913 = tpu.memref_slice %arg4[%sub3A_1750, %mul3A_1752] : memref<163840x128xf32, #tpu.memory_space<hbm>> -> memref<512x64xf32, #tpu.memory_space<hbm>>
      %dma_start3A_1914 = tpu.memref_slice %arg4[%sub3A_1750, %mul3A_1752] : memref<163840x128xf32, #tpu.memory_space<hbm>> -> memref<512x64xf32, #tpu.memory_space<hbm>>
      tpu.enqueue_dma source(%arg8 : memref<512x64xf32, #tpu.memory_space<vmem>>) target(%dma_start3A_1914 : memref<512x64xf32, #tpu.memory_space<hbm>>) target_semaphore(%run_scoped3A : memref<!tpu.dma_semaphore, #tpu.memory_space<semaphore_mem>>)
      %dma_wait3A_1915 = tpu.memref_slice %arg4[%sub3A_1750, %mul3A_1752] : memref<163840x128xf32, #tpu.memory_space<hbm>> -> memref<512x64xf32, #tpu.memory_space<hbm>>
      %dma_wait3A_1916 = tpu.memref_slice %arg4[%sub3A_1750, %mul3A_1752] : memref<163840x128xf32, #tpu.memory_space<hbm>> -> memref<512x64xf32, #tpu.memory_space<hbm>>
      tpu.wait_dma2 semaphore(%run_scoped3A : memref<!tpu.dma_semaphore, #tpu.memory_space<semaphore_mem>>) src(%arg8 : memref<512x64xf32, #tpu.memory_space<vmem>>) dst(%dma_wait3A_1916 : memref<512x64xf32, #tpu.memory_space<hbm>>)
      tpu.yield
    }) : () -> ()
    %add3A_1753 = arith.constant 9728 : i32
    %add3A_1754 = arith.addi %mul3A_2, %add3A_1753 : i32
    %jit3A_1755 = arith.constant 16384 : i32
    %div3A_1756 = arith.divsi %add3A_1754, %jit3A_1755 : i32
    %sign3A_1757 = arith.constant 0 : i32
    %sign3A_1758 = arith.cmpi sgt, %add3A_1754, %sign3A_1757 : i32
    %sign3A_1759 = arith.extui %sign3A_1758 : i1 to i32
    %sign3A_1760 = arith.constant 0 : i32
    %sign3A_1761 = arith.cmpi slt, %add3A_1754, %sign3A_1760 : i32
    %sign3A_1762 = arith.extui %sign3A_1761 : i1 to i32
    %sign3A_1763 = arith.subi %sign3A_1759, %sign3A_1762 : i32
    %sign3A_1764 = arith.constant 0 : i32
    %sign3A_1765 = arith.cmpi sgt, %jit3A_1755, %sign3A_1764 : i32
    %sign3A_1766 = arith.extui %sign3A_1765 : i1 to i32
    %sign3A_1767 = arith.constant 0 : i32
    %sign3A_1768 = arith.cmpi slt, %jit3A_1755, %sign3A_1767 : i32
    %sign3A_1769 = arith.extui %sign3A_1768 : i1 to i32
    %sign3A_1770 = arith.subi %sign3A_1766, %sign3A_1769 : i32
    %ne3A_1771 = arith.cmpi ne, %sign3A_1763, %sign3A_1770 : i32
    %rem3A_1772 = arith.remsi %add3A_1754, %jit3A_1755 : i32
    %ne3A_1773 = arith.constant 0 : i32
    %ne3A_1774 = arith.cmpi ne, %rem3A_1772, %ne3A_1773 : i32
    %and3A_1775 = arith.andi %ne3A_1771, %ne3A_1774 : i1
    %sub3A_1776 = arith.constant 1 : i32
    %sub3A_1777 = arith.subi %div3A_1756, %sub3A_1776 : i32
    %select_n3A_1778 = arith.select %and3A_1775, %sub3A_1777, %div3A_1756 : i32
    %mul3A_1779 = arith.constant 16384 : i32
    %mul3A_1780 = arith.muli %select_n3A_1778, %mul3A_1779 : i32
    %sub3A_1781 = arith.subi %add3A_1754, %mul3A_1780 : i32
    "tpu.region"() ({
      %run_scoped3A = tpu.sem_alloc : memref<!tpu.dma_semaphore, #tpu.memory_space<semaphore_mem>>
      %dma_start3A_1913 = tpu.memref_slice %arg2[%select_n3A_1778, %sub3A_1781] : memref<20x16384xi32, #tpu.memory_space<hbm>> -> memref<1x512xi32, #tpu.memory_space<hbm>>
      %dma_start3A_1914 = tpu.memref_squeeze %dma_start3A_1913 : memref<1x512xi32, #tpu.memory_space<hbm>> -> memref<512xi32, #tpu.memory_space<hbm>>
      %dma_start3A_1915 = tpu.memref_slice %arg2[%select_n3A_1778, %sub3A_1781] : memref<20x16384xi32, #tpu.memory_space<hbm>> -> memref<1x512xi32, #tpu.memory_space<hbm>>
      %dma_start3A_1916 = tpu.memref_squeeze %dma_start3A_1915 : memref<1x512xi32, #tpu.memory_space<hbm>> -> memref<512xi32, #tpu.memory_space<hbm>>
      tpu.enqueue_dma source(%dma_start3A_1916 : memref<512xi32, #tpu.memory_space<hbm>>) target(%arg6 : memref<512xi32, #tpu.memory_space<vmem>>) target_semaphore(%run_scoped3A : memref<!tpu.dma_semaphore, #tpu.memory_space<semaphore_mem>>)
      %dma_wait3A_1917 = tpu.memref_slice %arg2[%select_n3A_1778, %sub3A_1781] : memref<20x16384xi32, #tpu.memory_space<hbm>> -> memref<1x512xi32, #tpu.memory_space<hbm>>
      %dma_wait3A_1918 = tpu.memref_squeeze %dma_wait3A_1917 : memref<1x512xi32, #tpu.memory_space<hbm>> -> memref<512xi32, #tpu.memory_space<hbm>>
      %dma_wait3A_1919 = tpu.memref_slice %arg2[%select_n3A_1778, %sub3A_1781] : memref<20x16384xi32, #tpu.memory_space<hbm>> -> memref<1x512xi32, #tpu.memory_space<hbm>>
      %dma_wait3A_1920 = tpu.memref_squeeze %dma_wait3A_1919 : memref<1x512xi32, #tpu.memory_space<hbm>> -> memref<512xi32, #tpu.memory_space<hbm>>
      tpu.wait_dma2 semaphore(%run_scoped3A : memref<!tpu.dma_semaphore, #tpu.memory_space<semaphore_mem>>) src(%dma_wait3A_1920 : memref<512xi32, #tpu.memory_space<hbm>>) dst(%arg6 : memref<512xi32, #tpu.memory_space<vmem>>)
      tpu.yield
    }) : () -> ()
    %dma_start3A_1782 = arith.constant 0 : i32
    %dma_start3A_1783 = arith.constant 0 : i32
    %dma_start3A_1784 = tpu.memref_slice %arg3[%dma_start3A_1782, %dma_start3A_1783] : memref<1007616x64xf32, #tpu.memory_space<hbm>> -> memref<1007616x64xf32, #tpu.memory_space<hbm>>
    tpu.enqueue_indirect_dma source(%dma_start3A_1784 : memref<1007616x64xf32, #tpu.memory_space<hbm>>) target(%arg8 : memref<512x64xf32, #tpu.memory_space<vmem>>) offsets(%arg6 : memref<512xi32, #tpu.memory_space<vmem>>) semaphore(%arg10 : memref<!tpu.dma_semaphore, #tpu.memory_space<semaphore_mem>>)
    %dma_wait3A_1785 = arith.constant 0 : i32
    %dma_wait3A_1786 = arith.constant 0 : i32
    %dma_wait3A_1787 = tpu.memref_slice %arg3[%dma_wait3A_1785, %dma_wait3A_1786] : memref<1007616x64xf32, #tpu.memory_space<hbm>> -> memref<1007616x64xf32, #tpu.memory_space<hbm>>
    tpu.wait_indirect_dma semaphore(%arg9 : memref<!tpu.dma_semaphore, #tpu.memory_space<semaphore_mem>>) src(%dma_wait3A_1787 : memref<1007616x64xf32, #tpu.memory_space<hbm>>) dst(%arg7 : memref<512x64xf32, #tpu.memory_space<vmem>>)
    %add3A_1788 = arith.constant 9216 : i32
    %add3A_1789 = arith.addi %mul3A_2, %add3A_1788 : i32
    %jit3A_1790 = arith.constant 16384 : i32
    %div3A_1791 = arith.divsi %add3A_1789, %jit3A_1790 : i32
    %sign3A_1792 = arith.constant 0 : i32
    %sign3A_1793 = arith.cmpi sgt, %add3A_1789, %sign3A_1792 : i32
    %sign3A_1794 = arith.extui %sign3A_1793 : i1 to i32
    %sign3A_1795 = arith.constant 0 : i32
    %sign3A_1796 = arith.cmpi slt, %add3A_1789, %sign3A_1795 : i32
    %sign3A_1797 = arith.extui %sign3A_1796 : i1 to i32
    %sign3A_1798 = arith.subi %sign3A_1794, %sign3A_1797 : i32
    %sign3A_1799 = arith.constant 0 : i32
    %sign3A_1800 = arith.cmpi sgt, %jit3A_1790, %sign3A_1799 : i32
    %sign3A_1801 = arith.extui %sign3A_1800 : i1 to i32
    %sign3A_1802 = arith.constant 0 : i32
    %sign3A_1803 = arith.cmpi slt, %jit3A_1790, %sign3A_1802 : i32
    %sign3A_1804 = arith.extui %sign3A_1803 : i1 to i32
    %sign3A_1805 = arith.subi %sign3A_1801, %sign3A_1804 : i32
    %ne3A_1806 = arith.cmpi ne, %sign3A_1798, %sign3A_1805 : i32
    %rem3A_1807 = arith.remsi %add3A_1789, %jit3A_1790 : i32
    %ne3A_1808 = arith.constant 0 : i32
    %ne3A_1809 = arith.cmpi ne, %rem3A_1807, %ne3A_1808 : i32
    %and3A_1810 = arith.andi %ne3A_1806, %ne3A_1809 : i1
    %sub3A_1811 = arith.constant 1 : i32
    %sub3A_1812 = arith.subi %div3A_1791, %sub3A_1811 : i32
    %select_n3A_1813 = arith.select %and3A_1810, %sub3A_1812, %div3A_1791 : i32
    %mul3A_1814 = arith.constant 16384 : i32
    %mul3A_1815 = arith.muli %select_n3A_1813, %mul3A_1814 : i32
    %sub3A_1816 = arith.subi %add3A_1789, %mul3A_1815 : i32
    %jit3A_1817 = arith.constant 8192 : i32
    %div3A_1818 = arith.divsi %sub3A_1816, %jit3A_1817 : i32
    %sign3A_1819 = arith.constant 0 : i32
    %sign3A_1820 = arith.cmpi sgt, %sub3A_1816, %sign3A_1819 : i32
    %sign3A_1821 = arith.extui %sign3A_1820 : i1 to i32
    %sign3A_1822 = arith.constant 0 : i32
    %sign3A_1823 = arith.cmpi slt, %sub3A_1816, %sign3A_1822 : i32
    %sign3A_1824 = arith.extui %sign3A_1823 : i1 to i32
    %sign3A_1825 = arith.subi %sign3A_1821, %sign3A_1824 : i32
    %sign3A_1826 = arith.constant 0 : i32
    %sign3A_1827 = arith.cmpi sgt, %jit3A_1817, %sign3A_1826 : i32
    %sign3A_1828 = arith.extui %sign3A_1827 : i1 to i32
    %sign3A_1829 = arith.constant 0 : i32
    %sign3A_1830 = arith.cmpi slt, %jit3A_1817, %sign3A_1829 : i32
    %sign3A_1831 = arith.extui %sign3A_1830 : i1 to i32
    %sign3A_1832 = arith.subi %sign3A_1828, %sign3A_1831 : i32
    %ne3A_1833 = arith.cmpi ne, %sign3A_1825, %sign3A_1832 : i32
    %rem3A_1834 = arith.remsi %sub3A_1816, %jit3A_1817 : i32
    %ne3A_1835 = arith.constant 0 : i32
    %ne3A_1836 = arith.cmpi ne, %rem3A_1834, %ne3A_1835 : i32
    %and3A_1837 = arith.andi %ne3A_1833, %ne3A_1836 : i1
    %sub3A_1838 = arith.constant 1 : i32
    %sub3A_1839 = arith.subi %div3A_1818, %sub3A_1838 : i32
    %select_n3A_1840 = arith.select %and3A_1837, %sub3A_1839, %div3A_1818 : i32
    %mul3A_1841 = arith.constant 8192 : i32
    %mul3A_1842 = arith.muli %select_n3A_1813, %mul3A_1841 : i32
    %add3A_1843 = arith.addi %mul3A_1842, %sub3A_1816 : i32
    %mul3A_1844 = arith.constant 8192 : i32
    %mul3A_1845 = arith.muli %select_n3A_1840, %mul3A_1844 : i32
    %sub3A_1846 = arith.subi %add3A_1843, %mul3A_1845 : i32
    %mul3A_1847 = arith.constant 64 : i32
    %mul3A_1848 = arith.muli %select_n3A_1840, %mul3A_1847 : i32
    "tpu.region"() ({
      %run_scoped3A = tpu.sem_alloc : memref<!tpu.dma_semaphore, #tpu.memory_space<semaphore_mem>>
      %dma_start3A_1913 = tpu.memref_slice %arg4[%sub3A_1846, %mul3A_1848] : memref<163840x128xf32, #tpu.memory_space<hbm>> -> memref<512x64xf32, #tpu.memory_space<hbm>>
      %dma_start3A_1914 = tpu.memref_slice %arg4[%sub3A_1846, %mul3A_1848] : memref<163840x128xf32, #tpu.memory_space<hbm>> -> memref<512x64xf32, #tpu.memory_space<hbm>>
      tpu.enqueue_dma source(%arg7 : memref<512x64xf32, #tpu.memory_space<vmem>>) target(%dma_start3A_1914 : memref<512x64xf32, #tpu.memory_space<hbm>>) target_semaphore(%run_scoped3A : memref<!tpu.dma_semaphore, #tpu.memory_space<semaphore_mem>>)
      %dma_wait3A_1915 = tpu.memref_slice %arg4[%sub3A_1846, %mul3A_1848] : memref<163840x128xf32, #tpu.memory_space<hbm>> -> memref<512x64xf32, #tpu.memory_space<hbm>>
      %dma_wait3A_1916 = tpu.memref_slice %arg4[%sub3A_1846, %mul3A_1848] : memref<163840x128xf32, #tpu.memory_space<hbm>> -> memref<512x64xf32, #tpu.memory_space<hbm>>
      tpu.wait_dma2 semaphore(%run_scoped3A : memref<!tpu.dma_semaphore, #tpu.memory_space<semaphore_mem>>) src(%arg7 : memref<512x64xf32, #tpu.memory_space<vmem>>) dst(%dma_wait3A_1916 : memref<512x64xf32, #tpu.memory_space<hbm>>)
      tpu.yield
    }) : () -> ()
    %dma_wait3A_1849 = arith.constant 0 : i32
    %dma_wait3A_1850 = arith.constant 0 : i32
    %dma_wait3A_1851 = tpu.memref_slice %arg3[%dma_wait3A_1849, %dma_wait3A_1850] : memref<1007616x64xf32, #tpu.memory_space<hbm>> -> memref<1007616x64xf32, #tpu.memory_space<hbm>>
    tpu.wait_indirect_dma semaphore(%arg10 : memref<!tpu.dma_semaphore, #tpu.memory_space<semaphore_mem>>) src(%dma_wait3A_1851 : memref<1007616x64xf32, #tpu.memory_space<hbm>>) dst(%arg8 : memref<512x64xf32, #tpu.memory_space<vmem>>)
    %add3A_1852 = arith.constant 9728 : i32
    %add3A_1853 = arith.addi %mul3A_2, %add3A_1852 : i32
    %jit3A_1854 = arith.constant 16384 : i32
    %div3A_1855 = arith.divsi %add3A_1853, %jit3A_1854 : i32
    %sign3A_1856 = arith.constant 0 : i32
    %sign3A_1857 = arith.cmpi sgt, %add3A_1853, %sign3A_1856 : i32
    %sign3A_1858 = arith.extui %sign3A_1857 : i1 to i32
    %sign3A_1859 = arith.constant 0 : i32
    %sign3A_1860 = arith.cmpi slt, %add3A_1853, %sign3A_1859 : i32
    %sign3A_1861 = arith.extui %sign3A_1860 : i1 to i32
    %sign3A_1862 = arith.subi %sign3A_1858, %sign3A_1861 : i32
    %sign3A_1863 = arith.constant 0 : i32
    %sign3A_1864 = arith.cmpi sgt, %jit3A_1854, %sign3A_1863 : i32
    %sign3A_1865 = arith.extui %sign3A_1864 : i1 to i32
    %sign3A_1866 = arith.constant 0 : i32
    %sign3A_1867 = arith.cmpi slt, %jit3A_1854, %sign3A_1866 : i32
    %sign3A_1868 = arith.extui %sign3A_1867 : i1 to i32
    %sign3A_1869 = arith.subi %sign3A_1865, %sign3A_1868 : i32
    %ne3A_1870 = arith.cmpi ne, %sign3A_1862, %sign3A_1869 : i32
    %rem3A_1871 = arith.remsi %add3A_1853, %jit3A_1854 : i32
    %ne3A_1872 = arith.constant 0 : i32
    %ne3A_1873 = arith.cmpi ne, %rem3A_1871, %ne3A_1872 : i32
    %and3A_1874 = arith.andi %ne3A_1870, %ne3A_1873 : i1
    %sub3A_1875 = arith.constant 1 : i32
    %sub3A_1876 = arith.subi %div3A_1855, %sub3A_1875 : i32
    %select_n3A_1877 = arith.select %and3A_1874, %sub3A_1876, %div3A_1855 : i32
    %mul3A_1878 = arith.constant 16384 : i32
    %mul3A_1879 = arith.muli %select_n3A_1877, %mul3A_1878 : i32
    %sub3A_1880 = arith.subi %add3A_1853, %mul3A_1879 : i32
    %jit3A_1881 = arith.constant 8192 : i32
    %div3A_1882 = arith.divsi %sub3A_1880, %jit3A_1881 : i32
    %sign3A_1883 = arith.constant 0 : i32
    %sign3A_1884 = arith.cmpi sgt, %sub3A_1880, %sign3A_1883 : i32
    %sign3A_1885 = arith.extui %sign3A_1884 : i1 to i32
    %sign3A_1886 = arith.constant 0 : i32
    %sign3A_1887 = arith.cmpi slt, %sub3A_1880, %sign3A_1886 : i32
    %sign3A_1888 = arith.extui %sign3A_1887 : i1 to i32
    %sign3A_1889 = arith.subi %sign3A_1885, %sign3A_1888 : i32
    %sign3A_1890 = arith.constant 0 : i32
    %sign3A_1891 = arith.cmpi sgt, %jit3A_1881, %sign3A_1890 : i32
    %sign3A_1892 = arith.extui %sign3A_1891 : i1 to i32
    %sign3A_1893 = arith.constant 0 : i32
    %sign3A_1894 = arith.cmpi slt, %jit3A_1881, %sign3A_1893 : i32
    %sign3A_1895 = arith.extui %sign3A_1894 : i1 to i32
    %sign3A_1896 = arith.subi %sign3A_1892, %sign3A_1895 : i32
    %ne3A_1897 = arith.cmpi ne, %sign3A_1889, %sign3A_1896 : i32
    %rem3A_1898 = arith.remsi %sub3A_1880, %jit3A_1881 : i32
    %ne3A_1899 = arith.constant 0 : i32
    %ne3A_1900 = arith.cmpi ne, %rem3A_1898, %ne3A_1899 : i32
    %and3A_1901 = arith.andi %ne3A_1897, %ne3A_1900 : i1
    %sub3A_1902 = arith.constant 1 : i32
    %sub3A_1903 = arith.subi %div3A_1882, %sub3A_1902 : i32
    %select_n3A_1904 = arith.select %and3A_1901, %sub3A_1903, %div3A_1882 : i32
    %mul3A_1905 = arith.constant 8192 : i32
    %mul3A_1906 = arith.muli %select_n3A_1877, %mul3A_1905 : i32
    %add3A_1907 = arith.addi %mul3A_1906, %sub3A_1880 : i32
    %mul3A_1908 = arith.constant 8192 : i32
    %mul3A_1909 = arith.muli %select_n3A_1904, %mul3A_1908 : i32
    %sub3A_1910 = arith.subi %add3A_1907, %mul3A_1909 : i32
    %mul3A_1911 = arith.constant 64 : i32
    %mul3A_1912 = arith.muli %select_n3A_1904, %mul3A_1911 : i32
    "tpu.region"() ({
      %run_scoped3A = tpu.sem_alloc : memref<!tpu.dma_semaphore, #tpu.memory_space<semaphore_mem>>
      %dma_start3A_1913 = tpu.memref_slice %arg4[%sub3A_1910, %mul3A_1912] : memref<163840x128xf32, #tpu.memory_space<hbm>> -> memref<512x64xf32, #tpu.memory_space<hbm>>
      %dma_start3A_1914 = tpu.memref_slice %arg4[%sub3A_1910, %mul3A_1912] : memref<163840x128xf32, #tpu.memory_space<hbm>> -> memref<512x64xf32, #tpu.memory_space<hbm>>
      tpu.enqueue_dma source(%arg8 : memref<512x64xf32, #tpu.memory_space<vmem>>) target(%dma_start3A_1914 : memref<512x64xf32, #tpu.memory_space<hbm>>) target_semaphore(%run_scoped3A : memref<!tpu.dma_semaphore, #tpu.memory_space<semaphore_mem>>)
      %dma_wait3A_1915 = tpu.memref_slice %arg4[%sub3A_1910, %mul3A_1912] : memref<163840x128xf32, #tpu.memory_space<hbm>> -> memref<512x64xf32, #tpu.memory_space<hbm>>
      %dma_wait3A_1916 = tpu.memref_slice %arg4[%sub3A_1910, %mul3A_1912] : memref<163840x128xf32, #tpu.memory_space<hbm>> -> memref<512x64xf32, #tpu.memory_space<hbm>>
      tpu.wait_dma2 semaphore(%run_scoped3A : memref<!tpu.dma_semaphore, #tpu.memory_space<semaphore_mem>>) src(%arg8 : memref<512x64xf32, #tpu.memory_space<vmem>>) dst(%dma_wait3A_1916 : memref<512x64xf32, #tpu.memory_space<hbm>>)
      tpu.yield
    }) : () -> ()
    return
  }
}

module attributes {stable_mosaic.version = 14 : i64} {
  func.func @body(%arg0: i32, %arg1: memref<64x8192xf32, #tpu.memory_space<vmem>>, %arg2: memref<64x64xf32, #tpu.memory_space<vmem>>, %arg3: memref<1x64xf32, #tpu.memory_space<vmem>>, %arg4: memref<4096x128xf32, #tpu.memory_space<vmem>>) attributes {dimension_semantics = [#tpu.dimension_semantics<arbitrary>], iteration_bounds = array<i64: 123>, scalar_prefetch = 0 : i64, scratch_operands = 0 : i64, tpu.core_type = #tpu.core_type<tc>, window_params = [{transform_indices = @transform_0, window_bounds = array<i64: 64, 8192>}, {pipeline_mode = #tpu.pipeline_mode<synchronous>, transform_indices = @transform_1, window_bounds = array<i64: 64, 64>}, {pipeline_mode = #tpu.pipeline_mode<synchronous>, transform_indices = @transform_2, window_bounds = array<i64: 1, 64>}, {transform_indices = @transform_3, window_bounds = array<i64: 4096, 128>}]} {
    %get3A = arith.constant 0 : index
    %get3A_0 = arith.constant 0 : index
    %get3A_1 = vector.load %arg2[%get3A, %get3A_0] : memref<64x64xf32, #tpu.memory_space<vmem>>, vector<64x64xf32>
    %convert_element_type3A = arith.truncf %get3A_1 : vector<64x64xf32> to vector<64x64xbf16>
    %get3A_2 = arith.constant 0 : index
    %get3A_3 = arith.constant 0 : index
    %get3A_4 = vector.load %arg3[%get3A_2, %get3A_3] : memref<1x64xf32, #tpu.memory_space<vmem>>, vector<1x64xf32>
    %get3A_5 = arith.constant 0 : index
    %get3A_6 = arith.constant 0 : index
    %get3A_7 = vector.load %arg1[%get3A_5, %get3A_6] : memref<64x8192xf32, #tpu.memory_space<vmem>>, vector<64x8192xf32>
    %convert_element_type3A_8 = arith.truncf %get3A_7 : vector<64x8192xf32> to vector<64x8192xbf16>
    %slice3A = vector.extract_strided_slice %convert_element_type3A_8 {offsets = [0, 0], sizes = [64, 4096], strides = [1, 1]} : vector<64x8192xbf16> to vector<64x4096xbf16>
    %dot_general3A = arith.constant dense<0.000000e+00> : vector<4096x64xf32>
    %dot_general3A_9 = tpu.matmul %slice3A, %convert_element_type3A, %dot_general3A {dimension_numbers = #tpu.dot_dimension_numbers<[0], [1], [1], [0], [0, 1, 1, 0], [], []>, transpose_lhs_hint = false} : vector<64x4096xbf16>, vector<64x64xbf16>, vector<4096x64xf32> -> vector<4096x64xf32>
    %add3A = vector.broadcast %get3A_4 : vector<1x64xf32> to vector<4096x64xf32>
    %add3A_10 = arith.addf %dot_general3A_9, %add3A : vector<4096x64xf32>
    %swap3A = arith.constant 0 : index
    %swap3A_11 = arith.constant 0 : index
    %swap3A_12 = vector.load %arg4[%swap3A, %swap3A_11] : memref<4096x128xf32, #tpu.memory_space<vmem>>, vector<4096x64xf32>
    tpu.vector_store %arg4[%swap3A, %swap3A_11], %add3A_10 {strides = array<i32>} : memref<4096x128xf32, #tpu.memory_space<vmem>>, vector<4096x64xf32>,
    %slice3A_13 = vector.extract_strided_slice %convert_element_type3A_8 {offsets = [0, 4096], sizes = [64, 4096], strides = [1, 1]} : vector<64x8192xbf16> to vector<64x4096xbf16>
    %dot_general3A_14 = arith.constant dense<0.000000e+00> : vector<4096x64xf32>
    %dot_general3A_15 = tpu.matmul %slice3A_13, %convert_element_type3A, %dot_general3A_14 {dimension_numbers = #tpu.dot_dimension_numbers<[0], [1], [1], [0], [0, 1, 1, 0], [], []>, transpose_lhs_hint = false} : vector<64x4096xbf16>, vector<64x64xbf16>, vector<4096x64xf32> -> vector<4096x64xf32>
    %add3A_16 = vector.broadcast %get3A_4 : vector<1x64xf32> to vector<4096x64xf32>
    %add3A_17 = arith.addf %dot_general3A_15, %add3A_16 : vector<4096x64xf32>
    %swap3A_18 = arith.constant 0 : index
    %swap3A_19 = arith.constant 64 : index
    %swap3A_20 = vector.load %arg4[%swap3A_18, %swap3A_19] : memref<4096x128xf32, #tpu.memory_space<vmem>>, vector<4096x64xf32>
    tpu.vector_store %arg4[%swap3A_18, %swap3A_19], %add3A_17 {strides = array<i32>} : memref<4096x128xf32, #tpu.memory_space<vmem>>, vector<4096x64xf32>,
    return
  }
  func.func @transform_0(%arg0: i32) -> (i32, i32) {
    %c0_i32 = arith.constant 0 : i32
    %c0_i32_0 = arith.constant 0 : i32
    return %c0_i32, %arg0 : i32, i32
  }
  func.func @transform_1(%arg0: i32) -> (i32, i32) {
    %c0_i32 = arith.constant 0 : i32
    %c0_i32_0 = arith.constant 0 : i32
    %c0_i32_1 = arith.constant 0 : i32
    return %c0_i32, %c0_i32_0 : i32, i32
  }
  func.func @transform_2(%arg0: i32) -> (i32, i32) {
    %c0_i32 = arith.constant 0 : i32
    %c0_i32_0 = arith.constant 0 : i32
    %c0_i32_1 = arith.constant 0 : i32
    return %c0_i32, %c0_i32_0 : i32, i32
  }
  func.func @transform_3(%arg0: i32) -> (i32, i32) {
    %c0_i32 = arith.constant 0 : i32
    %c0_i32_0 = arith.constant 0 : i32
    return %arg0, %c0_i32 : i32, i32
  }
}

module attributes {stable_mosaic.version = 14 : i64} {
  func.func @body(%arg0: i32, %arg1: memref<8192x128xf32, #tpu.memory_space<vmem>>, %arg2: memref<64x64xf32, #tpu.memory_space<vmem>>, %arg3: memref<64x1xf32, #tpu.memory_space<vmem>>, %arg4: memref<1x64x16384xf32, #tpu.memory_space<vmem>>) attributes {dimension_semantics = [#tpu.dimension_semantics<arbitrary>], iteration_bounds = array<i64: 20>, scalar_prefetch = 0 : i64, scratch_operands = 0 : i64, tpu.core_type = #tpu.core_type<tc>, window_params = [{transform_indices = @transform_0, window_bounds = array<i64: 8192, 128>}, {pipeline_mode = #tpu.pipeline_mode<synchronous>, transform_indices = @transform_1, window_bounds = array<i64: 64, 64>}, {pipeline_mode = #tpu.pipeline_mode<synchronous>, transform_indices = @transform_2, window_bounds = array<i64: 64, 1>}, {transform_indices = @transform_3, window_bounds = array<i64: 1, 64, 16384>}]} {
    %get3A = arith.constant 0 : index
    %get3A_0 = arith.constant 0 : index
    %get3A_1 = vector.load %arg2[%get3A, %get3A_0] : memref<64x64xf32, #tpu.memory_space<vmem>>, vector<64x64xf32>
    %get3A_2 = arith.constant 0 : index
    %get3A_3 = arith.constant 0 : index
    %get3A_4 = vector.load %arg3[%get3A_2, %get3A_3] : memref<64x1xf32, #tpu.memory_space<vmem>>, vector<64x1xf32>
    %get3A_5 = arith.constant 0 : index
    %get3A_6 = arith.constant 0 : index
    %get3A_7 = vector.load %arg1[%get3A_5, %get3A_6] : memref<8192x128xf32, #tpu.memory_space<vmem>>, vector<512x128xf32>
    %slice3A = vector.extract_strided_slice %get3A_7 {offsets = [0, 0], sizes = [512, 64], strides = [1, 1]} : vector<512x128xf32> to vector<512x64xf32>
    %dot_general3A = arith.constant dense<0.000000e+00> : vector<64x512xf32>
    %dot_general3A_8 = tpu.matmul %get3A_1, %slice3A, %dot_general3A {dimension_numbers = #tpu.dot_dimension_numbers<[1], [1], [0], [0], [0, 0, 1, 0], [], []>, transpose_lhs_hint = false} : vector<64x64xf32>, vector<512x64xf32>, vector<64x512xf32> -> vector<64x512xf32>
    %add3A = vector.broadcast %get3A_4 : vector<64x1xf32> to vector<64x512xf32>
    %add3A_9 = arith.addf %dot_general3A_8, %add3A : vector<64x512xf32>
    %swap3A = arith.constant 0 : index
    %swap3A_10 = arith.constant 0 : index
    %swap3A_11 = arith.constant 0 : index
    %swap3A_12 = vector.load %arg4[%swap3A, %swap3A_10, %swap3A_11] : memref<1x64x16384xf32, #tpu.memory_space<vmem>>, vector<1x64x512xf32>
    %swap3A_13 = vector.shape_cast %swap3A_12 : vector<1x64x512xf32> to vector<64x512xf32>
    %swap3A_14 = vector.shape_cast %add3A_9 : vector<64x512xf32> to vector<1x64x512xf32>
    tpu.vector_store %arg4[%swap3A, %swap3A_10, %swap3A_11], %swap3A_14 {strides = array<i32>} : memref<1x64x16384xf32, #tpu.memory_space<vmem>>, vector<1x64x512xf32>,
    %slice3A_15 = vector.extract_strided_slice %get3A_7 {offsets = [0, 64], sizes = [512, 64], strides = [1, 1]} : vector<512x128xf32> to vector<512x64xf32>
    %dot_general3A_16 = arith.constant dense<0.000000e+00> : vector<64x512xf32>
    %dot_general3A_17 = tpu.matmul %get3A_1, %slice3A_15, %dot_general3A_16 {dimension_numbers = #tpu.dot_dimension_numbers<[1], [1], [0], [0], [0, 0, 1, 0], [], []>, transpose_lhs_hint = false} : vector<64x64xf32>, vector<512x64xf32>, vector<64x512xf32> -> vector<64x512xf32>
    %add3A_18 = vector.broadcast %get3A_4 : vector<64x1xf32> to vector<64x512xf32>
    %add3A_19 = arith.addf %dot_general3A_17, %add3A_18 : vector<64x512xf32>
    %swap3A_20 = arith.constant 0 : index
    %swap3A_21 = arith.constant 0 : index
    %swap3A_22 = arith.constant 8192 : index
    %swap3A_23 = vector.load %arg4[%swap3A_20, %swap3A_21, %swap3A_22] : memref<1x64x16384xf32, #tpu.memory_space<vmem>>, vector<1x64x512xf32>
    %swap3A_24 = vector.shape_cast %swap3A_23 : vector<1x64x512xf32> to vector<64x512xf32>
    %swap3A_25 = vector.shape_cast %add3A_19 : vector<64x512xf32> to vector<1x64x512xf32>
    tpu.vector_store %arg4[%swap3A_20, %swap3A_21, %swap3A_22], %swap3A_25 {strides = array<i32>} : memref<1x64x16384xf32, #tpu.memory_space<vmem>>, vector<1x64x512xf32>,
    %get3A_26 = arith.constant 512 : index
    %get3A_27 = arith.constant 0 : index
    %get3A_28 = vector.load %arg1[%get3A_26, %get3A_27] : memref<8192x128xf32, #tpu.memory_space<vmem>>, vector<512x128xf32>
    %slice3A_29 = vector.extract_strided_slice %get3A_28 {offsets = [0, 0], sizes = [512, 64], strides = [1, 1]} : vector<512x128xf32> to vector<512x64xf32>
    %dot_general3A_30 = arith.constant dense<0.000000e+00> : vector<64x512xf32>
    %dot_general3A_31 = tpu.matmul %get3A_1, %slice3A_29, %dot_general3A_30 {dimension_numbers = #tpu.dot_dimension_numbers<[1], [1], [0], [0], [0, 0, 1, 0], [], []>, transpose_lhs_hint = false} : vector<64x64xf32>, vector<512x64xf32>, vector<64x512xf32> -> vector<64x512xf32>
    %add3A_32 = vector.broadcast %get3A_4 : vector<64x1xf32> to vector<64x512xf32>
    %add3A_33 = arith.addf %dot_general3A_31, %add3A_32 : vector<64x512xf32>
    %swap3A_34 = arith.constant 0 : index
    %swap3A_35 = arith.constant 0 : index
    %swap3A_36 = arith.constant 512 : index
    %swap3A_37 = vector.load %arg4[%swap3A_34, %swap3A_35, %swap3A_36] : memref<1x64x16384xf32, #tpu.memory_space<vmem>>, vector<1x64x512xf32>
    %swap3A_38 = vector.shape_cast %swap3A_37 : vector<1x64x512xf32> to vector<64x512xf32>
    %swap3A_39 = vector.shape_cast %add3A_33 : vector<64x512xf32> to vector<1x64x512xf32>
    tpu.vector_store %arg4[%swap3A_34, %swap3A_35, %swap3A_36], %swap3A_39 {strides = array<i32>} : memref<1x64x16384xf32, #tpu.memory_space<vmem>>, vector<1x64x512xf32>,
    %slice3A_40 = vector.extract_strided_slice %get3A_28 {offsets = [0, 64], sizes = [512, 64], strides = [1, 1]} : vector<512x128xf32> to vector<512x64xf32>
    %dot_general3A_41 = arith.constant dense<0.000000e+00> : vector<64x512xf32>
    %dot_general3A_42 = tpu.matmul %get3A_1, %slice3A_40, %dot_general3A_41 {dimension_numbers = #tpu.dot_dimension_numbers<[1], [1], [0], [0], [0, 0, 1, 0], [], []>, transpose_lhs_hint = false} : vector<64x64xf32>, vector<512x64xf32>, vector<64x512xf32> -> vector<64x512xf32>
    %add3A_43 = vector.broadcast %get3A_4 : vector<64x1xf32> to vector<64x512xf32>
    %add3A_44 = arith.addf %dot_general3A_42, %add3A_43 : vector<64x512xf32>
    %swap3A_45 = arith.constant 0 : index
    %swap3A_46 = arith.constant 0 : index
    %swap3A_47 = arith.constant 8704 : index
    %swap3A_48 = vector.load %arg4[%swap3A_45, %swap3A_46, %swap3A_47] : memref<1x64x16384xf32, #tpu.memory_space<vmem>>, vector<1x64x512xf32>
    %swap3A_49 = vector.shape_cast %swap3A_48 : vector<1x64x512xf32> to vector<64x512xf32>
    %swap3A_50 = vector.shape_cast %add3A_44 : vector<64x512xf32> to vector<1x64x512xf32>
    tpu.vector_store %arg4[%swap3A_45, %swap3A_46, %swap3A_47], %swap3A_50 {strides = array<i32>} : memref<1x64x16384xf32, #tpu.memory_space<vmem>>, vector<1x64x512xf32>,
    %get3A_51 = arith.constant 1024 : index
    %get3A_52 = arith.constant 0 : index
    %get3A_53 = vector.load %arg1[%get3A_51, %get3A_52] : memref<8192x128xf32, #tpu.memory_space<vmem>>, vector<512x128xf32>
    %slice3A_54 = vector.extract_strided_slice %get3A_53 {offsets = [0, 0], sizes = [512, 64], strides = [1, 1]} : vector<512x128xf32> to vector<512x64xf32>
    %dot_general3A_55 = arith.constant dense<0.000000e+00> : vector<64x512xf32>
    %dot_general3A_56 = tpu.matmul %get3A_1, %slice3A_54, %dot_general3A_55 {dimension_numbers = #tpu.dot_dimension_numbers<[1], [1], [0], [0], [0, 0, 1, 0], [], []>, transpose_lhs_hint = false} : vector<64x64xf32>, vector<512x64xf32>, vector<64x512xf32> -> vector<64x512xf32>
    %add3A_57 = vector.broadcast %get3A_4 : vector<64x1xf32> to vector<64x512xf32>
    %add3A_58 = arith.addf %dot_general3A_56, %add3A_57 : vector<64x512xf32>
    %swap3A_59 = arith.constant 0 : index
    %swap3A_60 = arith.constant 0 : index
    %swap3A_61 = arith.constant 1024 : index
    %swap3A_62 = vector.load %arg4[%swap3A_59, %swap3A_60, %swap3A_61] : memref<1x64x16384xf32, #tpu.memory_space<vmem>>, vector<1x64x512xf32>
    %swap3A_63 = vector.shape_cast %swap3A_62 : vector<1x64x512xf32> to vector<64x512xf32>
    %swap3A_64 = vector.shape_cast %add3A_58 : vector<64x512xf32> to vector<1x64x512xf32>
    tpu.vector_store %arg4[%swap3A_59, %swap3A_60, %swap3A_61], %swap3A_64 {strides = array<i32>} : memref<1x64x16384xf32, #tpu.memory_space<vmem>>, vector<1x64x512xf32>,
    %slice3A_65 = vector.extract_strided_slice %get3A_53 {offsets = [0, 64], sizes = [512, 64], strides = [1, 1]} : vector<512x128xf32> to vector<512x64xf32>
    %dot_general3A_66 = arith.constant dense<0.000000e+00> : vector<64x512xf32>
    %dot_general3A_67 = tpu.matmul %get3A_1, %slice3A_65, %dot_general3A_66 {dimension_numbers = #tpu.dot_dimension_numbers<[1], [1], [0], [0], [0, 0, 1, 0], [], []>, transpose_lhs_hint = false} : vector<64x64xf32>, vector<512x64xf32>, vector<64x512xf32> -> vector<64x512xf32>
    %add3A_68 = vector.broadcast %get3A_4 : vector<64x1xf32> to vector<64x512xf32>
    %add3A_69 = arith.addf %dot_general3A_67, %add3A_68 : vector<64x512xf32>
    %swap3A_70 = arith.constant 0 : index
    %swap3A_71 = arith.constant 0 : index
    %swap3A_72 = arith.constant 9216 : index
    %swap3A_73 = vector.load %arg4[%swap3A_70, %swap3A_71, %swap3A_72] : memref<1x64x16384xf32, #tpu.memory_space<vmem>>, vector<1x64x512xf32>
    %swap3A_74 = vector.shape_cast %swap3A_73 : vector<1x64x512xf32> to vector<64x512xf32>
    %swap3A_75 = vector.shape_cast %add3A_69 : vector<64x512xf32> to vector<1x64x512xf32>
    tpu.vector_store %arg4[%swap3A_70, %swap3A_71, %swap3A_72], %swap3A_75 {strides = array<i32>} : memref<1x64x16384xf32, #tpu.memory_space<vmem>>, vector<1x64x512xf32>,
    %get3A_76 = arith.constant 1536 : index
    %get3A_77 = arith.constant 0 : index
    %get3A_78 = vector.load %arg1[%get3A_76, %get3A_77] : memref<8192x128xf32, #tpu.memory_space<vmem>>, vector<512x128xf32>
    %slice3A_79 = vector.extract_strided_slice %get3A_78 {offsets = [0, 0], sizes = [512, 64], strides = [1, 1]} : vector<512x128xf32> to vector<512x64xf32>
    %dot_general3A_80 = arith.constant dense<0.000000e+00> : vector<64x512xf32>
    %dot_general3A_81 = tpu.matmul %get3A_1, %slice3A_79, %dot_general3A_80 {dimension_numbers = #tpu.dot_dimension_numbers<[1], [1], [0], [0], [0, 0, 1, 0], [], []>, transpose_lhs_hint = false} : vector<64x64xf32>, vector<512x64xf32>, vector<64x512xf32> -> vector<64x512xf32>
    %add3A_82 = vector.broadcast %get3A_4 : vector<64x1xf32> to vector<64x512xf32>
    %add3A_83 = arith.addf %dot_general3A_81, %add3A_82 : vector<64x512xf32>
    %swap3A_84 = arith.constant 0 : index
    %swap3A_85 = arith.constant 0 : index
    %swap3A_86 = arith.constant 1536 : index
    %swap3A_87 = vector.load %arg4[%swap3A_84, %swap3A_85, %swap3A_86] : memref<1x64x16384xf32, #tpu.memory_space<vmem>>, vector<1x64x512xf32>
    %swap3A_88 = vector.shape_cast %swap3A_87 : vector<1x64x512xf32> to vector<64x512xf32>
    %swap3A_89 = vector.shape_cast %add3A_83 : vector<64x512xf32> to vector<1x64x512xf32>
    tpu.vector_store %arg4[%swap3A_84, %swap3A_85, %swap3A_86], %swap3A_89 {strides = array<i32>} : memref<1x64x16384xf32, #tpu.memory_space<vmem>>, vector<1x64x512xf32>,
    %slice3A_90 = vector.extract_strided_slice %get3A_78 {offsets = [0, 64], sizes = [512, 64], strides = [1, 1]} : vector<512x128xf32> to vector<512x64xf32>
    %dot_general3A_91 = arith.constant dense<0.000000e+00> : vector<64x512xf32>
    %dot_general3A_92 = tpu.matmul %get3A_1, %slice3A_90, %dot_general3A_91 {dimension_numbers = #tpu.dot_dimension_numbers<[1], [1], [0], [0], [0, 0, 1, 0], [], []>, transpose_lhs_hint = false} : vector<64x64xf32>, vector<512x64xf32>, vector<64x512xf32> -> vector<64x512xf32>
    %add3A_93 = vector.broadcast %get3A_4 : vector<64x1xf32> to vector<64x512xf32>
    %add3A_94 = arith.addf %dot_general3A_92, %add3A_93 : vector<64x512xf32>
    %swap3A_95 = arith.constant 0 : index
    %swap3A_96 = arith.constant 0 : index
    %swap3A_97 = arith.constant 9728 : index
    %swap3A_98 = vector.load %arg4[%swap3A_95, %swap3A_96, %swap3A_97] : memref<1x64x16384xf32, #tpu.memory_space<vmem>>, vector<1x64x512xf32>
    %swap3A_99 = vector.shape_cast %swap3A_98 : vector<1x64x512xf32> to vector<64x512xf32>
    %swap3A_100 = vector.shape_cast %add3A_94 : vector<64x512xf32> to vector<1x64x512xf32>
    tpu.vector_store %arg4[%swap3A_95, %swap3A_96, %swap3A_97], %swap3A_100 {strides = array<i32>} : memref<1x64x16384xf32, #tpu.memory_space<vmem>>, vector<1x64x512xf32>,
    %get3A_101 = arith.constant 2048 : index
    %get3A_102 = arith.constant 0 : index
    %get3A_103 = vector.load %arg1[%get3A_101, %get3A_102] : memref<8192x128xf32, #tpu.memory_space<vmem>>, vector<512x128xf32>
    %slice3A_104 = vector.extract_strided_slice %get3A_103 {offsets = [0, 0], sizes = [512, 64], strides = [1, 1]} : vector<512x128xf32> to vector<512x64xf32>
    %dot_general3A_105 = arith.constant dense<0.000000e+00> : vector<64x512xf32>
    %dot_general3A_106 = tpu.matmul %get3A_1, %slice3A_104, %dot_general3A_105 {dimension_numbers = #tpu.dot_dimension_numbers<[1], [1], [0], [0], [0, 0, 1, 0], [], []>, transpose_lhs_hint = false} : vector<64x64xf32>, vector<512x64xf32>, vector<64x512xf32> -> vector<64x512xf32>
    %add3A_107 = vector.broadcast %get3A_4 : vector<64x1xf32> to vector<64x512xf32>
    %add3A_108 = arith.addf %dot_general3A_106, %add3A_107 : vector<64x512xf32>
    %swap3A_109 = arith.constant 0 : index
    %swap3A_110 = arith.constant 0 : index
    %swap3A_111 = arith.constant 2048 : index
    %swap3A_112 = vector.load %arg4[%swap3A_109, %swap3A_110, %swap3A_111] : memref<1x64x16384xf32, #tpu.memory_space<vmem>>, vector<1x64x512xf32>
    %swap3A_113 = vector.shape_cast %swap3A_112 : vector<1x64x512xf32> to vector<64x512xf32>
    %swap3A_114 = vector.shape_cast %add3A_108 : vector<64x512xf32> to vector<1x64x512xf32>
    tpu.vector_store %arg4[%swap3A_109, %swap3A_110, %swap3A_111], %swap3A_114 {strides = array<i32>} : memref<1x64x16384xf32, #tpu.memory_space<vmem>>, vector<1x64x512xf32>,
    %slice3A_115 = vector.extract_strided_slice %get3A_103 {offsets = [0, 64], sizes = [512, 64], strides = [1, 1]} : vector<512x128xf32> to vector<512x64xf32>
    %dot_general3A_116 = arith.constant dense<0.000000e+00> : vector<64x512xf32>
    %dot_general3A_117 = tpu.matmul %get3A_1, %slice3A_115, %dot_general3A_116 {dimension_numbers = #tpu.dot_dimension_numbers<[1], [1], [0], [0], [0, 0, 1, 0], [], []>, transpose_lhs_hint = false} : vector<64x64xf32>, vector<512x64xf32>, vector<64x512xf32> -> vector<64x512xf32>
    %add3A_118 = vector.broadcast %get3A_4 : vector<64x1xf32> to vector<64x512xf32>
    %add3A_119 = arith.addf %dot_general3A_117, %add3A_118 : vector<64x512xf32>
    %swap3A_120 = arith.constant 0 : index
    %swap3A_121 = arith.constant 0 : index
    %swap3A_122 = arith.constant 10240 : index
    %swap3A_123 = vector.load %arg4[%swap3A_120, %swap3A_121, %swap3A_122] : memref<1x64x16384xf32, #tpu.memory_space<vmem>>, vector<1x64x512xf32>
    %swap3A_124 = vector.shape_cast %swap3A_123 : vector<1x64x512xf32> to vector<64x512xf32>
    %swap3A_125 = vector.shape_cast %add3A_119 : vector<64x512xf32> to vector<1x64x512xf32>
    tpu.vector_store %arg4[%swap3A_120, %swap3A_121, %swap3A_122], %swap3A_125 {strides = array<i32>} : memref<1x64x16384xf32, #tpu.memory_space<vmem>>, vector<1x64x512xf32>,
    %get3A_126 = arith.constant 2560 : index
    %get3A_127 = arith.constant 0 : index
    %get3A_128 = vector.load %arg1[%get3A_126, %get3A_127] : memref<8192x128xf32, #tpu.memory_space<vmem>>, vector<512x128xf32>
    %slice3A_129 = vector.extract_strided_slice %get3A_128 {offsets = [0, 0], sizes = [512, 64], strides = [1, 1]} : vector<512x128xf32> to vector<512x64xf32>
    %dot_general3A_130 = arith.constant dense<0.000000e+00> : vector<64x512xf32>
    %dot_general3A_131 = tpu.matmul %get3A_1, %slice3A_129, %dot_general3A_130 {dimension_numbers = #tpu.dot_dimension_numbers<[1], [1], [0], [0], [0, 0, 1, 0], [], []>, transpose_lhs_hint = false} : vector<64x64xf32>, vector<512x64xf32>, vector<64x512xf32> -> vector<64x512xf32>
    %add3A_132 = vector.broadcast %get3A_4 : vector<64x1xf32> to vector<64x512xf32>
    %add3A_133 = arith.addf %dot_general3A_131, %add3A_132 : vector<64x512xf32>
    %swap3A_134 = arith.constant 0 : index
    %swap3A_135 = arith.constant 0 : index
    %swap3A_136 = arith.constant 2560 : index
    %swap3A_137 = vector.load %arg4[%swap3A_134, %swap3A_135, %swap3A_136] : memref<1x64x16384xf32, #tpu.memory_space<vmem>>, vector<1x64x512xf32>
    %swap3A_138 = vector.shape_cast %swap3A_137 : vector<1x64x512xf32> to vector<64x512xf32>
    %swap3A_139 = vector.shape_cast %add3A_133 : vector<64x512xf32> to vector<1x64x512xf32>
    tpu.vector_store %arg4[%swap3A_134, %swap3A_135, %swap3A_136], %swap3A_139 {strides = array<i32>} : memref<1x64x16384xf32, #tpu.memory_space<vmem>>, vector<1x64x512xf32>,
    %slice3A_140 = vector.extract_strided_slice %get3A_128 {offsets = [0, 64], sizes = [512, 64], strides = [1, 1]} : vector<512x128xf32> to vector<512x64xf32>
    %dot_general3A_141 = arith.constant dense<0.000000e+00> : vector<64x512xf32>
    %dot_general3A_142 = tpu.matmul %get3A_1, %slice3A_140, %dot_general3A_141 {dimension_numbers = #tpu.dot_dimension_numbers<[1], [1], [0], [0], [0, 0, 1, 0], [], []>, transpose_lhs_hint = false} : vector<64x64xf32>, vector<512x64xf32>, vector<64x512xf32> -> vector<64x512xf32>
    %add3A_143 = vector.broadcast %get3A_4 : vector<64x1xf32> to vector<64x512xf32>
    %add3A_144 = arith.addf %dot_general3A_142, %add3A_143 : vector<64x512xf32>
    %swap3A_145 = arith.constant 0 : index
    %swap3A_146 = arith.constant 0 : index
    %swap3A_147 = arith.constant 10752 : index
    %swap3A_148 = vector.load %arg4[%swap3A_145, %swap3A_146, %swap3A_147] : memref<1x64x16384xf32, #tpu.memory_space<vmem>>, vector<1x64x512xf32>
    %swap3A_149 = vector.shape_cast %swap3A_148 : vector<1x64x512xf32> to vector<64x512xf32>
    %swap3A_150 = vector.shape_cast %add3A_144 : vector<64x512xf32> to vector<1x64x512xf32>
    tpu.vector_store %arg4[%swap3A_145, %swap3A_146, %swap3A_147], %swap3A_150 {strides = array<i32>} : memref<1x64x16384xf32, #tpu.memory_space<vmem>>, vector<1x64x512xf32>,
    %get3A_151 = arith.constant 3072 : index
    %get3A_152 = arith.constant 0 : index
    %get3A_153 = vector.load %arg1[%get3A_151, %get3A_152] : memref<8192x128xf32, #tpu.memory_space<vmem>>, vector<512x128xf32>
    %slice3A_154 = vector.extract_strided_slice %get3A_153 {offsets = [0, 0], sizes = [512, 64], strides = [1, 1]} : vector<512x128xf32> to vector<512x64xf32>
    %dot_general3A_155 = arith.constant dense<0.000000e+00> : vector<64x512xf32>
    %dot_general3A_156 = tpu.matmul %get3A_1, %slice3A_154, %dot_general3A_155 {dimension_numbers = #tpu.dot_dimension_numbers<[1], [1], [0], [0], [0, 0, 1, 0], [], []>, transpose_lhs_hint = false} : vector<64x64xf32>, vector<512x64xf32>, vector<64x512xf32> -> vector<64x512xf32>
    %add3A_157 = vector.broadcast %get3A_4 : vector<64x1xf32> to vector<64x512xf32>
    %add3A_158 = arith.addf %dot_general3A_156, %add3A_157 : vector<64x512xf32>
    %swap3A_159 = arith.constant 0 : index
    %swap3A_160 = arith.constant 0 : index
    %swap3A_161 = arith.constant 3072 : index
    %swap3A_162 = vector.load %arg4[%swap3A_159, %swap3A_160, %swap3A_161] : memref<1x64x16384xf32, #tpu.memory_space<vmem>>, vector<1x64x512xf32>
    %swap3A_163 = vector.shape_cast %swap3A_162 : vector<1x64x512xf32> to vector<64x512xf32>
    %swap3A_164 = vector.shape_cast %add3A_158 : vector<64x512xf32> to vector<1x64x512xf32>
    tpu.vector_store %arg4[%swap3A_159, %swap3A_160, %swap3A_161], %swap3A_164 {strides = array<i32>} : memref<1x64x16384xf32, #tpu.memory_space<vmem>>, vector<1x64x512xf32>,
    %slice3A_165 = vector.extract_strided_slice %get3A_153 {offsets = [0, 64], sizes = [512, 64], strides = [1, 1]} : vector<512x128xf32> to vector<512x64xf32>
    %dot_general3A_166 = arith.constant dense<0.000000e+00> : vector<64x512xf32>
    %dot_general3A_167 = tpu.matmul %get3A_1, %slice3A_165, %dot_general3A_166 {dimension_numbers = #tpu.dot_dimension_numbers<[1], [1], [0], [0], [0, 0, 1, 0], [], []>, transpose_lhs_hint = false} : vector<64x64xf32>, vector<512x64xf32>, vector<64x512xf32> -> vector<64x512xf32>
    %add3A_168 = vector.broadcast %get3A_4 : vector<64x1xf32> to vector<64x512xf32>
    %add3A_169 = arith.addf %dot_general3A_167, %add3A_168 : vector<64x512xf32>
    %swap3A_170 = arith.constant 0 : index
    %swap3A_171 = arith.constant 0 : index
    %swap3A_172 = arith.constant 11264 : index
    %swap3A_173 = vector.load %arg4[%swap3A_170, %swap3A_171, %swap3A_172] : memref<1x64x16384xf32, #tpu.memory_space<vmem>>, vector<1x64x512xf32>
    %swap3A_174 = vector.shape_cast %swap3A_173 : vector<1x64x512xf32> to vector<64x512xf32>
    %swap3A_175 = vector.shape_cast %add3A_169 : vector<64x512xf32> to vector<1x64x512xf32>
    tpu.vector_store %arg4[%swap3A_170, %swap3A_171, %swap3A_172], %swap3A_175 {strides = array<i32>} : memref<1x64x16384xf32, #tpu.memory_space<vmem>>, vector<1x64x512xf32>,
    %get3A_176 = arith.constant 3584 : index
    %get3A_177 = arith.constant 0 : index
    %get3A_178 = vector.load %arg1[%get3A_176, %get3A_177] : memref<8192x128xf32, #tpu.memory_space<vmem>>, vector<512x128xf32>
    %slice3A_179 = vector.extract_strided_slice %get3A_178 {offsets = [0, 0], sizes = [512, 64], strides = [1, 1]} : vector<512x128xf32> to vector<512x64xf32>
    %dot_general3A_180 = arith.constant dense<0.000000e+00> : vector<64x512xf32>
    %dot_general3A_181 = tpu.matmul %get3A_1, %slice3A_179, %dot_general3A_180 {dimension_numbers = #tpu.dot_dimension_numbers<[1], [1], [0], [0], [0, 0, 1, 0], [], []>, transpose_lhs_hint = false} : vector<64x64xf32>, vector<512x64xf32>, vector<64x512xf32> -> vector<64x512xf32>
    %add3A_182 = vector.broadcast %get3A_4 : vector<64x1xf32> to vector<64x512xf32>
    %add3A_183 = arith.addf %dot_general3A_181, %add3A_182 : vector<64x512xf32>
    %swap3A_184 = arith.constant 0 : index
    %swap3A_185 = arith.constant 0 : index
    %swap3A_186 = arith.constant 3584 : index
    %swap3A_187 = vector.load %arg4[%swap3A_184, %swap3A_185, %swap3A_186] : memref<1x64x16384xf32, #tpu.memory_space<vmem>>, vector<1x64x512xf32>
    %swap3A_188 = vector.shape_cast %swap3A_187 : vector<1x64x512xf32> to vector<64x512xf32>
    %swap3A_189 = vector.shape_cast %add3A_183 : vector<64x512xf32> to vector<1x64x512xf32>
    tpu.vector_store %arg4[%swap3A_184, %swap3A_185, %swap3A_186], %swap3A_189 {strides = array<i32>} : memref<1x64x16384xf32, #tpu.memory_space<vmem>>, vector<1x64x512xf32>,
    %slice3A_190 = vector.extract_strided_slice %get3A_178 {offsets = [0, 64], sizes = [512, 64], strides = [1, 1]} : vector<512x128xf32> to vector<512x64xf32>
    %dot_general3A_191 = arith.constant dense<0.000000e+00> : vector<64x512xf32>
    %dot_general3A_192 = tpu.matmul %get3A_1, %slice3A_190, %dot_general3A_191 {dimension_numbers = #tpu.dot_dimension_numbers<[1], [1], [0], [0], [0, 0, 1, 0], [], []>, transpose_lhs_hint = false} : vector<64x64xf32>, vector<512x64xf32>, vector<64x512xf32> -> vector<64x512xf32>
    %add3A_193 = vector.broadcast %get3A_4 : vector<64x1xf32> to vector<64x512xf32>
    %add3A_194 = arith.addf %dot_general3A_192, %add3A_193 : vector<64x512xf32>
    %swap3A_195 = arith.constant 0 : index
    %swap3A_196 = arith.constant 0 : index
    %swap3A_197 = arith.constant 11776 : index
    %swap3A_198 = vector.load %arg4[%swap3A_195, %swap3A_196, %swap3A_197] : memref<1x64x16384xf32, #tpu.memory_space<vmem>>, vector<1x64x512xf32>
    %swap3A_199 = vector.shape_cast %swap3A_198 : vector<1x64x512xf32> to vector<64x512xf32>
    %swap3A_200 = vector.shape_cast %add3A_194 : vector<64x512xf32> to vector<1x64x512xf32>
    tpu.vector_store %arg4[%swap3A_195, %swap3A_196, %swap3A_197], %swap3A_200 {strides = array<i32>} : memref<1x64x16384xf32, #tpu.memory_space<vmem>>, vector<1x64x512xf32>,
    %get3A_201 = arith.constant 4096 : index
    %get3A_202 = arith.constant 0 : index
    %get3A_203 = vector.load %arg1[%get3A_201, %get3A_202] : memref<8192x128xf32, #tpu.memory_space<vmem>>, vector<512x128xf32>
    %slice3A_204 = vector.extract_strided_slice %get3A_203 {offsets = [0, 0], sizes = [512, 64], strides = [1, 1]} : vector<512x128xf32> to vector<512x64xf32>
    %dot_general3A_205 = arith.constant dense<0.000000e+00> : vector<64x512xf32>
    %dot_general3A_206 = tpu.matmul %get3A_1, %slice3A_204, %dot_general3A_205 {dimension_numbers = #tpu.dot_dimension_numbers<[1], [1], [0], [0], [0, 0, 1, 0], [], []>, transpose_lhs_hint = false} : vector<64x64xf32>, vector<512x64xf32>, vector<64x512xf32> -> vector<64x512xf32>
    %add3A_207 = vector.broadcast %get3A_4 : vector<64x1xf32> to vector<64x512xf32>
    %add3A_208 = arith.addf %dot_general3A_206, %add3A_207 : vector<64x512xf32>
    %swap3A_209 = arith.constant 0 : index
    %swap3A_210 = arith.constant 0 : index
    %swap3A_211 = arith.constant 4096 : index
    %swap3A_212 = vector.load %arg4[%swap3A_209, %swap3A_210, %swap3A_211] : memref<1x64x16384xf32, #tpu.memory_space<vmem>>, vector<1x64x512xf32>
    %swap3A_213 = vector.shape_cast %swap3A_212 : vector<1x64x512xf32> to vector<64x512xf32>
    %swap3A_214 = vector.shape_cast %add3A_208 : vector<64x512xf32> to vector<1x64x512xf32>
    tpu.vector_store %arg4[%swap3A_209, %swap3A_210, %swap3A_211], %swap3A_214 {strides = array<i32>} : memref<1x64x16384xf32, #tpu.memory_space<vmem>>, vector<1x64x512xf32>,
    %slice3A_215 = vector.extract_strided_slice %get3A_203 {offsets = [0, 64], sizes = [512, 64], strides = [1, 1]} : vector<512x128xf32> to vector<512x64xf32>
    %dot_general3A_216 = arith.constant dense<0.000000e+00> : vector<64x512xf32>
    %dot_general3A_217 = tpu.matmul %get3A_1, %slice3A_215, %dot_general3A_216 {dimension_numbers = #tpu.dot_dimension_numbers<[1], [1], [0], [0], [0, 0, 1, 0], [], []>, transpose_lhs_hint = false} : vector<64x64xf32>, vector<512x64xf32>, vector<64x512xf32> -> vector<64x512xf32>
    %add3A_218 = vector.broadcast %get3A_4 : vector<64x1xf32> to vector<64x512xf32>
    %add3A_219 = arith.addf %dot_general3A_217, %add3A_218 : vector<64x512xf32>
    %swap3A_220 = arith.constant 0 : index
    %swap3A_221 = arith.constant 0 : index
    %swap3A_222 = arith.constant 12288 : index
    %swap3A_223 = vector.load %arg4[%swap3A_220, %swap3A_221, %swap3A_222] : memref<1x64x16384xf32, #tpu.memory_space<vmem>>, vector<1x64x512xf32>
    %swap3A_224 = vector.shape_cast %swap3A_223 : vector<1x64x512xf32> to vector<64x512xf32>
    %swap3A_225 = vector.shape_cast %add3A_219 : vector<64x512xf32> to vector<1x64x512xf32>
    tpu.vector_store %arg4[%swap3A_220, %swap3A_221, %swap3A_222], %swap3A_225 {strides = array<i32>} : memref<1x64x16384xf32, #tpu.memory_space<vmem>>, vector<1x64x512xf32>,
    %get3A_226 = arith.constant 4608 : index
    %get3A_227 = arith.constant 0 : index
    %get3A_228 = vector.load %arg1[%get3A_226, %get3A_227] : memref<8192x128xf32, #tpu.memory_space<vmem>>, vector<512x128xf32>
    %slice3A_229 = vector.extract_strided_slice %get3A_228 {offsets = [0, 0], sizes = [512, 64], strides = [1, 1]} : vector<512x128xf32> to vector<512x64xf32>
    %dot_general3A_230 = arith.constant dense<0.000000e+00> : vector<64x512xf32>
    %dot_general3A_231 = tpu.matmul %get3A_1, %slice3A_229, %dot_general3A_230 {dimension_numbers = #tpu.dot_dimension_numbers<[1], [1], [0], [0], [0, 0, 1, 0], [], []>, transpose_lhs_hint = false} : vector<64x64xf32>, vector<512x64xf32>, vector<64x512xf32> -> vector<64x512xf32>
    %add3A_232 = vector.broadcast %get3A_4 : vector<64x1xf32> to vector<64x512xf32>
    %add3A_233 = arith.addf %dot_general3A_231, %add3A_232 : vector<64x512xf32>
    %swap3A_234 = arith.constant 0 : index
    %swap3A_235 = arith.constant 0 : index
    %swap3A_236 = arith.constant 4608 : index
    %swap3A_237 = vector.load %arg4[%swap3A_234, %swap3A_235, %swap3A_236] : memref<1x64x16384xf32, #tpu.memory_space<vmem>>, vector<1x64x512xf32>
    %swap3A_238 = vector.shape_cast %swap3A_237 : vector<1x64x512xf32> to vector<64x512xf32>
    %swap3A_239 = vector.shape_cast %add3A_233 : vector<64x512xf32> to vector<1x64x512xf32>
    tpu.vector_store %arg4[%swap3A_234, %swap3A_235, %swap3A_236], %swap3A_239 {strides = array<i32>} : memref<1x64x16384xf32, #tpu.memory_space<vmem>>, vector<1x64x512xf32>,
    %slice3A_240 = vector.extract_strided_slice %get3A_228 {offsets = [0, 64], sizes = [512, 64], strides = [1, 1]} : vector<512x128xf32> to vector<512x64xf32>
    %dot_general3A_241 = arith.constant dense<0.000000e+00> : vector<64x512xf32>
    %dot_general3A_242 = tpu.matmul %get3A_1, %slice3A_240, %dot_general3A_241 {dimension_numbers = #tpu.dot_dimension_numbers<[1], [1], [0], [0], [0, 0, 1, 0], [], []>, transpose_lhs_hint = false} : vector<64x64xf32>, vector<512x64xf32>, vector<64x512xf32> -> vector<64x512xf32>
    %add3A_243 = vector.broadcast %get3A_4 : vector<64x1xf32> to vector<64x512xf32>
    %add3A_244 = arith.addf %dot_general3A_242, %add3A_243 : vector<64x512xf32>
    %swap3A_245 = arith.constant 0 : index
    %swap3A_246 = arith.constant 0 : index
    %swap3A_247 = arith.constant 12800 : index
    %swap3A_248 = vector.load %arg4[%swap3A_245, %swap3A_246, %swap3A_247] : memref<1x64x16384xf32, #tpu.memory_space<vmem>>, vector<1x64x512xf32>
    %swap3A_249 = vector.shape_cast %swap3A_248 : vector<1x64x512xf32> to vector<64x512xf32>
    %swap3A_250 = vector.shape_cast %add3A_244 : vector<64x512xf32> to vector<1x64x512xf32>
    tpu.vector_store %arg4[%swap3A_245, %swap3A_246, %swap3A_247], %swap3A_250 {strides = array<i32>} : memref<1x64x16384xf32, #tpu.memory_space<vmem>>, vector<1x64x512xf32>,
    %get3A_251 = arith.constant 5120 : index
    %get3A_252 = arith.constant 0 : index
    %get3A_253 = vector.load %arg1[%get3A_251, %get3A_252] : memref<8192x128xf32, #tpu.memory_space<vmem>>, vector<512x128xf32>
    %slice3A_254 = vector.extract_strided_slice %get3A_253 {offsets = [0, 0], sizes = [512, 64], strides = [1, 1]} : vector<512x128xf32> to vector<512x64xf32>
    %dot_general3A_255 = arith.constant dense<0.000000e+00> : vector<64x512xf32>
    %dot_general3A_256 = tpu.matmul %get3A_1, %slice3A_254, %dot_general3A_255 {dimension_numbers = #tpu.dot_dimension_numbers<[1], [1], [0], [0], [0, 0, 1, 0], [], []>, transpose_lhs_hint = false} : vector<64x64xf32>, vector<512x64xf32>, vector<64x512xf32> -> vector<64x512xf32>
    %add3A_257 = vector.broadcast %get3A_4 : vector<64x1xf32> to vector<64x512xf32>
    %add3A_258 = arith.addf %dot_general3A_256, %add3A_257 : vector<64x512xf32>
    %swap3A_259 = arith.constant 0 : index
    %swap3A_260 = arith.constant 0 : index
    %swap3A_261 = arith.constant 5120 : index
    %swap3A_262 = vector.load %arg4[%swap3A_259, %swap3A_260, %swap3A_261] : memref<1x64x16384xf32, #tpu.memory_space<vmem>>, vector<1x64x512xf32>
    %swap3A_263 = vector.shape_cast %swap3A_262 : vector<1x64x512xf32> to vector<64x512xf32>
    %swap3A_264 = vector.shape_cast %add3A_258 : vector<64x512xf32> to vector<1x64x512xf32>
    tpu.vector_store %arg4[%swap3A_259, %swap3A_260, %swap3A_261], %swap3A_264 {strides = array<i32>} : memref<1x64x16384xf32, #tpu.memory_space<vmem>>, vector<1x64x512xf32>,
    %slice3A_265 = vector.extract_strided_slice %get3A_253 {offsets = [0, 64], sizes = [512, 64], strides = [1, 1]} : vector<512x128xf32> to vector<512x64xf32>
    %dot_general3A_266 = arith.constant dense<0.000000e+00> : vector<64x512xf32>
    %dot_general3A_267 = tpu.matmul %get3A_1, %slice3A_265, %dot_general3A_266 {dimension_numbers = #tpu.dot_dimension_numbers<[1], [1], [0], [0], [0, 0, 1, 0], [], []>, transpose_lhs_hint = false} : vector<64x64xf32>, vector<512x64xf32>, vector<64x512xf32> -> vector<64x512xf32>
    %add3A_268 = vector.broadcast %get3A_4 : vector<64x1xf32> to vector<64x512xf32>
    %add3A_269 = arith.addf %dot_general3A_267, %add3A_268 : vector<64x512xf32>
    %swap3A_270 = arith.constant 0 : index
    %swap3A_271 = arith.constant 0 : index
    %swap3A_272 = arith.constant 13312 : index
    %swap3A_273 = vector.load %arg4[%swap3A_270, %swap3A_271, %swap3A_272] : memref<1x64x16384xf32, #tpu.memory_space<vmem>>, vector<1x64x512xf32>
    %swap3A_274 = vector.shape_cast %swap3A_273 : vector<1x64x512xf32> to vector<64x512xf32>
    %swap3A_275 = vector.shape_cast %add3A_269 : vector<64x512xf32> to vector<1x64x512xf32>
    tpu.vector_store %arg4[%swap3A_270, %swap3A_271, %swap3A_272], %swap3A_275 {strides = array<i32>} : memref<1x64x16384xf32, #tpu.memory_space<vmem>>, vector<1x64x512xf32>,
    %get3A_276 = arith.constant 5632 : index
    %get3A_277 = arith.constant 0 : index
    %get3A_278 = vector.load %arg1[%get3A_276, %get3A_277] : memref<8192x128xf32, #tpu.memory_space<vmem>>, vector<512x128xf32>
    %slice3A_279 = vector.extract_strided_slice %get3A_278 {offsets = [0, 0], sizes = [512, 64], strides = [1, 1]} : vector<512x128xf32> to vector<512x64xf32>
    %dot_general3A_280 = arith.constant dense<0.000000e+00> : vector<64x512xf32>
    %dot_general3A_281 = tpu.matmul %get3A_1, %slice3A_279, %dot_general3A_280 {dimension_numbers = #tpu.dot_dimension_numbers<[1], [1], [0], [0], [0, 0, 1, 0], [], []>, transpose_lhs_hint = false} : vector<64x64xf32>, vector<512x64xf32>, vector<64x512xf32> -> vector<64x512xf32>
    %add3A_282 = vector.broadcast %get3A_4 : vector<64x1xf32> to vector<64x512xf32>
    %add3A_283 = arith.addf %dot_general3A_281, %add3A_282 : vector<64x512xf32>
    %swap3A_284 = arith.constant 0 : index
    %swap3A_285 = arith.constant 0 : index
    %swap3A_286 = arith.constant 5632 : index
    %swap3A_287 = vector.load %arg4[%swap3A_284, %swap3A_285, %swap3A_286] : memref<1x64x16384xf32, #tpu.memory_space<vmem>>, vector<1x64x512xf32>
    %swap3A_288 = vector.shape_cast %swap3A_287 : vector<1x64x512xf32> to vector<64x512xf32>
    %swap3A_289 = vector.shape_cast %add3A_283 : vector<64x512xf32> to vector<1x64x512xf32>
    tpu.vector_store %arg4[%swap3A_284, %swap3A_285, %swap3A_286], %swap3A_289 {strides = array<i32>} : memref<1x64x16384xf32, #tpu.memory_space<vmem>>, vector<1x64x512xf32>,
    %slice3A_290 = vector.extract_strided_slice %get3A_278 {offsets = [0, 64], sizes = [512, 64], strides = [1, 1]} : vector<512x128xf32> to vector<512x64xf32>
    %dot_general3A_291 = arith.constant dense<0.000000e+00> : vector<64x512xf32>
    %dot_general3A_292 = tpu.matmul %get3A_1, %slice3A_290, %dot_general3A_291 {dimension_numbers = #tpu.dot_dimension_numbers<[1], [1], [0], [0], [0, 0, 1, 0], [], []>, transpose_lhs_hint = false} : vector<64x64xf32>, vector<512x64xf32>, vector<64x512xf32> -> vector<64x512xf32>
    %add3A_293 = vector.broadcast %get3A_4 : vector<64x1xf32> to vector<64x512xf32>
    %add3A_294 = arith.addf %dot_general3A_292, %add3A_293 : vector<64x512xf32>
    %swap3A_295 = arith.constant 0 : index
    %swap3A_296 = arith.constant 0 : index
    %swap3A_297 = arith.constant 13824 : index
    %swap3A_298 = vector.load %arg4[%swap3A_295, %swap3A_296, %swap3A_297] : memref<1x64x16384xf32, #tpu.memory_space<vmem>>, vector<1x64x512xf32>
    %swap3A_299 = vector.shape_cast %swap3A_298 : vector<1x64x512xf32> to vector<64x512xf32>
    %swap3A_300 = vector.shape_cast %add3A_294 : vector<64x512xf32> to vector<1x64x512xf32>
    tpu.vector_store %arg4[%swap3A_295, %swap3A_296, %swap3A_297], %swap3A_300 {strides = array<i32>} : memref<1x64x16384xf32, #tpu.memory_space<vmem>>, vector<1x64x512xf32>,
    %get3A_301 = arith.constant 6144 : index
    %get3A_302 = arith.constant 0 : index
    %get3A_303 = vector.load %arg1[%get3A_301, %get3A_302] : memref<8192x128xf32, #tpu.memory_space<vmem>>, vector<512x128xf32>
    %slice3A_304 = vector.extract_strided_slice %get3A_303 {offsets = [0, 0], sizes = [512, 64], strides = [1, 1]} : vector<512x128xf32> to vector<512x64xf32>
    %dot_general3A_305 = arith.constant dense<0.000000e+00> : vector<64x512xf32>
    %dot_general3A_306 = tpu.matmul %get3A_1, %slice3A_304, %dot_general3A_305 {dimension_numbers = #tpu.dot_dimension_numbers<[1], [1], [0], [0], [0, 0, 1, 0], [], []>, transpose_lhs_hint = false} : vector<64x64xf32>, vector<512x64xf32>, vector<64x512xf32> -> vector<64x512xf32>
    %add3A_307 = vector.broadcast %get3A_4 : vector<64x1xf32> to vector<64x512xf32>
    %add3A_308 = arith.addf %dot_general3A_306, %add3A_307 : vector<64x512xf32>
    %swap3A_309 = arith.constant 0 : index
    %swap3A_310 = arith.constant 0 : index
    %swap3A_311 = arith.constant 6144 : index
    %swap3A_312 = vector.load %arg4[%swap3A_309, %swap3A_310, %swap3A_311] : memref<1x64x16384xf32, #tpu.memory_space<vmem>>, vector<1x64x512xf32>
    %swap3A_313 = vector.shape_cast %swap3A_312 : vector<1x64x512xf32> to vector<64x512xf32>
    %swap3A_314 = vector.shape_cast %add3A_308 : vector<64x512xf32> to vector<1x64x512xf32>
    tpu.vector_store %arg4[%swap3A_309, %swap3A_310, %swap3A_311], %swap3A_314 {strides = array<i32>} : memref<1x64x16384xf32, #tpu.memory_space<vmem>>, vector<1x64x512xf32>,
    %slice3A_315 = vector.extract_strided_slice %get3A_303 {offsets = [0, 64], sizes = [512, 64], strides = [1, 1]} : vector<512x128xf32> to vector<512x64xf32>
    %dot_general3A_316 = arith.constant dense<0.000000e+00> : vector<64x512xf32>
    %dot_general3A_317 = tpu.matmul %get3A_1, %slice3A_315, %dot_general3A_316 {dimension_numbers = #tpu.dot_dimension_numbers<[1], [1], [0], [0], [0, 0, 1, 0], [], []>, transpose_lhs_hint = false} : vector<64x64xf32>, vector<512x64xf32>, vector<64x512xf32> -> vector<64x512xf32>
    %add3A_318 = vector.broadcast %get3A_4 : vector<64x1xf32> to vector<64x512xf32>
    %add3A_319 = arith.addf %dot_general3A_317, %add3A_318 : vector<64x512xf32>
    %swap3A_320 = arith.constant 0 : index
    %swap3A_321 = arith.constant 0 : index
    %swap3A_322 = arith.constant 14336 : index
    %swap3A_323 = vector.load %arg4[%swap3A_320, %swap3A_321, %swap3A_322] : memref<1x64x16384xf32, #tpu.memory_space<vmem>>, vector<1x64x512xf32>
    %swap3A_324 = vector.shape_cast %swap3A_323 : vector<1x64x512xf32> to vector<64x512xf32>
    %swap3A_325 = vector.shape_cast %add3A_319 : vector<64x512xf32> to vector<1x64x512xf32>
    tpu.vector_store %arg4[%swap3A_320, %swap3A_321, %swap3A_322], %swap3A_325 {strides = array<i32>} : memref<1x64x16384xf32, #tpu.memory_space<vmem>>, vector<1x64x512xf32>,
    %get3A_326 = arith.constant 6656 : index
    %get3A_327 = arith.constant 0 : index
    %get3A_328 = vector.load %arg1[%get3A_326, %get3A_327] : memref<8192x128xf32, #tpu.memory_space<vmem>>, vector<512x128xf32>
    %slice3A_329 = vector.extract_strided_slice %get3A_328 {offsets = [0, 0], sizes = [512, 64], strides = [1, 1]} : vector<512x128xf32> to vector<512x64xf32>
    %dot_general3A_330 = arith.constant dense<0.000000e+00> : vector<64x512xf32>
    %dot_general3A_331 = tpu.matmul %get3A_1, %slice3A_329, %dot_general3A_330 {dimension_numbers = #tpu.dot_dimension_numbers<[1], [1], [0], [0], [0, 0, 1, 0], [], []>, transpose_lhs_hint = false} : vector<64x64xf32>, vector<512x64xf32>, vector<64x512xf32> -> vector<64x512xf32>
    %add3A_332 = vector.broadcast %get3A_4 : vector<64x1xf32> to vector<64x512xf32>
    %add3A_333 = arith.addf %dot_general3A_331, %add3A_332 : vector<64x512xf32>
    %swap3A_334 = arith.constant 0 : index
    %swap3A_335 = arith.constant 0 : index
    %swap3A_336 = arith.constant 6656 : index
    %swap3A_337 = vector.load %arg4[%swap3A_334, %swap3A_335, %swap3A_336] : memref<1x64x16384xf32, #tpu.memory_space<vmem>>, vector<1x64x512xf32>
    %swap3A_338 = vector.shape_cast %swap3A_337 : vector<1x64x512xf32> to vector<64x512xf32>
    %swap3A_339 = vector.shape_cast %add3A_333 : vector<64x512xf32> to vector<1x64x512xf32>
    tpu.vector_store %arg4[%swap3A_334, %swap3A_335, %swap3A_336], %swap3A_339 {strides = array<i32>} : memref<1x64x16384xf32, #tpu.memory_space<vmem>>, vector<1x64x512xf32>,
    %slice3A_340 = vector.extract_strided_slice %get3A_328 {offsets = [0, 64], sizes = [512, 64], strides = [1, 1]} : vector<512x128xf32> to vector<512x64xf32>
    %dot_general3A_341 = arith.constant dense<0.000000e+00> : vector<64x512xf32>
    %dot_general3A_342 = tpu.matmul %get3A_1, %slice3A_340, %dot_general3A_341 {dimension_numbers = #tpu.dot_dimension_numbers<[1], [1], [0], [0], [0, 0, 1, 0], [], []>, transpose_lhs_hint = false} : vector<64x64xf32>, vector<512x64xf32>, vector<64x512xf32> -> vector<64x512xf32>
    %add3A_343 = vector.broadcast %get3A_4 : vector<64x1xf32> to vector<64x512xf32>
    %add3A_344 = arith.addf %dot_general3A_342, %add3A_343 : vector<64x512xf32>
    %swap3A_345 = arith.constant 0 : index
    %swap3A_346 = arith.constant 0 : index
    %swap3A_347 = arith.constant 14848 : index
    %swap3A_348 = vector.load %arg4[%swap3A_345, %swap3A_346, %swap3A_347] : memref<1x64x16384xf32, #tpu.memory_space<vmem>>, vector<1x64x512xf32>
    %swap3A_349 = vector.shape_cast %swap3A_348 : vector<1x64x512xf32> to vector<64x512xf32>
    %swap3A_350 = vector.shape_cast %add3A_344 : vector<64x512xf32> to vector<1x64x512xf32>
    tpu.vector_store %arg4[%swap3A_345, %swap3A_346, %swap3A_347], %swap3A_350 {strides = array<i32>} : memref<1x64x16384xf32, #tpu.memory_space<vmem>>, vector<1x64x512xf32>,
    %get3A_351 = arith.constant 7168 : index
    %get3A_352 = arith.constant 0 : index
    %get3A_353 = vector.load %arg1[%get3A_351, %get3A_352] : memref<8192x128xf32, #tpu.memory_space<vmem>>, vector<512x128xf32>
    %slice3A_354 = vector.extract_strided_slice %get3A_353 {offsets = [0, 0], sizes = [512, 64], strides = [1, 1]} : vector<512x128xf32> to vector<512x64xf32>
    %dot_general3A_355 = arith.constant dense<0.000000e+00> : vector<64x512xf32>
    %dot_general3A_356 = tpu.matmul %get3A_1, %slice3A_354, %dot_general3A_355 {dimension_numbers = #tpu.dot_dimension_numbers<[1], [1], [0], [0], [0, 0, 1, 0], [], []>, transpose_lhs_hint = false} : vector<64x64xf32>, vector<512x64xf32>, vector<64x512xf32> -> vector<64x512xf32>
    %add3A_357 = vector.broadcast %get3A_4 : vector<64x1xf32> to vector<64x512xf32>
    %add3A_358 = arith.addf %dot_general3A_356, %add3A_357 : vector<64x512xf32>
    %swap3A_359 = arith.constant 0 : index
    %swap3A_360 = arith.constant 0 : index
    %swap3A_361 = arith.constant 7168 : index
    %swap3A_362 = vector.load %arg4[%swap3A_359, %swap3A_360, %swap3A_361] : memref<1x64x16384xf32, #tpu.memory_space<vmem>>, vector<1x64x512xf32>
    %swap3A_363 = vector.shape_cast %swap3A_362 : vector<1x64x512xf32> to vector<64x512xf32>
    %swap3A_364 = vector.shape_cast %add3A_358 : vector<64x512xf32> to vector<1x64x512xf32>
    tpu.vector_store %arg4[%swap3A_359, %swap3A_360, %swap3A_361], %swap3A_364 {strides = array<i32>} : memref<1x64x16384xf32, #tpu.memory_space<vmem>>, vector<1x64x512xf32>,
    %slice3A_365 = vector.extract_strided_slice %get3A_353 {offsets = [0, 64], sizes = [512, 64], strides = [1, 1]} : vector<512x128xf32> to vector<512x64xf32>
    %dot_general3A_366 = arith.constant dense<0.000000e+00> : vector<64x512xf32>
    %dot_general3A_367 = tpu.matmul %get3A_1, %slice3A_365, %dot_general3A_366 {dimension_numbers = #tpu.dot_dimension_numbers<[1], [1], [0], [0], [0, 0, 1, 0], [], []>, transpose_lhs_hint = false} : vector<64x64xf32>, vector<512x64xf32>, vector<64x512xf32> -> vector<64x512xf32>
    %add3A_368 = vector.broadcast %get3A_4 : vector<64x1xf32> to vector<64x512xf32>
    %add3A_369 = arith.addf %dot_general3A_367, %add3A_368 : vector<64x512xf32>
    %swap3A_370 = arith.constant 0 : index
    %swap3A_371 = arith.constant 0 : index
    %swap3A_372 = arith.constant 15360 : index
    %swap3A_373 = vector.load %arg4[%swap3A_370, %swap3A_371, %swap3A_372] : memref<1x64x16384xf32, #tpu.memory_space<vmem>>, vector<1x64x512xf32>
    %swap3A_374 = vector.shape_cast %swap3A_373 : vector<1x64x512xf32> to vector<64x512xf32>
    %swap3A_375 = vector.shape_cast %add3A_369 : vector<64x512xf32> to vector<1x64x512xf32>
    tpu.vector_store %arg4[%swap3A_370, %swap3A_371, %swap3A_372], %swap3A_375 {strides = array<i32>} : memref<1x64x16384xf32, #tpu.memory_space<vmem>>, vector<1x64x512xf32>,
    %get3A_376 = arith.constant 7680 : index
    %get3A_377 = arith.constant 0 : index
    %get3A_378 = vector.load %arg1[%get3A_376, %get3A_377] : memref<8192x128xf32, #tpu.memory_space<vmem>>, vector<512x128xf32>
    %slice3A_379 = vector.extract_strided_slice %get3A_378 {offsets = [0, 0], sizes = [512, 64], strides = [1, 1]} : vector<512x128xf32> to vector<512x64xf32>
    %dot_general3A_380 = arith.constant dense<0.000000e+00> : vector<64x512xf32>
    %dot_general3A_381 = tpu.matmul %get3A_1, %slice3A_379, %dot_general3A_380 {dimension_numbers = #tpu.dot_dimension_numbers<[1], [1], [0], [0], [0, 0, 1, 0], [], []>, transpose_lhs_hint = false} : vector<64x64xf32>, vector<512x64xf32>, vector<64x512xf32> -> vector<64x512xf32>
    %add3A_382 = vector.broadcast %get3A_4 : vector<64x1xf32> to vector<64x512xf32>
    %add3A_383 = arith.addf %dot_general3A_381, %add3A_382 : vector<64x512xf32>
    %swap3A_384 = arith.constant 0 : index
    %swap3A_385 = arith.constant 0 : index
    %swap3A_386 = arith.constant 7680 : index
    %swap3A_387 = vector.load %arg4[%swap3A_384, %swap3A_385, %swap3A_386] : memref<1x64x16384xf32, #tpu.memory_space<vmem>>, vector<1x64x512xf32>
    %swap3A_388 = vector.shape_cast %swap3A_387 : vector<1x64x512xf32> to vector<64x512xf32>
    %swap3A_389 = vector.shape_cast %add3A_383 : vector<64x512xf32> to vector<1x64x512xf32>
    tpu.vector_store %arg4[%swap3A_384, %swap3A_385, %swap3A_386], %swap3A_389 {strides = array<i32>} : memref<1x64x16384xf32, #tpu.memory_space<vmem>>, vector<1x64x512xf32>,
    %slice3A_390 = vector.extract_strided_slice %get3A_378 {offsets = [0, 64], sizes = [512, 64], strides = [1, 1]} : vector<512x128xf32> to vector<512x64xf32>
    %dot_general3A_391 = arith.constant dense<0.000000e+00> : vector<64x512xf32>
    %dot_general3A_392 = tpu.matmul %get3A_1, %slice3A_390, %dot_general3A_391 {dimension_numbers = #tpu.dot_dimension_numbers<[1], [1], [0], [0], [0, 0, 1, 0], [], []>, transpose_lhs_hint = false} : vector<64x64xf32>, vector<512x64xf32>, vector<64x512xf32> -> vector<64x512xf32>
    %add3A_393 = vector.broadcast %get3A_4 : vector<64x1xf32> to vector<64x512xf32>
    %add3A_394 = arith.addf %dot_general3A_392, %add3A_393 : vector<64x512xf32>
    %swap3A_395 = arith.constant 0 : index
    %swap3A_396 = arith.constant 0 : index
    %swap3A_397 = arith.constant 15872 : index
    %swap3A_398 = vector.load %arg4[%swap3A_395, %swap3A_396, %swap3A_397] : memref<1x64x16384xf32, #tpu.memory_space<vmem>>, vector<1x64x512xf32>
    %swap3A_399 = vector.shape_cast %swap3A_398 : vector<1x64x512xf32> to vector<64x512xf32>
    %swap3A_400 = vector.shape_cast %add3A_394 : vector<64x512xf32> to vector<1x64x512xf32>
    tpu.vector_store %arg4[%swap3A_395, %swap3A_396, %swap3A_397], %swap3A_400 {strides = array<i32>} : memref<1x64x16384xf32, #tpu.memory_space<vmem>>, vector<1x64x512xf32>,
    return
  }
  func.func @transform_0(%arg0: i32) -> (i32, i32) {
    %c0_i32 = arith.constant 0 : i32
    %c0_i32_0 = arith.constant 0 : i32
    return %arg0, %c0_i32 : i32, i32
  }
  func.func @transform_1(%arg0: i32) -> (i32, i32) {
    %c0_i32 = arith.constant 0 : i32
    %c0_i32_0 = arith.constant 0 : i32
    %c0_i32_1 = arith.constant 0 : i32
    return %c0_i32, %c0_i32_0 : i32, i32
  }
  func.func @transform_2(%arg0: i32) -> (i32, i32) {
    %c0_i32 = arith.constant 0 : i32
    %c0_i32_0 = arith.constant 0 : i32
    %c0_i32_1 = arith.constant 0 : i32
    return %c0_i32, %c0_i32_0 : i32, i32
  }
  func.func @transform_3(%arg0: i32) -> (i32, i32, i32) {
    %c0_i32 = arith.constant 0 : i32
    %c0_i32_0 = arith.constant 0 : i32
    %c0_i32_1 = arith.constant 0 : i32
    return %arg0, %c0_i32, %c0_i32_0 : i32, i32, i32
  }
}

module attributes {stable_mosaic.version = 14 : i64} {
  func.func @body(%arg0: memref<20x16384xi32, #tpu.memory_space<vmem>>, %arg1: memref<2560x128xi32, #tpu.memory_space<vmem>>) attributes {dimension_semantics = [], scalar_prefetch = 0 : i64, scratch_operands = 0 : i64, tpu.core_type = #tpu.core_type<tc>} {
    %get3A = arith.constant 0 : index
    %get3A_0 = arith.constant 0 : index
    %get3A_1 = vector.load %arg0[%get3A, %get3A_0] : memref<20x16384xi32, #tpu.memory_space<vmem>>, vector<20x16384xi32>
    %reshape3A = vector.shape_cast %get3A_1 : vector<20x16384xi32> to vector<2560x128xi32>
    %and3A = arith.constant -8192 : i32
    %and3A_2 = vector.broadcast %and3A : i32 to vector<2560x128xi32>
    %and3A_3 = arith.andi %reshape3A, %and3A_2 : vector<2560x128xi32>
    %and3A_4 = arith.constant 4095 : i32
    %and3A_5 = vector.broadcast %and3A_4 : i32 to vector<2560x128xi32>
    %and3A_6 = arith.andi %reshape3A, %and3A_5 : vector<2560x128xi32>
    %shift_left3A = arith.constant 1 : i32
    %shift_left3A_7 = vector.broadcast %shift_left3A : i32 to vector<2560x128xi32>
    %shift_left3A_8 = arith.shli %and3A_6, %shift_left3A_7 : vector<2560x128xi32>
    %or3A = arith.ori %and3A_3, %shift_left3A_8 : vector<2560x128xi32>
    %shift_right_arithmetic3A = arith.constant 12 : i32
    %shift_right_arithmetic3A_9 = vector.broadcast %shift_right_arithmetic3A : i32 to vector<2560x128xi32>
    %shift_right_arithmetic3A_10 = arith.shrsi %reshape3A, %shift_right_arithmetic3A_9 : vector<2560x128xi32>
    %and3A_11 = arith.constant 1 : i32
    %and3A_12 = vector.broadcast %and3A_11 : i32 to vector<2560x128xi32>
    %and3A_13 = arith.andi %shift_right_arithmetic3A_10, %and3A_12 : vector<2560x128xi32>
    %or3A_14 = arith.ori %or3A, %and3A_13 : vector<2560x128xi32>
    %swap3A = arith.constant 0 : index
    %swap3A_15 = arith.constant 0 : index
    %swap3A_16 = vector.load %arg1[%swap3A, %swap3A_15] : memref<2560x128xi32, #tpu.memory_space<vmem>>, vector<2560x128xi32>
    tpu.vector_store %arg1[%swap3A, %swap3A_15], %or3A_14 {strides = array<i32>} : memref<2560x128xi32, #tpu.memory_space<vmem>>, vector<2560x128xi32>,
    return
  }
}

</mosaic_0001>

<sc_bundles>
// kernel: kernel.6.cloned.1.call-start
scs
__scs_entry_jumppad:
0x0: {  	(pc) =	sbr.rel $0x88, $3  }
0x1: {  	(tag) =	ssettag $0x0;
	lr =	simm.s32 $0x1  }
0x2: {  	[smem:$0x3F9D] =	sst lr;
	_ =	strace $0xD0000000  }
0x3: {  	_ = 	snop  }
0x4: {  	_ = 	snop  }
0x5: {  	_ = 	snop  }
0x6: {  	_ = 	snop  }
0x7: {  	_ = 	snop  }
__scs_overlays_trampoline_lowered:
0x8: {  	[smem:$0x3FAC] =	sst s0  }
0x9: {  	[smem:$0x3FAD] =	sst s1  }
0xa: {  	[smem:$0x3FAE] =	sst s2  }
0xb: {  	[smem:$0x3FAF] =	sst s3  }
0xc: {  	[smem:$0x3FB0] =	sst s4  }
0xd: {  	[smem:$0x3FB1] =	sst s5  }
0xe: {  	[smem:$0x3FB2] =	sst s6  }
0xf: {  	[smem:$0x3FB3] =	sst s7  }
0x10: {  	[smem:$0x3FB4] =	sst s8  }
0x11: {  	[smem:$0x3FB5] =	sst s9;
	s0 =	simm.s32 @!p0 $0x0  }
0x12: {  	s1 =	sld [smem:$0x3F9B];
	s0 =	simm.s32 @p0 $0x1  }
0x13: {  	[smem:$0x3FB6] =	sst s0;
	s0 =	simm.s32 @!p1 $0x0  }
0x14: {  	s2 =	sld [smem:$0x3F9A];
	s0 =	simm.s32 @p1 $0x1  }
0x15: {  	[smem:$0x3FB7] =	sst s0;
	s0 =	simm.s32 @!p2 $0x0  }
0x16: {  	s3 =	sld [smem:$0x3FDB];
	s0 =	simm.s32 @p2 $0x1  }
0x17: {  	s4 =	simm.s32 $0x1BF5;
	[smem:$0x3FB9] =	sst s0  }
0x18: {  	s0 =	sld [smem:$0x3F9C];
	_ =	swait.ge [sflag:s4], $0x0  }
0x19: {  	s7 =	sld [smem:$0x3F9D]  }
0x1a: {  	s8 =	sadd.s32 $0xFFFFE003, lr  }
0x1b: {  	s9 =	sadd.s32 $0xFFFFFEF7, lr;
	s5 =	simm.s32 $0xFFFFFFFF;
	p2 =	slt.u32 s8, $0xFFFFF086  }
0x1c: {  	p1 =	slt.u32 s9, $0xF7A;
	s5 =	simm.s32 @!p2 $0x0  }
0x1d: {  	s5 =	simm.s32 @p1 $0x1;
	p0 =	seq.s32 s7, s2  }
0x1e: {  	s7 =	smul.u32 @!p0 $0xF7A, s2;
	p2 =	seq.s32 @!p0 s5, $0x0  }
0x1f: {  	s9 =	smul.u32 $0xF7A, s1;
	s8 =	simm.s32 @!p0 $0x1BF5;
	p2 =	por !p2, p0  }
0x20: {  	[sflag:s8] =	ssyncset.s32 @!p0 $0xFFFFF086;
	s6 =	sadd.s32 @!p0 s3, s7;
	s7 =	simm.s32 @!p0 $0x108  }
0x21: {  	s3 =	sadd.s32 s3, s9;
	s6 =	sadd.s32 @!p0 $0x88, s6;
	s7 =	simm.s32 @p2 $0x1082  }
0x22: {  	[simem:s7], [sflag:s8] =	dma.local @!p0 [hbm:s6], $0xF7A  }
0x23: {  	s9 =	sor.u32 $0xD0000000, s2;
	s6 =	simm.s32 $0x108;
	_ =	swait.ge @!p0 [sflag:s8], $0x0  }
0x24: {  	s3 =	sadd.s32 $0x88, s3;
	s6 =	simm.s32 @!p1 $0x1082;
	[sflag:s4] =	ssyncset.s32 $0xFFFFF086  }
0x25: {  	[simem:s6], [sflag:s4] =	dma.local [hbm:s3], $0xF7A  }
0x26: {  	[smem:$0x3F9D] =	sst s1;
	(tag) =	ssettag s2;
	_ =	strace s9  }
0x27: {  	s1 =	sld [smem:$0x3FAD]  }
0x28: {  	s2 =	sld [smem:$0x3FAE]  }
0x29: {  	s4 =	sld [smem:$0x3FB0]  }
0x2a: {  	p0 =	seq.s32 s5, $0x0;
	s5 =	sld [smem:$0x3FB1]  }
0x2b: {  	s6 =	sld [smem:$0x3FB2]  }
0x2c: {  	s7 =	sld [smem:$0x3FB3]  }
0x2d: {  	s3 =	simm.s32 $0x108;
	s8 =	sld [smem:$0x3FB4]  }
0x2e: {  	s3 =	simm.s32 @!p0 $0x1082;
	s9 =	sld [smem:$0x3FB5]  }
0x2f: {  	lr =	sadd.s32 s0, s3;
	s0 =	sld [smem:$0x3FAC]  }
0x30: {  	s3 =	sld [smem:$0x3FAF]  }
0x31: {  	[smem:$0x3FB8] =	sst s10  }
0x32: {  	s10 =	sld [smem:$0x3FB6];
	_ =	sdelay $0x3  }
0x33: {  	p0 =	seq.s32 s10, $0x1;
	s10 =	sld [smem:$0x3FB8];
	_ =	sdelay $0x3  }
0x34: {  	[smem:$0x3FB8] =	sst s10  }
0x35: {  	s10 =	sld [smem:$0x3FB7];
	_ =	sdelay $0x3  }
0x36: {  	p1 =	seq.s32 s10, $0x1;
	s10 =	sld [smem:$0x3FB8];
	_ =	sdelay $0x3  }
0x37: {  	[smem:$0x3FB8] =	sst s10  }
0x38: {  	s10 =	sld [smem:$0x3FB9]  }
0x39: {  	_ = 	snop;
	(pc) =	sbr.ind lr, $3  }
0x3a: {  	_ = 	snop  }
0x3b: {  	_ = 	snop  }
0x3c: {  	p2 =	seq.s32 s10, $0x1;
	s10 =	sld [smem:$0x3FB8]  }
0x3d: {  	_ =	shalt  }
0x3e: {  	_ =	shalt  }
0x3f: {  	_ =	shalt  }
0x40: {  	_ =	shalt  }
0x41: {  	_ =	shalt  }
0x42: {  	_ =	shalt  }
0x43: {  	_ =	shalt  }
0x44: {  	_ =	shalt  }
0x45: {  	_ =	shalt  }
0x46: {  	_ =	shalt  }
0x47: {  	_ =	shalt  }
0x48: {  	_ =	shalt  }
0x49: {  	_ =	shalt  }
0x4a: {  	_ =	shalt  }
0x4b: {  	_ =	shalt  }
0x4c: {  	_ =	shalt  }
0x4d: {  	_ =	shalt  }
0x4e: {  	_ =	shalt  }
0x4f: {  	_ =	shalt  }
0x50: {  	_ =	shalt  }
0x51: {  	_ =	shalt  }
0x52: {  	_ =	shalt  }
0x53: {  	_ =	shalt  }
0x54: {  	_ =	shalt  }
0x55: {  	_ =	shalt  }
0x56: {  	_ =	shalt  }
0x57: {  	_ =	shalt  }
0x58: {  	_ =	shalt  }
0x59: {  	_ =	shalt  }
0x5a: {  	_ =	shalt  }
0x5b: {  	_ =	shalt  }
0x5c: {  	_ =	shalt  }
0x5d: {  	_ =	shalt  }
0x5e: {  	_ =	shalt  }
0x5f: {  	_ =	shalt  }
0x60: {  	_ =	shalt  }
0x61: {  	_ =	shalt  }
0x62: {  	_ =	shalt  }
0x63: {  	_ =	shalt  }
0x64: {  	_ =	shalt  }
0x65: {  	_ =	shalt  }
0x66: {  	_ =	shalt  }
0x67: {  	_ =	shalt  }
0x68: {  	_ =	shalt  }
0x69: {  	_ =	shalt  }
0x6a: {  	_ =	shalt  }
0x6b: {  	_ =	shalt  }
0x6c: {  	_ =	shalt  }
0x6d: {  	_ =	shalt  }
0x6e: {  	_ =	shalt  }
0x6f: {  	_ =	shalt  }
0x70: {  	_ =	shalt  }
0x71: {  	_ =	shalt  }
0x72: {  	_ =	shalt  }
0x73: {  	_ =	shalt  }
0x74: {  	_ =	shalt  }
0x75: {  	_ =	shalt  }
0x76: {  	_ =	shalt  }
0x77: {  	_ =	shalt  }
0x78: {  	_ =	shalt  }
0x79: {  	_ =	shalt  }
0x7a: {  	_ =	shalt  }
0x7b: {  	_ =	shalt  }
0x7c: {  	_ =	shalt  }
0x7d: {  	_ =	shalt  }
0x7e: {  	_ =	shalt  }
0x7f: {  	_ =	shalt  }
0x80: {  	_ =	shalt  }
0x81: {  	_ =	shalt  }
0x82: {  	_ =	shalt  }
0x83: {  	_ =	shalt  }
0x84: {  	_ =	shalt  }
0x85: {  	_ =	shalt  }
0x86: {  	_ =	shalt  }
0x87: {  	_ =	shalt  }
.Lfunc_end0:
.L_simem_size_0:
called_computation_lowered:
.L_overlay_start_0:
0x88: {  	s2 =	sld [smem:$0x3FD9]  }
0x89: {  	s3 =	sld [smem:$0x3FFE];
	_ =	sdelay $0x1  }
0x8a: {  	s1 =	srdreg.scid  }
0x8b: {  	s0 =	sand.u32 $0x1, s1  }
0x8c: {  	s17 =	sshll.u32 s0, $0xA;
	s2 =	sadd.s32 s3, s2  }
0x8d: {  	s2 =	sadd.s32 s2, s17  }
0x8e: {  	[smem:$0x3FC4] =	sst s2  }
0x8f: {  	_ = 	snop  }
0x90: {  	s2 =	sld [smem:$0x3FD0];
	(tm) =	ssettm $0x1  }
0x91: {  	s18 =	sld [smem:$0x3FFB];
	_ =	sdelay $0x3  }
0x92: {  	_ =	strace s18  }
0x93: {  	s3 =	sld [smem:$0x3FFC];
	_ =	sdelay $0x3  }
0x94: {  	_ =	strace s3  }
0x95: {  	s3 =	sld [smem:$0x3FFD];
	_ =	sdelay $0x3  }
0x96: {  	_ =	strace s3  }
0x97: {  	_ =	strace $0x8FFFFFFF  }
0x98: {  	s19 =	sld [smem:$0x3FDB];
	_ =	sdelay $0x1  }
0x99: {  	s4 =	simm.s32 $_scs_section_size  }
0x9a: {  	s5 =	simm.s32 $_size__tile_overlayer_lowered;
	s6 =	simm.s32 $_tile_overlayer_lowered  }
0x9b: {  	s22 =	simm.s32 $0x1BFF;
	s21 =	sshll.u32 s6, $0x1;
	s3 =	sadd.s32 s4, s19  }
0x9c: {  	s7 =	simm.s32 $0x0;
	s20 =	sshll.u32 s5, $0x1;
	s5 =	sadd.s32 s21, s3  }
0x9d: {  	[timem:s7], [sflag:s22] =	dma.local [hbm:s5], s20  }
0x9e: {  	_ =	swait.ge [sflag:s22], s20  }
0x9f: {  	s4 =	ssub.s32 $0x0, s20;
	[sflag:s22] =	ssyncset.done $0x0  }
0xa0: {  	[sflag:s22] =	ssyncadd.s32 s4;
	_ =	sdelay $0x1  }
0xa1: {  	s23 =	simm.s32 $0x1B8B  }
0xa2: {  	_ =	swait.ge [sflag:s23], $0x1  }
0xa3: {  	[sflag:s23] =	ssyncset.done $0x0  }
0xa4: {  	s25 =	simm.s32 $0x1B8E;
	s24 =	sld [smem:$0x3FFE];
	[sflag:s23] =	ssyncadd.s32 $0xFFFFFFFF  }
0xa5: {  	s26 =	simm.s32 $execute0_lowered;
	[smem:$0x3FD2] =	sst s25  }
0xa6: {  	s5 =	sshll.u32 s26, $0x1;
	_ =	strace $0x80000046;
	[dreg:$0x1] =	wrdreg $0xFFFFFFFF  }
0xa7: {  	s28 =	simm.s32 $_size_execute0_lowered;
	s3 =	sadd.s32 s3, s5;
	[dreg:$0x0] =	wrdreg $0x0  }
0xa8: {  	s5 =	sshll.u32 s28, $0x1;
	[dreg:$0x2] =	wrdreg s3  }
0xa9: {  	[dreg:$0x3] =	wrdreg s5  }
0xaa: {  	[dreg:$0x4] =	wrdreg $0xC0  }
0xab: {  	_ =	task [dreg:s7], $0x5FFFF  }
0xac: {  	[dreg:$0x1] =	wrdreg $0xFFFFFFFF  }
0xad: {  	[dreg:$0x0] =	wrdreg $0x60  }
0xae: {  	[dreg:$0x2] =	wrdreg s2  }
0xaf: {  	[dreg:$0x3] =	wrdreg s24  }
0xb0: {  	[dreg:$0x4] =	wrdreg $0x9  }
0xb1: {  	_ =	task.clear_ibuf [dreg:s7], $0x5FFFF;
	_ =	strace $0x90000046  }
0xb2: {  	s29 =	simm.s32 $0x9;
	_ =	strace $0x80000048  }
0xb3: {  	_ =	swait.ge [sflag:s29], $0x1  }
0xb4: {  	[sflag:s29] =	ssyncadd.s32 $0xFFFFFFFF  }
0xb5: {  	_ =	strace $0x90000048  }
0xb6: {  	_ =	sfence  }
0xb7: {  	s30 =	sld [smem:$0x0];
	_ =	sdelay $0x2  }
0xb8: {  	s31 =	sshll.u32 s1, $0xD;
	s1 =	sshrl.u32 s1, $0x2  }
0xb9: {  	s3 =	sand.u32 $0x4000, s31;
	s1 =	sadd.s32 s1, s30  }
0xba: {  	s0 =	sor.u32 s3, s0;
	s1 =	sshll.u32 s1, $0x11  }
0xbb: {  	s0 =	sor.u32 s1, s0  }
0xbc: {  	s0 =	sadd.s32 $0x8F2B, s0  }
0xbd: {  	[sflag:s0] =	ssyncadd.remote.s32 $0x1  }
0xbe: {  	_ =	sfence.sel $0xFFFF  }
0xbf: {  	[dreg:$0x0] =	wrdreg $0xFFFFFFFF;
	(pc) =	sbr.abs _section_cstart, $3  }
0xc0: {  	[dreg:$0x1] =	wrdreg $0xFFFFFFFF  }
0xc1: {  	_ =	task.clear_ibuf [dreg:s7], $0x2FFFF;
	_ =	strace $0x9FFFFFFF  }
0xc2: {  	(tm) =	ssettm $0x7FFFFFFF  }
0xc3: {  	_ =	shalt  }
tec
execute0_lowered:
.L_overlay_start_1:
0x0: {  	(tag) =	ssettag $0x1  }
0x1: {  	s1 =	srdreg.scid  }
0x2: {  	s0 =	stileid.u32;
	s7 =	rddreg [dreg:$0x0]  }
0x3: {  	s4 =	rddreg [dreg:$0x1];
	s2 =	sand.u32 $0x1, s1;
	s11 =	sshll.u32 s0, $0x1  }
0x4: {  	[dreg:$0x18] =	wrdreg s2;
	s3 =	sor.u32 s2, s11;
	s2 =	simm.s32 $0x0  }
0x5: {  	s29 =	sadd.s32 $0x7B0C00, s4;
	s31 =	smul.u32 $0x2800, s3;
	[smem:$0x7FF] =	sst s2  }
0x6: {  	s1 =	smov.u32 s7;
	s3 =	smul.u32 $0xA0000, s3;
	_ =	strace $0x80000047  }
0x7: {  	s5 =	sshrl.u32 s31, $0x3;
	s6 =	sand.u32 $0x3800, s31;
	s12 =	sor.u32 $0x200, s31  }
0x8: {  	s8 =	sand.u32 $0x7C000, s31;
	s3 =	sand.u32 $0x1F00000, s3;
	s17 =	sor.u32 $0x400, s31  }
0x9: {  	s22 =	sor.u32 $0x600, s31;
	s5 =	sadd.s32 s7, s5;
	s13 =	ssub.s32 s12, s8  }
0xa: {  	s7 =	sshrl.u32 s12, $0x3;
	s9 =	sshll.u32 s6, $0x7;
	s6 =	sshrl.u32 s6, $0xD  }
0xb: {  	s19 =	sshrl.u32 s17, $0x3;
	s21 =	ssub.s32 s17, s8;
	s23 =	sshrl.u32 s22, $0x3  }
0xc: {  	[dreg:$0x3] =	wrdreg s5;
	s9 =	sadd.s32 s3, s9;
	s10 =	sshll.u32 s6, $0x14  }
0xd: {  	s11 =	sshra.s32 s13, $0x1F;
	s6 =	sshll.u32 s6, $0x6;
	s7 =	sadd.s32 s1, s7  }
0xe: {  	s5 =	sshll.u32 s13, $0x7;
	s20 =	sadd.s32 s1, s19;
	s9 =	ssub.s32 s9, s10  }
0xf: {  	s14 =	sshrl.u32 s11, $0x13;
	[dreg:$0x4] =	wrdreg s7;
	s5 =	sadd.s32 s3, s5  }
0x10: {  	[dreg:$0x6] =	wrdreg s20;
	s6 =	sor.u32 s6, s9;
	s15 =	sadd.s32 s14, s13  }
0x11: {  	s9 =	sshra.s32 s21, $0x1F;
	s6 =	sshrl.u32 s6, $0x3;
	s16 =	sshra.s32 s15, $0xD  }
0x12: {  	s24 =	sshrl.u32 s9, $0x13;
	s15 =	sadd.s32 $0x800, s31;
	s6 =	sadd.s32 s29, s6  }
0x13: {  	s7 =	sadd.s32 s11, s16;
	s25 =	sadd.s32 s24, s21;
	s17 =	sshrl.u32 s15, $0x3  }
0x14: {  	s19 =	sand.u32 $0x3800, s15;
	s20 =	sshll.u32 s15, $0x6;
	s18 =	sshll.u32 s7, $0x14  }
0x15: {  	s7 =	sshll.u32 s7, $0x6;
	[dreg:$0x5] =	wrdreg s6;
	s6 =	ssub.s32 s22, s8  }
0x16: {  	s26 =	sshra.s32 s25, $0xD;
	s22 =	sadd.s32 $0xA00, s31;
	s5 =	ssub.s32 s5, s18  }
0x17: {  	s0 =	sshra.s32 s6, $0x1F;
	s18 =	sadd.s32 s1, s17;
	s24 =	sshrl.u32 s22, $0x3  }
0x18: {  	s25 =	sand.u32 $0x3A00, s22;
	s5 =	sadd.s32 s7, s5;
	s7 =	sshll.u32 s21, $0x7  }
0x19: {  	[dreg:$0xa] =	wrdreg s18;
	s8 =	sadd.s32 s1, s24;
	s5 =	sshrl.u32 s5, $0x3  }
0x1a: {  	s11 =	sshrl.u32 s0, $0x13;
	[dreg:$0xc] =	wrdreg s8;
	s5 =	sadd.s32 s29, s5  }
0x1b: {  	s21 =	sshll.u32 s19, $0x7;
	[dreg:$0x7] =	wrdreg s5;
	s5 =	sadd.s32 s1, s23  }
0x1c: {  	s7 =	sadd.s32 s3, s7;
	[dreg:$0x8] =	wrdreg s5;
	s5 =	sadd.s32 s9, s26  }
0x1d: {  	s9 =	sadd.s32 s11, s6;
	s6 =	sshll.u32 s6, $0x7;
	s26 =	sshll.u32 s22, $0x6  }
0x1e: {  	s12 =	sshll.u32 s5, $0x14;
	s5 =	sshll.u32 s5, $0x6;
	s9 =	sshra.s32 s9, $0xD  }
0x1f: {  	s3 =	sadd.s32 s3, s6;
	s6 =	sshrl.u32 s25, $0xD;
	s7 =	ssub.s32 s7, s12  }
0x20: {  	s13 =	sadd.s32 s0, s9;
	s0 =	sshll.u32 s25, $0x7;
	s8 =	sshll.u32 s6, $0x14  }
0x21: {  	s9 =	sadd.s32 $0xC00, s31;
	s6 =	sshll.u32 s6, $0x6;
	s5 =	sadd.s32 s5, s7  }
0x22: {  	s14 =	sshll.u32 s13, $0x14;
	s16 =	sshll.u32 s13, $0x6;
	s10 =	sshrl.u32 s9, $0x3  }
0x23: {  	s11 =	sand.u32 $0x3C00, s9;
	s13 =	sadd.s32 $0xE00, s31;
	s15 =	sshll.u32 s9, $0x6  }
0x24: {  	s5 =	sshrl.u32 s5, $0x3;
	s3 =	ssub.s32 s3, s14;
	s14 =	sand.u32 $0x3E00, s13  }
0x25: {  	s7 =	sand.u32 $0x3F00000, s15;
	s17 =	sshrl.u32 s13, $0x3;
	s15 =	rddreg [dreg:$0x3]  }
0x26: {  	s5 =	sadd.s32 s29, s5;
	s3 =	sadd.s32 s16, s3;
	s16 =	sshll.u32 s11, $0x7  }
0x27: {  	[tilespmem:s2], [sflag:$0x3] =	stream.linear.gather [hbm4b:s15+s2], $0x200, $0x38;
	[tilespmem:$0x10400] =	vst v63  }
0x28: {  	s9 =	sadd.s32 s1, s17;
	[dreg:$0x9] =	wrdreg s5;
	s3 =	sshrl.u32 s3, $0x3  }
0x29: {  	s5 =	sshrl.u32 s19, $0xD;
	[dreg:$0x10] =	wrdreg s9;
	s3 =	sadd.s32 s29, s3  }
0x2a: {  	s7 =	sadd.s32 s16, s7;
	[dreg:$0xb] =	wrdreg s3;
	s3 =	sand.u32 $0x3F00000, s20  }
0x2b: {  	s19 =	sshll.u32 s14, $0x7;
	s23 =	sshll.u32 s5, $0x14;
	s3 =	sadd.s32 s21, s3  }
0x2c: {  	s5 =	sshll.u32 s5, $0x6;
	s21 =	sadd.s32 $0x1000, s31;
	s3 =	ssub.s32 s3, s23  }
0x2d: {  	s22 =	sshrl.u32 s21, $0x3;
	s24 =	sand.u32 $0x3800, s21;
	s25 =	sshll.u32 s21, $0x6  }
0x2e: {  	s3 =	sor.u32 s5, s3;
	s5 =	sand.u32 $0x3F00000, s26;
	s23 =	sadd.s32 s1, s22  }
0x2f: {  	s26 =	sshll.u32 s24, $0x7;
	s3 =	sshrl.u32 s3, $0x3;
	s5 =	sadd.s32 s0, s5  }
0x30: {  	[dreg:$0x12] =	wrdreg s23;
	s0 =	sadd.s32 $0x1200, s31;
	s3 =	sadd.s32 s29, s3  }
0x31: {  	s5 =	ssub.s32 s5, s8;
	s9 =	sshrl.u32 s0, $0x3;
	[dreg:$0xd] =	wrdreg s3  }
0x32: {  	s5 =	sor.u32 s6, s5;
	s3 =	sadd.s32 s1, s10;
	s6 =	sshrl.u32 s11, $0xD  }
0x33: {  	s10 =	sand.u32 $0x3A00, s0;
	s5 =	sshrl.u32 s5, $0x3;
	[dreg:$0xe] =	wrdreg s3  }
0x34: {  	s18 =	sshll.u32 s6, $0x14;
	s12 =	sadd.s32 s29, s5;
	s5 =	sshll.u32 s13, $0x6  }
0x35: {  	s6 =	sshll.u32 s6, $0x6;
	s3 =	sshrl.u32 s14, $0xD;
	s5 =	sand.u32 $0x3F00000, s5  }
0x36: {  	s7 =	ssub.s32 s7, s18;
	s20 =	sshll.u32 s3, $0x14;
	s5 =	sadd.s32 s19, s5  }
0x37: {  	s3 =	sshll.u32 s3, $0x6;
	s6 =	sor.u32 s6, s7;
	s5 =	ssub.s32 s5, s20  }
0x38: {  	s11 =	sshll.u32 s0, $0x6;
	s6 =	sshrl.u32 s6, $0x3;
	s3 =	sor.u32 s3, s5  }
0x39: {  	[dreg:$0xf] =	wrdreg s12;
	s6 =	sadd.s32 s29, s6;
	s3 =	sshrl.u32 s3, $0x3  }
0x3a: {  	s12 =	sshll.u32 s10, $0x7;
	[dreg:$0x11] =	wrdreg s6;
	s3 =	sadd.s32 s29, s3  }
0x3b: {  	s5 =	sshrl.u32 s24, $0xD;
	[dreg:$0x13] =	wrdreg s3;
	s3 =	sand.u32 $0x3F00000, s25  }
0x3c: {  	s6 =	sshrl.u32 s10, $0xD;
	s8 =	sshll.u32 s5, $0x14;
	s3 =	sadd.s32 s26, s3  }
0x3d: {  	s5 =	sshll.u32 s5, $0x6;
	s13 =	sshll.u32 s6, $0x14;
	s3 =	ssub.s32 s3, s8  }
0x3e: {  	s8 =	sadd.s32 s1, s9;
	s3 =	sor.u32 s5, s3;
	s5 =	sand.u32 $0x3F00000, s11  }
0x3f: {  	s6 =	sshll.u32 s6, $0x6;
	[dreg:$0x14] =	wrdreg s8;
	s5 =	sadd.s32 s12, s5  }
0x40: {  	s3 =	sshrl.u32 s3, $0x3;
	s12 =	sadd.s32 $0x1400, s31;
	s5 =	ssub.s32 s5, s13  }
0x41: {  	s3 =	sadd.s32 s29, s3;
	s14 =	sshrl.u32 s12, $0x3;
	s5 =	sor.u32 s6, s5  }
0x42: {  	[dreg:$0x15] =	wrdreg s3;
	s3 =	sadd.s32 s1, s14;
	s5 =	sshrl.u32 s5, $0x3  }
0x43: {  	[dreg:$0x16] =	wrdreg s3;
	s16 =	sadd.s32 s29, s5  }
0x44: {  	s3 =	simm.s32 $0x3;
	[dreg:$0x17] =	wrdreg s16  }
0x45: {  	_ =	swait.ge [sflag:s3], $0x200  }
0x46: {  	s4 =	sadd.s32 $0xC00, s4;
	[sflag:s3] =	ssyncset.done $0x0  }
0x47: {  	s6 =	simm.s32 $0x400;
	s5 =	simm.s32 $0x200;
	[sflag:s3] =	ssyncadd.s32 $0xFFFFFE00  }
0x48: {  	[tilespmem:s6], [sflag:$0x1] =	stream.indirect.gather [hbm4b:s4+s5], $0x40, s2, s5, $0xb8;
	[tilespmem:$0x10400] =	vst v63  }
0x49: {  	s17 =	rddreg [dreg:$0x4]  }
0x4a: {  	[tilespmem:s5], [sflag:$0x3] =	stream.linear.gather [hbm4b:s17+s2], $0x200, $0x38;
	[tilespmem:$0x10400] =	vst v63  }
0x4b: {  	_ =	swait.ge [sflag:s3], $0x200  }
0x4c: {  	[sflag:s3] =	ssyncset.done $0x0  }
0x4d: {  	s7 =	simm.s32 $0x1;
	s8 =	simm.s32 $0x8400;
	[sflag:s3] =	ssyncadd.s32 $0xFFFFFE00  }
0x4e: {  	[tilespmem:s8], [sflag:$0x2] =	stream.indirect.gather [hbm4b:s4+s5], $0x40, s5, s5, $0xb8;
	[tilespmem:$0x10400] =	vst v63  }
0x4f: {  	_ =	swait.ge [sflag:s7], $0x8000  }
0x50: {  	s10 =	simm.s32 $0x80;
	[sflag:s7] =	ssyncset.done $0x0  }
0x51: {  	s9 =	simm.s32 $0x40;
	s18 =	rddreg [dreg:$0x5];
	[sflag:s7] =	ssyncadd.s32 $0xFFFF8000  }
0x52: {  	[hbm4b:s18+s9] =	stream.strided.scatter [tilespmem:s6], [sflag:$0x3], $0x8000, s10, s9, $0x38;
	[tilespmem:$0x10400] =	vst v63  }
0x53: {  	_ =	swait.ge [sflag:s3], $0x8000  }
0x54: {  	[sflag:s3] =	ssyncset.done $0x0  }
0x55: {  	s19 =	rddreg [dreg:$0x6];
	[sflag:s3] =	ssyncadd.s32 $0xFFFF8000  }
0x56: {  	[tilespmem:s2], [sflag:$0x3] =	stream.linear.gather [hbm4b:s19+s2], $0x200, $0x38;
	[tilespmem:$0x10400] =	vst v63  }
0x57: {  	_ =	swait.ge [sflag:s3], $0x200  }
0x58: {  	[sflag:s3] =	ssyncset.done $0x0  }
0x59: {  	s11 =	simm.s32 $0x2;
	[sflag:s3] =	ssyncadd.s32 $0xFFFFFE00  }
0x5a: {  	[tilespmem:s6], [sflag:$0x1] =	stream.indirect.gather [hbm4b:s4+s5], $0x40, s2, s5, $0xb8;
	[tilespmem:$0x10400] =	vst v63  }
0x5b: {  	_ =	swait.ge [sflag:s11], $0x8000  }
0x5c: {  	[sflag:s11] =	ssyncset.done $0x0  }
0x5d: {  	s13 =	rddreg [dreg:$0x7];
	[sflag:s11] =	ssyncadd.s32 $0xFFFF8000  }
0x5e: {  	[hbm4b:s13+s9] =	stream.strided.scatter [tilespmem:s8], [sflag:$0x3], $0x8000, s10, s9, $0x38;
	[tilespmem:$0x10400] =	vst v63  }
0x5f: {  	_ =	swait.ge [sflag:s3], $0x8000  }
0x60: {  	[sflag:s3] =	ssyncset.done $0x0  }
0x61: {  	s20 =	rddreg [dreg:$0x8];
	[sflag:s3] =	ssyncadd.s32 $0xFFFF8000  }
0x62: {  	[tilespmem:s5], [sflag:$0x3] =	stream.linear.gather [hbm4b:s20+s2], $0x200, $0x38;
	[tilespmem:$0x10400] =	vst v63  }
0x63: {  	_ =	swait.ge [sflag:s3], $0x200  }
0x64: {  	[sflag:s3] =	ssyncset.done $0x0  }
0x65: {  	[sflag:s3] =	ssyncadd.s32 $0xFFFFFE00  }
0x66: {  	[tilespmem:s8], [sflag:$0x2] =	stream.indirect.gather [hbm4b:s4+s5], $0x40, s5, s5, $0xb8;
	[tilespmem:$0x10400] =	vst v63  }
0x67: {  	_ =	swait.ge [sflag:s7], $0x8000  }
0x68: {  	[sflag:s7] =	ssyncset.done $0x0  }
0x69: {  	s21 =	rddreg [dreg:$0x9];
	[sflag:s7] =	ssyncadd.s32 $0xFFFF8000  }
0x6a: {  	[hbm4b:s21+s9] =	stream.strided.scatter [tilespmem:s6], [sflag:$0x3], $0x8000, s10, s9, $0x38;
	[tilespmem:$0x10400] =	vst v63  }
0x6b: {  	_ =	swait.ge [sflag:s3], $0x8000  }
0x6c: {  	[sflag:s3] =	ssyncset.done $0x0  }
0x6d: {  	s22 =	rddreg [dreg:$0xa];
	[sflag:s3] =	ssyncadd.s32 $0xFFFF8000  }
0x6e: {  	[tilespmem:s2], [sflag:$0x3] =	stream.linear.gather [hbm4b:s22+s2], $0x200, $0x38;
	[tilespmem:$0x10400] =	vst v63  }
0x6f: {  	_ =	swait.ge [sflag:s3], $0x200  }
0x70: {  	[sflag:s3] =	ssyncset.done $0x0  }
0x71: {  	[sflag:s3] =	ssyncadd.s32 $0xFFFFFE00  }
0x72: {  	[tilespmem:s6], [sflag:$0x1] =	stream.indirect.gather [hbm4b:s4+s5], $0x40, s2, s5, $0xb8;
	[tilespmem:$0x10400] =	vst v63  }
0x73: {  	_ =	swait.ge [sflag:s11], $0x8000  }
0x74: {  	[sflag:s11] =	ssyncset.done $0x0  }
0x75: {  	s23 =	rddreg [dreg:$0xb];
	[sflag:s11] =	ssyncadd.s32 $0xFFFF8000  }
0x76: {  	[hbm4b:s23+s9] =	stream.strided.scatter [tilespmem:s8], [sflag:$0x3], $0x8000, s10, s9, $0x38;
	[tilespmem:$0x10400] =	vst v63  }
0x77: {  	_ =	swait.ge [sflag:s3], $0x8000  }
0x78: {  	[sflag:s3] =	ssyncset.done $0x0  }
0x79: {  	s24 =	rddreg [dreg:$0xc];
	[sflag:s3] =	ssyncadd.s32 $0xFFFF8000  }
0x7a: {  	[tilespmem:s5], [sflag:$0x3] =	stream.linear.gather [hbm4b:s24+s2], $0x200, $0x38;
	[tilespmem:$0x10400] =	vst v63  }
0x7b: {  	_ =	swait.ge [sflag:s3], $0x200  }
0x7c: {  	[sflag:s3] =	ssyncset.done $0x0  }
0x7d: {  	[sflag:s3] =	ssyncadd.s32 $0xFFFFFE00  }
0x7e: {  	[tilespmem:s8], [sflag:$0x2] =	stream.indirect.gather [hbm4b:s4+s5], $0x40, s5, s5, $0xb8;
	[tilespmem:$0x10400] =	vst v63  }
0x7f: {  	_ =	swait.ge [sflag:s7], $0x8000  }
0x80: {  	[sflag:s7] =	ssyncset.done $0x0  }
0x81: {  	s25 =	rddreg [dreg:$0xd];
	[sflag:s7] =	ssyncadd.s32 $0xFFFF8000  }
0x82: {  	[hbm4b:s25+s9] =	stream.strided.scatter [tilespmem:s6], [sflag:$0x3], $0x8000, s10, s9, $0x38;
	[tilespmem:$0x10400] =	vst v63  }
0x83: {  	_ =	swait.ge [sflag:s3], $0x8000  }
0x84: {  	[sflag:s3] =	ssyncset.done $0x0  }
0x85: {  	s26 =	rddreg [dreg:$0xe];
	[sflag:s3] =	ssyncadd.s32 $0xFFFF8000  }
0x86: {  	[tilespmem:s2], [sflag:$0x3] =	stream.linear.gather [hbm4b:s26+s2], $0x200, $0x38;
	[tilespmem:$0x10400] =	vst v63  }
0x87: {  	_ =	swait.ge [sflag:s3], $0x200  }
0x88: {  	[sflag:s3] =	ssyncset.done $0x0  }
0x89: {  	[sflag:s3] =	ssyncadd.s32 $0xFFFFFE00  }
0x8a: {  	[tilespmem:s6], [sflag:$0x1] =	stream.indirect.gather [hbm4b:s4+s5], $0x40, s2, s5, $0xb8;
	[tilespmem:$0x10400] =	vst v63  }
0x8b: {  	_ =	swait.ge [sflag:s11], $0x8000  }
0x8c: {  	[sflag:s11] =	ssyncset.done $0x0  }
0x8d: {  	s0 =	rddreg [dreg:$0xf];
	[sflag:s11] =	ssyncadd.s32 $0xFFFF8000  }
0x8e: {  	[hbm4b:s0+s9] =	stream.strided.scatter [tilespmem:s8], [sflag:$0x3], $0x8000, s10, s9, $0x38;
	[tilespmem:$0x10400] =	vst v63  }
0x8f: {  	_ =	swait.ge [sflag:s3], $0x8000  }
0x90: {  	[sflag:s3] =	ssyncset.done $0x0  }
0x91: {  	s14 =	rddreg [dreg:$0x10];
	[sflag:s3] =	ssyncadd.s32 $0xFFFF8000  }
0x92: {  	[tilespmem:s5], [sflag:$0x3] =	stream.linear.gather [hbm4b:s14+s2], $0x200, $0x38;
	[tilespmem:$0x10400] =	vst v63  }
0x93: {  	_ =	swait.ge [sflag:s3], $0x200  }
0x94: {  	[sflag:s3] =	ssyncset.done $0x0  }
0x95: {  	[sflag:s3] =	ssyncadd.s32 $0xFFFFFE00  }
0x96: {  	[tilespmem:s8], [sflag:$0x2] =	stream.indirect.gather [hbm4b:s4+s5], $0x40, s5, s5, $0xb8;
	[tilespmem:$0x10400] =	vst v63  }
0x97: {  	_ =	swait.ge [sflag:s7], $0x8000  }
0x98: {  	[sflag:s7] =	ssyncset.done $0x0  }
0x99: {  	s15 =	rddreg [dreg:$0x11];
	[sflag:s7] =	ssyncadd.s32 $0xFFFF8000  }
0x9a: {  	[hbm4b:s15+s9] =	stream.strided.scatter [tilespmem:s6], [sflag:$0x3], $0x8000, s10, s9, $0x38;
	[tilespmem:$0x10400] =	vst v63  }
0x9b: {  	_ =	swait.ge [sflag:s3], $0x8000  }
0x9c: {  	[sflag:s3] =	ssyncset.done $0x0  }
0x9d: {  	s16 =	rddreg [dreg:$0x12];
	[sflag:s3] =	ssyncadd.s32 $0xFFFF8000  }
0x9e: {  	[tilespmem:s2], [sflag:$0x3] =	stream.linear.gather [hbm4b:s16+s2], $0x200, $0x38;
	[tilespmem:$0x10400] =	vst v63  }
0x9f: {  	_ =	swait.ge [sflag:s3], $0x200  }
0xa0: {  	[sflag:s3] =	ssyncset.done $0x0  }
0xa1: {  	[sflag:s3] =	ssyncadd.s32 $0xFFFFFE00  }
0xa2: {  	[tilespmem:s6], [sflag:$0x1] =	stream.indirect.gather [hbm4b:s4+s5], $0x40, s2, s5, $0xb8;
	[tilespmem:$0x10400] =	vst v63  }
0xa3: {  	_ =	swait.ge [sflag:s11], $0x8000  }
0xa4: {  	[sflag:s11] =	ssyncset.done $0x0  }
0xa5: {  	s17 =	rddreg [dreg:$0x13];
	[sflag:s11] =	ssyncadd.s32 $0xFFFF8000  }
0xa6: {  	[hbm4b:s17+s9] =	stream.strided.scatter [tilespmem:s8], [sflag:$0x3], $0x8000, s10, s9, $0x38;
	[tilespmem:$0x10400] =	vst v63  }
0xa7: {  	_ =	swait.ge [sflag:s3], $0x8000  }
0xa8: {  	[sflag:s3] =	ssyncset.done $0x0  }
0xa9: {  	s18 =	rddreg [dreg:$0x14];
	[sflag:s3] =	ssyncadd.s32 $0xFFFF8000  }
0xaa: {  	[tilespmem:s5], [sflag:$0x3] =	stream.linear.gather [hbm4b:s18+s2], $0x200, $0x38;
	[tilespmem:$0x10400] =	vst v63  }
0xab: {  	_ =	swait.ge [sflag:s3], $0x200  }
0xac: {  	[sflag:s3] =	ssyncset.done $0x0  }
0xad: {  	[sflag:s3] =	ssyncadd.s32 $0xFFFFFE00  }
0xae: {  	[tilespmem:s8], [sflag:$0x2] =	stream.indirect.gather [hbm4b:s4+s5], $0x40, s5, s5, $0xb8;
	[tilespmem:$0x10400] =	vst v63  }
0xaf: {  	_ =	swait.ge [sflag:s7], $0x8000  }
0xb0: {  	[sflag:s7] =	ssyncset.done $0x0  }
0xb1: {  	s19 =	rddreg [dreg:$0x15];
	[sflag:s7] =	ssyncadd.s32 $0xFFFF8000  }
0xb2: {  	[hbm4b:s19+s9] =	stream.strided.scatter [tilespmem:s6], [sflag:$0x3], $0x8000, s10, s9, $0x38;
	[tilespmem:$0x10400] =	vst v63  }
0xb3: {  	_ =	swait.ge [sflag:s3], $0x8000  }
0xb4: {  	[sflag:s3] =	ssyncset.done $0x0  }
0xb5: {  	s20 =	rddreg [dreg:$0x16];
	[sflag:s3] =	ssyncadd.s32 $0xFFFF8000  }
0xb6: {  	[tilespmem:s2], [sflag:$0x3] =	stream.linear.gather [hbm4b:s20+s2], $0x200, $0x38;
	[tilespmem:$0x10400] =	vst v63  }
0xb7: {  	_ =	swait.ge [sflag:s3], $0x200  }
0xb8: {  	[sflag:s3] =	ssyncset.done $0x0  }
0xb9: {  	[sflag:s3] =	ssyncadd.s32 $0xFFFFFE00  }
0xba: {  	[tilespmem:s6], [sflag:$0x1] =	stream.indirect.gather [hbm4b:s4+s5], $0x40, s2, s5, $0xb8;
	[tilespmem:$0x10400] =	vst v63  }
0xbb: {  	_ =	swait.ge [sflag:s11], $0x8000  }
0xbc: {  	[sflag:s11] =	ssyncset.done $0x0  }
0xbd: {  	s21 =	rddreg [dreg:$0x17];
	[sflag:s11] =	ssyncadd.s32 $0xFFFF8000  }
0xbe: {  	[hbm4b:s21+s9] =	stream.strided.scatter [tilespmem:s8], [sflag:$0x3], $0x8000, s10, s9, $0x38;
	[tilespmem:$0x10400] =	vst v63  }
0xbf: {  	s22 =	sand.u32 $0x3C00, s12;
	s14 =	sadd.s32 $0x1600, s31;
	_ =	swait.ge [sflag:s3], $0x8000  }
0xc0: {  	s13 =	sshrl.u32 s22, $0xD;
	s15 =	sshrl.u32 s14, $0x3;
	[sflag:s3] =	ssyncset.done $0x0  }
0xc1: {  	s16 =	sshll.u32 s12, $0x6;
	s12 =	sadd.s32 s1, s15;
	[sflag:s3] =	ssyncadd.s32 $0xFFFF8000  }
0xc2: {  	[tilespmem:s5], [sflag:$0x3] =	stream.linear.gather [hbm4b:s12+s2], $0x200, $0x38;
	[tilespmem:$0x10400] =	vst v63  }
0xc3: {  	s24 =	sshll.u32 s22, $0x7;
	s23 =	sand.u32 $0x3F00000, s16;
	_ =	swait.ge [sflag:s3], $0x200  }
0xc4: {  	s25 =	sshll.u32 s13, $0x14;
	s15 =	sadd.s32 s24, s23;
	[sflag:s3] =	ssyncset.done $0x0  }
0xc5: {  	s13 =	sshll.u32 s13, $0x6;
	s15 =	ssub.s32 s15, s25;
	[sflag:s3] =	ssyncadd.s32 $0xFFFFFE00  }
0xc6: {  	[tilespmem:s8], [sflag:$0x2] =	stream.indirect.gather [hbm4b:s4+s5], $0x40, s5, s5, $0xb8;
	[tilespmem:$0x10400] =	vst v63  }
0xc7: {  	s13 =	sor.u32 s13, s15;
	_ =	swait.ge [sflag:s7], $0x8000  }
0xc8: {  	s13 =	sshrl.u32 s13, $0x3;
	[sflag:s7] =	ssyncset.done $0x0  }
0xc9: {  	s13 =	sadd.s32 s29, s13;
	[sflag:s7] =	ssyncadd.s32 $0xFFFF8000  }
0xca: {  	[hbm4b:s13+s9] =	stream.strided.scatter [tilespmem:s6], [sflag:$0x3], $0x8000, s10, s9, $0x38;
	[tilespmem:$0x10400] =	vst v63  }
0xcb: {  	s0 =	sadd.s32 $0x1800, s31;
	s26 =	sand.u32 $0x3E00, s14;
	_ =	swait.ge [sflag:s3], $0x8000  }
0xcc: {  	s15 =	sshrl.u32 s26, $0xD;
	s17 =	sshrl.u32 s0, $0x3;
	[sflag:s3] =	ssyncset.done $0x0  }
0xcd: {  	s18 =	sshll.u32 s14, $0x6;
	s14 =	sadd.s32 s1, s17;
	[sflag:s3] =	ssyncadd.s32 $0xFFFF8000  }
0xce: {  	[tilespmem:s2], [sflag:$0x3] =	stream.linear.gather [hbm4b:s14+s2], $0x200, $0x38;
	[tilespmem:$0x10400] =	vst v63  }
0xcf: {  	s18 =	sand.u32 $0x3F00000, s18;
	s19 =	sshll.u32 s26, $0x7;
	_ =	swait.ge [sflag:s3], $0x200  }
0xd0: {  	s17 =	sadd.s32 s19, s18;
	s20 =	sshll.u32 s15, $0x14;
	[sflag:s3] =	ssyncset.done $0x0  }
0xd1: {  	s15 =	sshll.u32 s15, $0x6;
	s17 =	ssub.s32 s17, s20;
	[sflag:s3] =	ssyncadd.s32 $0xFFFFFE00  }
0xd2: {  	[tilespmem:s6], [sflag:$0x1] =	stream.indirect.gather [hbm4b:s4+s5], $0x40, s2, s5, $0xb8;
	[tilespmem:$0x10400] =	vst v63  }
0xd3: {  	s15 =	sor.u32 s15, s17;
	_ =	swait.ge [sflag:s11], $0x8000  }
0xd4: {  	s15 =	sshrl.u32 s15, $0x3;
	[sflag:s11] =	ssyncset.done $0x0  }
0xd5: {  	s22 =	sadd.s32 $0x1A00, s31;
	s15 =	sadd.s32 s29, s15;
	[sflag:s11] =	ssyncadd.s32 $0xFFFF8000  }
0xd6: {  	[hbm4b:s15+s9] =	stream.strided.scatter [tilespmem:s8], [sflag:$0x3], $0x8000, s10, s9, $0x38;
	[tilespmem:$0x10400] =	vst v63  }
0xd7: {  	s19 =	sshrl.u32 s22, $0x3;
	_ =	swait.ge [sflag:s3], $0x8000  }
0xd8: {  	s16 =	sadd.s32 s1, s19;
	s20 =	sshll.u32 s0, $0x6;
	[sflag:s3] =	ssyncset.done $0x0  }
0xd9: {  	s23 =	sand.u32 $0x3F00000, s20;
	s21 =	sand.u32 $0x3800, s0;
	[sflag:s3] =	ssyncadd.s32 $0xFFFF8000  }
0xda: {  	[tilespmem:s5], [sflag:$0x3] =	stream.linear.gather [hbm4b:s16+s2], $0x200, $0x38;
	[tilespmem:$0x10400] =	vst v63  }
0xdb: {  	s24 =	sshll.u32 s21, $0x7;
	s17 =	sshrl.u32 s21, $0xD;
	_ =	swait.ge [sflag:s3], $0x200  }
0xdc: {  	s19 =	sadd.s32 s24, s23;
	s25 =	sshll.u32 s17, $0x14;
	[sflag:s3] =	ssyncset.done $0x0  }
0xdd: {  	s17 =	sshll.u32 s17, $0x6;
	s19 =	ssub.s32 s19, s25;
	[sflag:s3] =	ssyncadd.s32 $0xFFFFFE00  }
0xde: {  	[tilespmem:s8], [sflag:$0x2] =	stream.indirect.gather [hbm4b:s4+s5], $0x40, s5, s5, $0xb8;
	[tilespmem:$0x10400] =	vst v63  }
0xdf: {  	s17 =	sor.u32 s17, s19;
	_ =	swait.ge [sflag:s7], $0x8000  }
0xe0: {  	s17 =	sshrl.u32 s17, $0x3;
	[sflag:s7] =	ssyncset.done $0x0  }
0xe1: {  	s17 =	sadd.s32 s29, s17;
	[sflag:s7] =	ssyncadd.s32 $0xFFFF8000  }
0xe2: {  	[hbm4b:s17+s9] =	stream.strided.scatter [tilespmem:s6], [sflag:$0x3], $0x8000, s10, s9, $0x38;
	[tilespmem:$0x10400] =	vst v63  }
0xe3: {  	s26 =	sand.u32 $0x3A00, s22;
	s0 =	sadd.s32 $0x1C00, s31;
	_ =	swait.ge [sflag:s3], $0x8000  }
0xe4: {  	s22 =	sshll.u32 s22, $0x6;
	s21 =	sshrl.u32 s0, $0x3;
	[sflag:s3] =	ssyncset.done $0x0  }
0xe5: {  	s22 =	sand.u32 $0x3F00000, s22;
	s18 =	sadd.s32 s1, s21;
	[sflag:s3] =	ssyncadd.s32 $0xFFFF8000  }
0xe6: {  	[tilespmem:s2], [sflag:$0x3] =	stream.linear.gather [hbm4b:s18+s2], $0x200, $0x38;
	[tilespmem:$0x10400] =	vst v63  }
0xe7: {  	s23 =	sshll.u32 s26, $0x7;
	s19 =	sshrl.u32 s26, $0xD;
	_ =	swait.ge [sflag:s3], $0x200  }
0xe8: {  	s21 =	sadd.s32 s23, s22;
	s24 =	sshll.u32 s19, $0x14;
	[sflag:s3] =	ssyncset.done $0x0  }
0xe9: {  	s19 =	sshll.u32 s19, $0x6;
	s21 =	ssub.s32 s21, s24;
	[sflag:s3] =	ssyncadd.s32 $0xFFFFFE00  }
0xea: {  	[tilespmem:s6], [sflag:$0x1] =	stream.indirect.gather [hbm4b:s4+s5], $0x40, s2, s5, $0xb8;
	[tilespmem:$0x10400] =	vst v63  }
0xeb: {  	s19 =	sor.u32 s19, s21;
	_ =	swait.ge [sflag:s11], $0x8000  }
0xec: {  	s25 =	sand.u32 $0x3C00, s0;
	s19 =	sshrl.u32 s19, $0x3;
	[sflag:s11] =	ssyncset.done $0x0  }
0xed: {  	s22 =	sadd.s32 $0x1E00, s31;
	s19 =	sadd.s32 s29, s19;
	[sflag:s11] =	ssyncadd.s32 $0xFFFF8000  }
0xee: {  	[hbm4b:s19+s9] =	stream.strided.scatter [tilespmem:s8], [sflag:$0x3], $0x8000, s10, s9, $0x38;
	[tilespmem:$0x10400] =	vst v63  }
0xef: {  	s23 =	sshll.u32 s0, $0x6;
	s26 =	sshrl.u32 s22, $0x3;
	_ =	swait.ge [sflag:s3], $0x8000  }
0xf0: {  	s23 =	sand.u32 $0x3F00000, s23;
	s20 =	sadd.s32 s1, s26;
	[sflag:s3] =	ssyncset.done $0x0  }
0xf1: {  	s24 =	sshll.u32 s25, $0x7;
	s21 =	sshrl.u32 s25, $0xD;
	[sflag:s3] =	ssyncadd.s32 $0xFFFF8000  }
0xf2: {  	[tilespmem:s5], [sflag:$0x3] =	stream.linear.gather [hbm4b:s20+s2], $0x200, $0x38;
	[tilespmem:$0x10400] =	vst v63  }
0xf3: {  	s23 =	sadd.s32 s24, s23;
	s25 =	sand.u32 $0x3E00, s22;
	_ =	swait.ge [sflag:s3], $0x200  }
0xf4: {  	s22 =	sshll.u32 s22, $0x6;
	s0 =	sshll.u32 s21, $0x14;
	[sflag:s3] =	ssyncset.done $0x0  }
0xf5: {  	s21 =	sshll.u32 s21, $0x6;
	s23 =	ssub.s32 s23, s0;
	[sflag:s3] =	ssyncadd.s32 $0xFFFFFE00  }
0xf6: {  	[tilespmem:s8], [sflag:$0x2] =	stream.indirect.gather [hbm4b:s4+s5], $0x40, s5, s5, $0xb8;
	[tilespmem:$0x10400] =	vst v63  }
0xf7: {  	s22 =	sand.u32 $0x3F00000, s22;
	s21 =	sor.u32 s21, s23;
	_ =	swait.ge [sflag:s7], $0x8000  }
0xf8: {  	s26 =	sshll.u32 s25, $0x7;
	s21 =	sshrl.u32 s21, $0x3;
	[sflag:s7] =	ssyncset.done $0x0  }
0xf9: {  	s22 =	sadd.s32 s26, s22;
	s21 =	sadd.s32 s29, s21;
	[sflag:s7] =	ssyncadd.s32 $0xFFFF8000  }
0xfa: {  	[hbm4b:s21+s9] =	stream.strided.scatter [tilespmem:s6], [sflag:$0x3], $0x8000, s10, s9, $0x38;
	[tilespmem:$0x10400] =	vst v63  }
0xfb: {  	s23 =	sshrl.u32 s25, $0xD;
	s25 =	sadd.s32 $0x2000, s31;
	_ =	swait.ge [sflag:s3], $0x8000  }
0xfc: {  	s0 =	sshll.u32 s23, $0x14;
	s26 =	sshrl.u32 s25, $0x3;
	[sflag:s3] =	ssyncset.done $0x0  }
0xfd: {  	s24 =	ssub.s32 s22, s0;
	s22 =	sadd.s32 s1, s26;
	[sflag:s3] =	ssyncadd.s32 $0xFFFF8000  }
0xfe: {  	[tilespmem:s2], [sflag:$0x3] =	stream.linear.gather [hbm4b:s22+s2], $0x200, $0x38;
	[tilespmem:$0x10400] =	vst v63  }
0xff: {  	s30 =	sadd.s32 $0x2200, s31;
	s23 =	sshll.u32 s23, $0x6;
	_ =	swait.ge [sflag:s3], $0x200  }
0x100: {  	s28 =	sand.u32 $0x3800, s25;
	s0 =	sand.u32 $0x1800, s31;
	[sflag:s3] =	ssyncset.done $0x0  }
0x101: {  	p1 =	seq.s32 s28, $0x0;
	s23 =	sor.u32 s23, s24;
	[sflag:s3] =	ssyncadd.s32 $0xFFFFFE00  }
0x102: {  	[tilespmem:s6], [sflag:$0x1] =	stream.indirect.gather [hbm4b:s4+s5], $0x40, s2, s5, $0xb8;
	[tilespmem:$0x10400] =	vst v63  }
0x103: {  	p0 =	sne.s32 s0, $0x0;
	s24 =	simm.s32 $0x1;
	_ =	swait.ge [sflag:s11], $0x8000  }
0x104: {  	s23 =	sshrl.u32 s23, $0x3;
	p0 =	por !p0, !p1;
	[sflag:s11] =	ssyncset.done $0x0  }
0x105: {  	p0 =	por !p0, !p0;
	s23 =	sadd.s32 s29, s23;
	[sflag:s11] =	ssyncadd.s32 $0xFFFF8000  }
0x106: {  	[hbm4b:s23+s9] =	stream.strided.scatter [tilespmem:s8], [sflag:$0x3], $0x8000, s10, s9, $0x38;
	[tilespmem:$0x10400] =	vst v63  }
0x107: {  	s0 =	sshrl.u32 s28, $0xD;
	s24 =	simm.s32 @!p0 $0x0;
	_ =	swait.ge [sflag:s3], $0x8000  }
0x108: {  	s0 =	ssub.s32 s0, s24;
	s24 =	sshrl.u32 s30, $0x3;
	[sflag:s3] =	ssyncset.done $0x0  }
0x109: {  	s25 =	sshll.u32 s25, $0x6;
	s24 =	sadd.s32 s1, s24;
	[sflag:s3] =	ssyncadd.s32 $0xFFFF8000  }
0x10a: {  	[tilespmem:s5], [sflag:$0x3] =	stream.linear.gather [hbm4b:s24+s2], $0x200, $0x38;
	[tilespmem:$0x10400] =	vst v63  }
0x10b: {  	s25 =	sand.u32 $0x3F00000, s25;
	s28 =	sshll.u32 s28, $0x7;
	_ =	swait.ge [sflag:s3], $0x200  }
0x10c: {  	s25 =	sadd.s32 s28, s25;
	s28 =	sshll.u32 s0, $0x14;
	[sflag:s3] =	ssyncset.done $0x0  }
0x10d: {  	s0 =	sshll.u32 s0, $0x6;
	s25 =	ssub.s32 s25, s28;
	[sflag:s3] =	ssyncadd.s32 $0xFFFFFE00  }
0x10e: {  	[tilespmem:s8], [sflag:$0x2] =	stream.indirect.gather [hbm4b:s4+s5], $0x40, s5, s5, $0xb8;
	[tilespmem:$0x10400] =	vst v63  }
0x10f: {  	s26 =	smov.u32 s1;
	s0 =	sadd.s32 s0, s25;
	_ =	swait.ge [sflag:s7], $0x8000  }
0x110: {  	s1 =	sadd.s32 $0x2400, s31;
	s0 =	sshrl.u32 s0, $0x3;
	[sflag:s7] =	ssyncset.done $0x0  }
0x111: {  	s25 =	sadd.s32 s29, s0;
	[dreg:$0x19] =	wrdreg s29;
	[sflag:s7] =	ssyncadd.s32 $0xFFFF8000  }
0x112: {  	[hbm4b:s25+s9] =	stream.strided.scatter [tilespmem:s6], [sflag:$0x3], $0x8000, s10, s9, $0x38;
	[tilespmem:$0x10400] =	vst v63  }
0x113: {  	s28 =	sshrl.u32 s1, $0x3;
	_ =	swait.ge [sflag:s3], $0x8000  }
0x114: {  	s0 =	sand.u32 $0x3A00, s30;
	s30 =	sshll.u32 s30, $0x6;
	[sflag:s3] =	ssyncset.done $0x0  }
0x115: {  	s28 =	sadd.s32 s26, s28;
	s30 =	sand.u32 $0x3F00000, s30;
	[sflag:s3] =	ssyncadd.s32 $0xFFFF8000  }
0x116: {  	[tilespmem:s2], [sflag:$0x3] =	stream.linear.gather [hbm4b:s28+s2], $0x200, $0x38;
	[tilespmem:$0x10400] =	vst v63  }
0x117: {  	s26 =	sshll.u32 s0, $0x7;
	s0 =	sshrl.u32 s0, $0xD;
	_ =	swait.ge [sflag:s3], $0x200  }
0x118: {  	s26 =	sadd.s32 s26, s30;
	s30 =	sshll.u32 s0, $0x14;
	[sflag:s3] =	ssyncset.done $0x0  }
0x119: {  	s0 =	sshll.u32 s0, $0x6;
	s26 =	ssub.s32 s26, s30;
	[sflag:s3] =	ssyncadd.s32 $0xFFFFFE00  }
0x11a: {  	[tilespmem:s6], [sflag:$0x1] =	stream.indirect.gather [hbm4b:s4+s5], $0x40, s2, s5, $0xb8;
	[tilespmem:$0x10400] =	vst v63  }
0x11b: {  	s0 =	sor.u32 s0, s26;
	_ =	swait.ge [sflag:s11], $0x8000  }
0x11c: {  	s0 =	sshrl.u32 s0, $0x3;
	[sflag:s11] =	ssyncset.done $0x0  }
0x11d: {  	s30 =	sadd.s32 s29, s0;
	s0 =	sadd.s32 $0x2600, s31;
	[sflag:s11] =	ssyncadd.s32 $0xFFFF8000  }
0x11e: {  	[hbm4b:s30+s9] =	stream.strided.scatter [tilespmem:s8], [sflag:$0x3], $0x8000, s10, s9, $0x38;
	[tilespmem:$0x10400] =	vst v63  }
0x11f: {  	s26 =	sshrl.u32 s0, $0x3;
	s29 =	rddreg [dreg:$0x0];
	_ =	swait.ge [sflag:s3], $0x8000  }
0x120: {  	s31 =	sadd.s32 s29, s26;
	s26 =	sshll.u32 s1, $0x6;
	[sflag:s3] =	ssyncset.done $0x0  }
0x121: {  	s1 =	sand.u32 $0x3C00, s1;
	s26 =	sand.u32 $0x3F00000, s26;
	[sflag:s3] =	ssyncadd.s32 $0xFFFF8000  }
0x122: {  	[tilespmem:s5], [sflag:$0x3] =	stream.linear.gather [hbm4b:s31+s2], $0x200, $0x38;
	[tilespmem:$0x10400] =	vst v63  }
0x123: {  	s29 =	sshll.u32 s1, $0x7;
	s1 =	sshrl.u32 s1, $0xD;
	_ =	swait.ge [sflag:s3], $0x200  }
0x124: {  	s26 =	sadd.s32 s29, s26;
	s29 =	sshll.u32 s1, $0x14;
	[sflag:s3] =	ssyncset.done $0x0  }
0x125: {  	s1 =	sshll.u32 s1, $0x6;
	s26 =	ssub.s32 s26, s29;
	[sflag:s3] =	ssyncadd.s32 $0xFFFFFE00  }
0x126: {  	[tilespmem:s8], [sflag:$0x2] =	stream.indirect.gather [hbm4b:s4+s5], $0x40, s5, s5, $0xb8;
	[tilespmem:$0x10400] =	vst v63  }
0x127: {  	s1 =	sor.u32 s1, s26;
	s26 =	sand.u32 $0x3E00, s0;
	_ =	swait.ge [sflag:s7], $0x8000  }
0x128: {  	s0 =	sshll.u32 s0, $0x6;
	s1 =	sshrl.u32 s1, $0x3;
	s29 =	rddreg [dreg:$0x19]  }
0x129: {  	s0 =	sand.u32 $0x3F00000, s0;
	[sflag:s7] =	ssyncset.done $0x0;
	s1 =	sadd.s32 s29, s1  }
0x12a: {  	s29 =	sshll.u32 s26, $0x7;
	s26 =	sshrl.u32 s26, $0xD;
	[sflag:s7] =	ssyncadd.s32 $0xFFFF8000  }
0x12b: {  	[hbm4b:s1+s9] =	stream.strided.scatter [tilespmem:s6], [sflag:$0x3], $0x8000, s10, s9, $0x38;
	[tilespmem:$0x10400] =	vst v63  }
0x12c: {  	s0 =	sadd.s32 s29, s0;
	s29 =	sshll.u32 s26, $0x14;
	_ =	swait.ge [sflag:s3], $0x8000  }
0x12d: {  	s0 =	ssub.s32 s0, s29;
	[sflag:s3] =	ssyncset.done $0x0;
	s29 =	rddreg [dreg:$0x18]  }
0x12e: {  	s26 =	sshll.u32 s26, $0x6;
	s29 =	ssub.s32 $0x2, s29;
	[sflag:s3] =	ssyncadd.s32 $0xFFFF8000  }
0x12f: {  	s0 =	sor.u32 s26, s0;
	_ =	swait.ge [sflag:s11], $0x8000;
	s26 =	sshrl.u32 s29, $0x1  }
0x130: {  	s0 =	sshrl.u32 s0, $0x3;
	s29 =	ssub.s32 s29, s26;
	s26 =	rddreg [dreg:$0x19]  }
0x131: {  	s26 =	sadd.s32 s26, s0;
	s0 =	smax.u32 s29, $0x1  }
0x132: {  	p0 =	sne.s32 s0, $0x1  }
.Ltmp0:
0x133: {  	_ = 	snop;
	(pc) =	sbr.rel @!p0 .LBB2_2-.Ltmp0, $4  }
0x134: {  	[sflag:s11] =	ssyncset.done $0x0  }
0x135: {  	[sflag:s11] =	ssyncadd.s32 $0xFFFF8000  }
0x136: {  	[hbm4b:s26+s9] =	stream.strided.scatter [tilespmem:s8], [sflag:$0x3], $0x8000, s10, s9, $0x38;
	[tilespmem:$0x10400] =	vst v63  }
0x137: {  	s29 =	sadd.s32 $0xFFFFFFFF, s0;
	_ =	swait.ge [sflag:s3], $0x8000  }
.LBB2_1:
0x138: {  	[sflag:s3] =	ssyncset.done $0x0  }
0x139: {  	s0 =	rddreg [dreg:$0x3];
	[sflag:s3] =	ssyncadd.s32 $0xFFFF8000  }
0x13a: {  	[tilespmem:s2], [sflag:$0x3] =	stream.linear.gather [hbm4b:s0+s2], $0x200, $0x38;
	[tilespmem:$0x10400] =	vst v63  }
0x13b: {  	_ =	swait.ge [sflag:s3], $0x200  }
0x13c: {  	[sflag:s3] =	ssyncset.done $0x0  }
0x13d: {  	[sflag:s3] =	ssyncadd.s32 $0xFFFFFE00  }
0x13e: {  	[tilespmem:s6], [sflag:$0x1] =	stream.indirect.gather [hbm4b:s4+s5], $0x40, s2, s5, $0xb8;
	[tilespmem:$0x10400] =	vst v63  }
0x13f: {  	s0 =	rddreg [dreg:$0x4]  }
0x140: {  	[tilespmem:s5], [sflag:$0x3] =	stream.linear.gather [hbm4b:s0+s2], $0x200, $0x38;
	[tilespmem:$0x10400] =	vst v63  }
0x141: {  	_ =	swait.ge [sflag:s3], $0x200  }
0x142: {  	[sflag:s3] =	ssyncset.done $0x0  }
0x143: {  	[sflag:s3] =	ssyncadd.s32 $0xFFFFFE00  }
0x144: {  	[tilespmem:s8], [sflag:$0x2] =	stream.indirect.gather [hbm4b:s4+s5], $0x40, s5, s5, $0xb8;
	[tilespmem:$0x10400] =	vst v63  }
0x145: {  	_ =	swait.ge [sflag:s7], $0x8000  }
0x146: {  	[sflag:s7] =	ssyncset.done $0x0  }
0x147: {  	s0 =	rddreg [dreg:$0x5];
	[sflag:s7] =	ssyncadd.s32 $0xFFFF8000  }
0x148: {  	[hbm4b:s0+s9] =	stream.strided.scatter [tilespmem:s6], [sflag:$0x3], $0x8000, s10, s9, $0x38;
	[tilespmem:$0x10400] =	vst v63  }
0x149: {  	_ =	swait.ge [sflag:s3], $0x8000  }
0x14a: {  	[sflag:s3] =	ssyncset.done $0x0  }
0x14b: {  	s0 =	rddreg [dreg:$0x6];
	[sflag:s3] =	ssyncadd.s32 $0xFFFF8000  }
0x14c: {  	[tilespmem:s2], [sflag:$0x3] =	stream.linear.gather [hbm4b:s0+s2], $0x200, $0x38;
	[tilespmem:$0x10400] =	vst v63  }
0x14d: {  	_ =	swait.ge [sflag:s3], $0x200  }
0x14e: {  	[sflag:s3] =	ssyncset.done $0x0  }
0x14f: {  	[sflag:s3] =	ssyncadd.s32 $0xFFFFFE00  }
0x150: {  	[tilespmem:s6], [sflag:$0x1] =	stream.indirect.gather [hbm4b:s4+s5], $0x40, s2, s5, $0xb8;
	[tilespmem:$0x10400] =	vst v63  }
0x151: {  	_ =	swait.ge [sflag:s11], $0x8000  }
0x152: {  	[sflag:s11] =	ssyncset.done $0x0  }
0x153: {  	s0 =	rddreg [dreg:$0x7];
	[sflag:s11] =	ssyncadd.s32 $0xFFFF8000  }
0x154: {  	[hbm4b:s0+s9] =	stream.strided.scatter [tilespmem:s8], [sflag:$0x3], $0x8000, s10, s9, $0x38;
	[tilespmem:$0x10400] =	vst v63  }
0x155: {  	_ =	swait.ge [sflag:s3], $0x8000  }
0x156: {  	[sflag:s3] =	ssyncset.done $0x0  }
0x157: {  	s0 =	rddreg [dreg:$0x8];
	[sflag:s3] =	ssyncadd.s32 $0xFFFF8000  }
0x158: {  	[tilespmem:s5], [sflag:$0x3] =	stream.linear.gather [hbm4b:s0+s2], $0x200, $0x38;
	[tilespmem:$0x10400] =	vst v63  }
0x159: {  	_ =	swait.ge [sflag:s3], $0x200  }
0x15a: {  	[sflag:s3] =	ssyncset.done $0x0  }
0x15b: {  	[sflag:s3] =	ssyncadd.s32 $0xFFFFFE00  }
0x15c: {  	[tilespmem:s8], [sflag:$0x2] =	stream.indirect.gather [hbm4b:s4+s5], $0x40, s5, s5, $0xb8;
	[tilespmem:$0x10400] =	vst v63  }
0x15d: {  	_ =	swait.ge [sflag:s7], $0x8000  }
0x15e: {  	[sflag:s7] =	ssyncset.done $0x0  }
0x15f: {  	s0 =	rddreg [dreg:$0x9];
	[sflag:s7] =	ssyncadd.s32 $0xFFFF8000  }
0x160: {  	[hbm4b:s0+s9] =	stream.strided.scatter [tilespmem:s6], [sflag:$0x3], $0x8000, s10, s9, $0x38;
	[tilespmem:$0x10400] =	vst v63  }
0x161: {  	_ =	swait.ge [sflag:s3], $0x8000  }
0x162: {  	[sflag:s3] =	ssyncset.done $0x0  }
0x163: {  	s0 =	rddreg [dreg:$0xa];
	[sflag:s3] =	ssyncadd.s32 $0xFFFF8000  }
0x164: {  	[tilespmem:s2], [sflag:$0x3] =	stream.linear.gather [hbm4b:s0+s2], $0x200, $0x38;
	[tilespmem:$0x10400] =	vst v63  }
0x165: {  	_ =	swait.ge [sflag:s3], $0x200  }
0x166: {  	[sflag:s3] =	ssyncset.done $0x0  }
0x167: {  	[sflag:s3] =	ssyncadd.s32 $0xFFFFFE00  }
0x168: {  	[tilespmem:s6], [sflag:$0x1] =	stream.indirect.gather [hbm4b:s4+s5], $0x40, s2, s5, $0xb8;
	[tilespmem:$0x10400] =	vst v63  }
0x169: {  	_ =	swait.ge [sflag:s11], $0x8000  }
0x16a: {  	[sflag:s11] =	ssyncset.done $0x0  }
0x16b: {  	s0 =	rddreg [dreg:$0xb];
	[sflag:s11] =	ssyncadd.s32 $0xFFFF8000  }
0x16c: {  	[hbm4b:s0+s9] =	stream.strided.scatter [tilespmem:s8], [sflag:$0x3], $0x8000, s10, s9, $0x38;
	[tilespmem:$0x10400] =	vst v63  }
0x16d: {  	_ =	swait.ge [sflag:s3], $0x8000  }
0x16e: {  	[sflag:s3] =	ssyncset.done $0x0  }
0x16f: {  	s0 =	rddreg [dreg:$0xc];
	[sflag:s3] =	ssyncadd.s32 $0xFFFF8000  }
0x170: {  	[tilespmem:s5], [sflag:$0x3] =	stream.linear.gather [hbm4b:s0+s2], $0x200, $0x38;
	[tilespmem:$0x10400] =	vst v63  }
0x171: {  	_ =	swait.ge [sflag:s3], $0x200  }
0x172: {  	[sflag:s3] =	ssyncset.done $0x0  }
0x173: {  	[sflag:s3] =	ssyncadd.s32 $0xFFFFFE00  }
0x174: {  	[tilespmem:s8], [sflag:$0x2] =	stream.indirect.gather [hbm4b:s4+s5], $0x40, s5, s5, $0xb8;
	[tilespmem:$0x10400] =	vst v63  }
0x175: {  	_ =	swait.ge [sflag:s7], $0x8000  }
0x176: {  	[sflag:s7] =	ssyncset.done $0x0  }
0x177: {  	s0 =	rddreg [dreg:$0xd];
	[sflag:s7] =	ssyncadd.s32 $0xFFFF8000  }
0x178: {  	[hbm4b:s0+s9] =	stream.strided.scatter [tilespmem:s6], [sflag:$0x3], $0x8000, s10, s9, $0x38;
	[tilespmem:$0x10400] =	vst v63  }
0x179: {  	_ =	swait.ge [sflag:s3], $0x8000  }
0x17a: {  	[sflag:s3] =	ssyncset.done $0x0  }
0x17b: {  	s0 =	rddreg [dreg:$0xe];
	[sflag:s3] =	ssyncadd.s32 $0xFFFF8000  }
0x17c: {  	[tilespmem:s2], [sflag:$0x3] =	stream.linear.gather [hbm4b:s0+s2], $0x200, $0x38;
	[tilespmem:$0x10400] =	vst v63  }
0x17d: {  	_ =	swait.ge [sflag:s3], $0x200  }
0x17e: {  	[sflag:s3] =	ssyncset.done $0x0  }
0x17f: {  	[sflag:s3] =	ssyncadd.s32 $0xFFFFFE00  }
0x180: {  	[tilespmem:s6], [sflag:$0x1] =	stream.indirect.gather [hbm4b:s4+s5], $0x40, s2, s5, $0xb8;
	[tilespmem:$0x10400] =	vst v63  }
0x181: {  	_ =	swait.ge [sflag:s11], $0x8000  }
0x182: {  	[sflag:s11] =	ssyncset.done $0x0  }
0x183: {  	s0 =	rddreg [dreg:$0xf];
	[sflag:s11] =	ssyncadd.s32 $0xFFFF8000  }
0x184: {  	[hbm4b:s0+s9] =	stream.strided.scatter [tilespmem:s8], [sflag:$0x3], $0x8000, s10, s9, $0x38;
	[tilespmem:$0x10400] =	vst v63  }
0x185: {  	_ =	swait.ge [sflag:s3], $0x8000  }
0x186: {  	[sflag:s3] =	ssyncset.done $0x0  }
0x187: {  	s0 =	rddreg [dreg:$0x10];
	[sflag:s3] =	ssyncadd.s32 $0xFFFF8000  }
0x188: {  	[tilespmem:s5], [sflag:$0x3] =	stream.linear.gather [hbm4b:s0+s2], $0x200, $0x38;
	[tilespmem:$0x10400] =	vst v63  }
0x189: {  	_ =	swait.ge [sflag:s3], $0x200  }
0x18a: {  	[sflag:s3] =	ssyncset.done $0x0  }
0x18b: {  	[sflag:s3] =	ssyncadd.s32 $0xFFFFFE00  }
0x18c: {  	[tilespmem:s8], [sflag:$0x2] =	stream.indirect.gather [hbm4b:s4+s5], $0x40, s5, s5, $0xb8;
	[tilespmem:$0x10400] =	vst v63  }
0x18d: {  	_ =	swait.ge [sflag:s7], $0x8000  }
0x18e: {  	[sflag:s7] =	ssyncset.done $0x0  }
0x18f: {  	s0 =	rddreg [dreg:$0x11];
	[sflag:s7] =	ssyncadd.s32 $0xFFFF8000  }
0x190: {  	[hbm4b:s0+s9] =	stream.strided.scatter [tilespmem:s6], [sflag:$0x3], $0x8000, s10, s9, $0x38;
	[tilespmem:$0x10400] =	vst v63  }
0x191: {  	_ =	swait.ge [sflag:s3], $0x8000  }
0x192: {  	[sflag:s3] =	ssyncset.done $0x0  }
0x193: {  	s0 =	rddreg [dreg:$0x12];
	[sflag:s3] =	ssyncadd.s32 $0xFFFF8000  }
0x194: {  	[tilespmem:s2], [sflag:$0x3] =	stream.linear.gather [hbm4b:s0+s2], $0x200, $0x38;
	[tilespmem:$0x10400] =	vst v63  }
0x195: {  	_ =	swait.ge [sflag:s3], $0x200  }
0x196: {  	[sflag:s3] =	ssyncset.done $0x0  }
0x197: {  	[sflag:s3] =	ssyncadd.s32 $0xFFFFFE00  }
0x198: {  	[tilespmem:s6], [sflag:$0x1] =	stream.indirect.gather [hbm4b:s4+s5], $0x40, s2, s5, $0xb8;
	[tilespmem:$0x10400] =	vst v63  }
0x199: {  	_ =	swait.ge [sflag:s11], $0x8000  }
0x19a: {  	[sflag:s11] =	ssyncset.done $0x0  }
0x19b: {  	s0 =	rddreg [dreg:$0x13];
	[sflag:s11] =	ssyncadd.s32 $0xFFFF8000  }
0x19c: {  	[hbm4b:s0+s9] =	stream.strided.scatter [tilespmem:s8], [sflag:$0x3], $0x8000, s10, s9, $0x38;
	[tilespmem:$0x10400] =	vst v63  }
0x19d: {  	_ =	swait.ge [sflag:s3], $0x8000  }
0x19e: {  	[sflag:s3] =	ssyncset.done $0x0  }
0x19f: {  	s0 =	rddreg [dreg:$0x14];
	[sflag:s3] =	ssyncadd.s32 $0xFFFF8000  }
0x1a0: {  	[tilespmem:s5], [sflag:$0x3] =	stream.linear.gather [hbm4b:s0+s2], $0x200, $0x38;
	[tilespmem:$0x10400] =	vst v63  }
0x1a1: {  	_ =	swait.ge [sflag:s3], $0x200  }
0x1a2: {  	[sflag:s3] =	ssyncset.done $0x0  }
0x1a3: {  	[sflag:s3] =	ssyncadd.s32 $0xFFFFFE00  }
0x1a4: {  	[tilespmem:s8], [sflag:$0x2] =	stream.indirect.gather [hbm4b:s4+s5], $0x40, s5, s5, $0xb8;
	[tilespmem:$0x10400] =	vst v63  }
0x1a5: {  	_ =	swait.ge [sflag:s7], $0x8000  }
0x1a6: {  	[sflag:s7] =	ssyncset.done $0x0  }
0x1a7: {  	s0 =	rddreg [dreg:$0x15];
	[sflag:s7] =	ssyncadd.s32 $0xFFFF8000  }
0x1a8: {  	[hbm4b:s0+s9] =	stream.strided.scatter [tilespmem:s6], [sflag:$0x3], $0x8000, s10, s9, $0x38;
	[tilespmem:$0x10400] =	vst v63  }
0x1a9: {  	_ =	swait.ge [sflag:s3], $0x8000  }
0x1aa: {  	[sflag:s3] =	ssyncset.done $0x0  }
0x1ab: {  	s0 =	rddreg [dreg:$0x16];
	[sflag:s3] =	ssyncadd.s32 $0xFFFF8000  }
0x1ac: {  	[tilespmem:s2], [sflag:$0x3] =	stream.linear.gather [hbm4b:s0+s2], $0x200, $0x38;
	[tilespmem:$0x10400] =	vst v63  }
0x1ad: {  	_ =	swait.ge [sflag:s3], $0x200  }
0x1ae: {  	[sflag:s3] =	ssyncset.done $0x0  }
0x1af: {  	[sflag:s3] =	ssyncadd.s32 $0xFFFFFE00  }
0x1b0: {  	[tilespmem:s6], [sflag:$0x1] =	stream.indirect.gather [hbm4b:s4+s5], $0x40, s2, s5, $0xb8;
	[tilespmem:$0x10400] =	vst v63  }
0x1b1: {  	_ =	swait.ge [sflag:s11], $0x8000  }
0x1b2: {  	[sflag:s11] =	ssyncset.done $0x0  }
0x1b3: {  	s0 =	rddreg [dreg:$0x17];
	[sflag:s11] =	ssyncadd.s32 $0xFFFF8000  }
0x1b4: {  	[hbm4b:s0+s9] =	stream.strided.scatter [tilespmem:s8], [sflag:$0x3], $0x8000, s10, s9, $0x38;
	[tilespmem:$0x10400] =	vst v63  }
0x1b5: {  	_ =	swait.ge [sflag:s3], $0x8000  }
0x1b6: {  	[sflag:s3] =	ssyncset.done $0x0  }
0x1b7: {  	[sflag:s3] =	ssyncadd.s32 $0xFFFF8000  }
0x1b8: {  	[tilespmem:s5], [sflag:$0x3] =	stream.linear.gather [hbm4b:s12+s2], $0x200, $0x38;
	[tilespmem:$0x10400] =	vst v63  }
0x1b9: {  	_ =	swait.ge [sflag:s3], $0x200  }
0x1ba: {  	[sflag:s3] =	ssyncset.done $0x0  }
0x1bb: {  	[sflag:s3] =	ssyncadd.s32 $0xFFFFFE00  }
0x1bc: {  	[tilespmem:s8], [sflag:$0x2] =	stream.indirect.gather [hbm4b:s4+s5], $0x40, s5, s5, $0xb8;
	[tilespmem:$0x10400] =	vst v63  }
0x1bd: {  	_ =	swait.ge [sflag:s7], $0x8000  }
0x1be: {  	[sflag:s7] =	ssyncset.done $0x0  }
0x1bf: {  	[sflag:s7] =	ssyncadd.s32 $0xFFFF8000  }
0x1c0: {  	[hbm4b:s13+s9] =	stream.strided.scatter [tilespmem:s6], [sflag:$0x3], $0x8000, s10, s9, $0x38;
	[tilespmem:$0x10400] =	vst v63  }
0x1c1: {  	_ =	swait.ge [sflag:s3], $0x8000  }
0x1c2: {  	[sflag:s3] =	ssyncset.done $0x0  }
0x1c3: {  	[sflag:s3] =	ssyncadd.s32 $0xFFFF8000  }
0x1c4: {  	[tilespmem:s2], [sflag:$0x3] =	stream.linear.gather [hbm4b:s14+s2], $0x200, $0x38;
	[tilespmem:$0x10400] =	vst v63  }
0x1c5: {  	_ =	swait.ge [sflag:s3], $0x200  }
0x1c6: {  	[sflag:s3] =	ssyncset.done $0x0  }
0x1c7: {  	[sflag:s3] =	ssyncadd.s32 $0xFFFFFE00  }
0x1c8: {  	[tilespmem:s6], [sflag:$0x1] =	stream.indirect.gather [hbm4b:s4+s5], $0x40, s2, s5, $0xb8;
	[tilespmem:$0x10400] =	vst v63  }
0x1c9: {  	_ =	swait.ge [sflag:s11], $0x8000  }
0x1ca: {  	[sflag:s11] =	ssyncset.done $0x0  }
0x1cb: {  	[sflag:s11] =	ssyncadd.s32 $0xFFFF8000  }
0x1cc: {  	[hbm4b:s15+s9] =	stream.strided.scatter [tilespmem:s8], [sflag:$0x3], $0x8000, s10, s9, $0x38;
	[tilespmem:$0x10400] =	vst v63  }
0x1cd: {  	_ =	swait.ge [sflag:s3], $0x8000  }
0x1ce: {  	[sflag:s3] =	ssyncset.done $0x0  }
0x1cf: {  	[sflag:s3] =	ssyncadd.s32 $0xFFFF8000  }
0x1d0: {  	[tilespmem:s5], [sflag:$0x3] =	stream.linear.gather [hbm4b:s16+s2], $0x200, $0x38;
	[tilespmem:$0x10400] =	vst v63  }
0x1d1: {  	_ =	swait.ge [sflag:s3], $0x200  }
0x1d2: {  	[sflag:s3] =	ssyncset.done $0x0  }
0x1d3: {  	[sflag:s3] =	ssyncadd.s32 $0xFFFFFE00  }
0x1d4: {  	[tilespmem:s8], [sflag:$0x2] =	stream.indirect.gather [hbm4b:s4+s5], $0x40, s5, s5, $0xb8;
	[tilespmem:$0x10400] =	vst v63  }
0x1d5: {  	_ =	swait.ge [sflag:s7], $0x8000  }
0x1d6: {  	[sflag:s7] =	ssyncset.done $0x0  }
0x1d7: {  	[sflag:s7] =	ssyncadd.s32 $0xFFFF8000  }
0x1d8: {  	[hbm4b:s17+s9] =	stream.strided.scatter [tilespmem:s6], [sflag:$0x3], $0x8000, s10, s9, $0x38;
	[tilespmem:$0x10400] =	vst v63  }
0x1d9: {  	_ =	swait.ge [sflag:s3], $0x8000  }
0x1da: {  	[sflag:s3] =	ssyncset.done $0x0  }
0x1db: {  	[sflag:s3] =	ssyncadd.s32 $0xFFFF8000  }
0x1dc: {  	[tilespmem:s2], [sflag:$0x3] =	stream.linear.gather [hbm4b:s18+s2], $0x200, $0x38;
	[tilespmem:$0x10400] =	vst v63  }
0x1dd: {  	_ =	swait.ge [sflag:s3], $0x200  }
0x1de: {  	[sflag:s3] =	ssyncset.done $0x0  }
0x1df: {  	[sflag:s3] =	ssyncadd.s32 $0xFFFFFE00  }
0x1e0: {  	[tilespmem:s6], [sflag:$0x1] =	stream.indirect.gather [hbm4b:s4+s5], $0x40, s2, s5, $0xb8;
	[tilespmem:$0x10400] =	vst v63  }
0x1e1: {  	_ =	swait.ge [sflag:s11], $0x8000  }
0x1e2: {  	[sflag:s11] =	ssyncset.done $0x0  }
0x1e3: {  	[sflag:s11] =	ssyncadd.s32 $0xFFFF8000  }
0x1e4: {  	[hbm4b:s19+s9] =	stream.strided.scatter [tilespmem:s8], [sflag:$0x3], $0x8000, s10, s9, $0x38;
	[tilespmem:$0x10400] =	vst v63  }
0x1e5: {  	_ =	swait.ge [sflag:s3], $0x8000  }
0x1e6: {  	[sflag:s3] =	ssyncset.done $0x0  }
0x1e7: {  	[sflag:s3] =	ssyncadd.s32 $0xFFFF8000  }
0x1e8: {  	[tilespmem:s5], [sflag:$0x3] =	stream.linear.gather [hbm4b:s20+s2], $0x200, $0x38;
	[tilespmem:$0x10400] =	vst v63  }
0x1e9: {  	_ =	swait.ge [sflag:s3], $0x200  }
0x1ea: {  	[sflag:s3] =	ssyncset.done $0x0  }
0x1eb: {  	[sflag:s3] =	ssyncadd.s32 $0xFFFFFE00  }
0x1ec: {  	[tilespmem:s8], [sflag:$0x2] =	stream.indirect.gather [hbm4b:s4+s5], $0x40, s5, s5, $0xb8;
	[tilespmem:$0x10400] =	vst v63  }
0x1ed: {  	_ =	swait.ge [sflag:s7], $0x8000  }
0x1ee: {  	[sflag:s7] =	ssyncset.done $0x0  }
0x1ef: {  	[sflag:s7] =	ssyncadd.s32 $0xFFFF8000  }
0x1f0: {  	[hbm4b:s21+s9] =	stream.strided.scatter [tilespmem:s6], [sflag:$0x3], $0x8000, s10, s9, $0x38;
	[tilespmem:$0x10400] =	vst v63  }
0x1f1: {  	_ =	swait.ge [sflag:s3], $0x8000  }
0x1f2: {  	[sflag:s3] =	ssyncset.done $0x0  }
0x1f3: {  	[sflag:s3] =	ssyncadd.s32 $0xFFFF8000  }
0x1f4: {  	[tilespmem:s2], [sflag:$0x3] =	stream.linear.gather [hbm4b:s22+s2], $0x200, $0x38;
	[tilespmem:$0x10400] =	vst v63  }
0x1f5: {  	_ =	swait.ge [sflag:s3], $0x200  }
0x1f6: {  	[sflag:s3] =	ssyncset.done $0x0  }
0x1f7: {  	[sflag:s3] =	ssyncadd.s32 $0xFFFFFE00  }
0x1f8: {  	[tilespmem:s6], [sflag:$0x1] =	stream.indirect.gather [hbm4b:s4+s5], $0x40, s2, s5, $0xb8;
	[tilespmem:$0x10400] =	vst v63  }
0x1f9: {  	_ =	swait.ge [sflag:s11], $0x8000  }
0x1fa: {  	[sflag:s11] =	ssyncset.done $0x0  }
0x1fb: {  	[sflag:s11] =	ssyncadd.s32 $0xFFFF8000  }
0x1fc: {  	[hbm4b:s23+s9] =	stream.strided.scatter [tilespmem:s8], [sflag:$0x3], $0x8000, s10, s9, $0x38;
	[tilespmem:$0x10400] =	vst v63  }
0x1fd: {  	_ =	swait.ge [sflag:s3], $0x8000  }
0x1fe: {  	[sflag:s3] =	ssyncset.done $0x0  }
0x1ff: {  	[sflag:s3] =	ssyncadd.s32 $0xFFFF8000  }
0x200: {  	[tilespmem:s5], [sflag:$0x3] =	stream.linear.gather [hbm4b:s24+s2], $0x200, $0x38;
	[tilespmem:$0x10400] =	vst v63  }
0x201: {  	_ =	swait.ge [sflag:s3], $0x200  }
0x202: {  	[sflag:s3] =	ssyncset.done $0x0  }
0x203: {  	[sflag:s3] =	ssyncadd.s32 $0xFFFFFE00  }
0x204: {  	[tilespmem:s8], [sflag:$0x2] =	stream.indirect.gather [hbm4b:s4+s5], $0x40, s5, s5, $0xb8;
	[tilespmem:$0x10400] =	vst v63  }
0x205: {  	_ =	swait.ge [sflag:s7], $0x8000  }
0x206: {  	[sflag:s7] =	ssyncset.done $0x0  }
0x207: {  	[sflag:s7] =	ssyncadd.s32 $0xFFFF8000  }
0x208: {  	[hbm4b:s25+s9] =	stream.strided.scatter [tilespmem:s6], [sflag:$0x3], $0x8000, s10, s9, $0x38;
	[tilespmem:$0x10400] =	vst v63  }
0x209: {  	_ =	swait.ge [sflag:s3], $0x8000  }
0x20a: {  	[sflag:s3] =	ssyncset.done $0x0  }
0x20b: {  	[sflag:s3] =	ssyncadd.s32 $0xFFFF8000  }
0x20c: {  	[tilespmem:s2], [sflag:$0x3] =	stream.linear.gather [hbm4b:s28+s2], $0x200, $0x38;
	[tilespmem:$0x10400] =	vst v63  }
0x20d: {  	_ =	swait.ge [sflag:s3], $0x200  }
0x20e: {  	[sflag:s3] =	ssyncset.done $0x0  }
0x20f: {  	[sflag:s3] =	ssyncadd.s32 $0xFFFFFE00  }
0x210: {  	[tilespmem:s6], [sflag:$0x1] =	stream.indirect.gather [hbm4b:s4+s5], $0x40, s2, s5, $0xb8;
	[tilespmem:$0x10400] =	vst v63  }
0x211: {  	_ =	swait.ge [sflag:s11], $0x8000  }
0x212: {  	[sflag:s11] =	ssyncset.done $0x0  }
0x213: {  	[sflag:s11] =	ssyncadd.s32 $0xFFFF8000  }
0x214: {  	[hbm4b:s30+s9] =	stream.strided.scatter [tilespmem:s8], [sflag:$0x3], $0x8000, s10, s9, $0x38;
	[tilespmem:$0x10400] =	vst v63  }
0x215: {  	_ =	swait.ge [sflag:s3], $0x8000  }
0x216: {  	[sflag:s3] =	ssyncset.done $0x0  }
0x217: {  	[sflag:s3] =	ssyncadd.s32 $0xFFFF8000  }
0x218: {  	[tilespmem:s5], [sflag:$0x3] =	stream.linear.gather [hbm4b:s31+s2], $0x200, $0x38;
	[tilespmem:$0x10400] =	vst v63  }
0x219: {  	_ =	swait.ge [sflag:s3], $0x200  }
0x21a: {  	[sflag:s3] =	ssyncset.done $0x0  }
0x21b: {  	[sflag:s3] =	ssyncadd.s32 $0xFFFFFE00  }
0x21c: {  	[tilespmem:s8], [sflag:$0x2] =	stream.indirect.gather [hbm4b:s4+s5], $0x40, s5, s5, $0xb8;
	[tilespmem:$0x10400] =	vst v63  }
0x21d: {  	_ =	swait.ge [sflag:s7], $0x8000  }
0x21e: {  	[sflag:s7] =	ssyncset.done $0x0  }
0x21f: {  	[sflag:s7] =	ssyncadd.s32 $0xFFFF8000  }
0x220: {  	[hbm4b:s1+s9] =	stream.strided.scatter [tilespmem:s6], [sflag:$0x3], $0x8000, s10, s9, $0x38;
	[tilespmem:$0x10400] =	vst v63  }
0x221: {  	_ =	swait.ge [sflag:s3], $0x8000  }
0x222: {  	[sflag:s3] =	ssyncset.done $0x0  }
0x223: {  	p0 =	sne.s32 s29, $0x1;
	[sflag:s3] =	ssyncadd.s32 $0xFFFF8000  }
.Ltmp1:
0x224: {  	_ =	swait.ge [sflag:s11], $0x8000;
	(pc) =	sbr.rel @p0 .LBB2_1-.Ltmp1, $4  }
0x225: {  	[sflag:s11] =	ssyncset.done $0x0  }
0x226: {  	[sflag:s11] =	ssyncadd.s32 $0xFFFF8000  }
0x227: {  	[hbm4b:s26+s9] =	stream.strided.scatter [tilespmem:s8], [sflag:$0x3], $0x8000, s10, s9, $0x38;
	[tilespmem:$0x10400] =	vst v63  }
0x228: {  	s29 =	sadd.s32 $0xFFFFFFFF, s29;
	_ =	swait.ge [sflag:s3], $0x8000  }
.LBB2_2:
0x229: {  	[sflag:s3] =	ssyncset.done $0x0  }
0x22a: {  	[sflag:s3] =	ssyncadd.s32 $0xFFFF8000  }
0x22b: {  	_ =	sfence.sel $0x180000  }
0x22c: {  	[bflag:$0x0] =	sbarrier.arrive $0xFFFF  }
0x22d: {  	_ =	strace $0x90000047  }
0x22e: {  	s0 =	stileid.u32;
	[bflag:$0x2] =	sbarrier.arrive $0xFFFF  }
0x22f: {  	p0 =	sne.s32 s0, $0x0;
	s0 =	rddreg [dreg:$0x2]  }
0x230: {  	s0 =	sadd.s32 @!p0 $0x100000, s0  }
0x231: {  	[sflag:s0] =	ssyncadd.tile.s32 @!p0 $0x1;
	_ =	shalt  }
.Lfunc_end2:
_tile_overlayer_lowered:
.L_overlay_start_2:
0x232: {  	(tag) =	ssettag $0x2  }
0x233: {  	s0 =	rddreg [dreg:$0x0];
	s2 =	stileid.u32  }
0x234: {  	s1 =	rddreg [dreg:$0x1];
	p0 =	sne.s32 s2, $0x0  }
0x235: {  	s3 =	rddreg [dreg:$0x2];
	[bflag:$0x3] =	sbarrier.arrive $0xFFFF;
	s2 =	simm.s32 @!p0 $0x1C03  }
0x236: {  	[timem:s3], [sflag:s2] =	dma.local @!p0 [hbm:s0], s1  }
0x237: {  	s0 =	simm.s32 @!p0 $0x3  }
0x238: {  	_ =	swait.ge @!p0 [sflag:s0], s1  }
0x239: {  	s1 =	ssub.s32 @!p0 $0x0, s1;
	[sflag:s0] =	ssyncset.done @!p0 $0x0  }
0x23a: {  	[sflag:s0] =	ssyncadd.s32 @!p0 s1  }
0x23b: {  	[bflag:$0x3] =	sbarrier.arrive $0xFFFF  }
0x23c: {  	_ =	shalt  }

</sc_bundles>
